<compile_context>
chip_gen: v7x
topology: tpu7x:2x2x1
jax: 0.10.2.dev20260603
libtpu: 0.0.44.dev20260713+nightly
codegen_flags: <defaults>
</compile_context>

<pallas_src>
import jax
import jax.numpy as jnp
from jax import lax
from jax.experimental import pallas as pl
from jax.experimental.pallas import tpu as pltpu
from jax.experimental.pallas import tpu_sc as plsc

B = 4096
F_SP = 26
F_DN = 13
V = 100000
D = 32
N = B * F_SP

NW = 32
ROWS_PER_W = N // NW


BROWS = B // NW
DP = 896
WP = 32


def _sc_gather_body(deep_hbm, wide_hbm, gidx_hbm, smap_hbm, deep_out,
                    wide_out, idx_v, rows_v, wrow_v, wcomp, smap_v,
                    sem, sem2, wsem):
    wid = lax.axis_index("s") * 2 + lax.axis_index("c")
    base = wid * ROWS_PER_W
    rbase = wid * BROWS
    pltpu.sync_copy(gidx_hbm.at[pl.ds(base, ROWS_PER_W)], idx_v)
    cps = []
    for f in range(F_SP):
        cps.append(pltpu.async_copy(
            deep_hbm.at[idx_v.at[pl.ds(f * BROWS, BROWS)]],
            rows_v.at[f], sem))
    cp_w = pltpu.async_copy(wide_hbm.at[idx_v], wrow_v, wsem)
    pltpu.sync_copy(smap_hbm, smap_v)
    cp_w.wait()

    def compact_body(j, carry):
        v = wrow_v[pl.ds(j * 16, 16)]
        s = smap_v[pl.ds(j * 16, 16)]
        plsc.store_scatter(wcomp, [s], v)
        return carry

    lax.fori_loop(0, ROWS_PER_W // 16, compact_body, 0)
    pltpu.sync_copy(wcomp, wide_out.at[pl.ds(rbase * WP, BROWS * WP)])
    wb = []
    for f in range(F_SP):
        cps[f].wait()
        wb.append(pltpu.async_copy(
            rows_v.at[f],
            deep_out.at[pl.ds(rbase, BROWS), pl.ds(f * D, D)], sem2))
    for f in range(F_SP):
        wb[f].wait()


def _make_sc_gather():
    mesh = plsc.VectorSubcoreMesh(core_axis_name="c", subcore_axis_name="s")
    return pl.kernel(
        _sc_gather_body,
        mesh=mesh,
        out_type=[
            jax.ShapeDtypeStruct((B, DP), jnp.float32),
            jax.ShapeDtypeStruct((B * WP,), jnp.float32),
        ],
        scratch_types=[
            pltpu.VMEM((ROWS_PER_W,), jnp.int32),
            pltpu.VMEM((F_SP, BROWS, D), jnp.float32),
            pltpu.VMEM((ROWS_PER_W,), jnp.float32),
            pltpu.VMEM((BROWS * WP,), jnp.float32),
            pltpu.VMEM((ROWS_PER_W,), jnp.int32),
            pltpu.SemaphoreType.DMA,
            pltpu.SemaphoreType.DMA,
            pltpu.SemaphoreType.DMA,
        ],
        compiler_params=pltpu.CompilerParams(use_tc_tiling_on_sc=False,
                                             needs_layout_passes=False),
    )


BT = 1024


def _mlp_body(demb, dense, wemb, w1a, w1b, b1, w2, b2, w3, b3, w4, b4,
              wwa, wwb, bw, h1o, h2o, h3o, dlo, wlo, flo):
    x = dense[...]
    d2 = demb[...][:, :F_SP * D]
    acc = jnp.dot(d2, w1a[...], preferred_element_type=jnp.float32)
    acc += jnp.dot(x, w1b[...], preferred_element_type=jnp.float32)
    h1 = jnp.maximum(acc + b1[...], 0.0)
    h1o[...] = h1
    h2 = jnp.maximum(
        jnp.dot(h1, w2[...], preferred_element_type=jnp.float32) + b2[...], 0.0)
    h2o[...] = h2
    h3 = jnp.maximum(
        jnp.dot(h2, w3[...], preferred_element_type=jnp.float32) + b3[...], 0.0)
    h3o[...] = h3
    dl = jnp.dot(h3, w4[...], preferred_element_type=jnp.float32) + b4[...]
    dlo[...] = dl
    wl = (jnp.dot(wemb[...][:, :F_SP], wwa[...],
                  preferred_element_type=jnp.float32)
          + jnp.dot(x, wwb[...], preferred_element_type=jnp.float32) + bw[...])
    wlo[...] = wl
    flo[...] = dl + wl


def _make_mlp():
    grid = (B // BT,)

    def tile(i):
        return (i, 0)

    def fixed(i):
        return (0, 0)

    in_specs = [
        pl.BlockSpec((BT, DP), tile),
        pl.BlockSpec((BT, F_DN), tile),
        pl.BlockSpec((BT, WP), tile),
        pl.BlockSpec((F_SP * D, 1024), fixed),
        pl.BlockSpec((F_DN, 1024), fixed),
        pl.BlockSpec((1, 1024), fixed),
        pl.BlockSpec((1024, 512), fixed),
        pl.BlockSpec((1, 512), fixed),
        pl.BlockSpec((512, 256), fixed),
        pl.BlockSpec((1, 256), fixed),
        pl.BlockSpec((256, 1), fixed),
        pl.BlockSpec((1, 1), fixed),
        pl.BlockSpec((F_SP, 1), fixed),
        pl.BlockSpec((F_DN, 1), fixed),
        pl.BlockSpec((1, 1), fixed),
    ]
    out_specs = [
        pl.BlockSpec((BT, 1024), tile),
        pl.BlockSpec((BT, 512), tile),
        pl.BlockSpec((BT, 256), tile),
        pl.BlockSpec((BT, 1), tile),
        pl.BlockSpec((BT, 1), tile),
        pl.BlockSpec((BT, 1), tile),
    ]
    out_shape = [
        jax.ShapeDtypeStruct((B, 1024), jnp.float32),
        jax.ShapeDtypeStruct((B, 512), jnp.float32),
        jax.ShapeDtypeStruct((B, 256), jnp.float32),
        jax.ShapeDtypeStruct((B, 1), jnp.float32),
        jax.ShapeDtypeStruct((B, 1), jnp.float32),
        jax.ShapeDtypeStruct((B, 1), jnp.float32),
    ]
    return pl.pallas_call(
        _mlp_body,
        grid=grid,
        in_specs=in_specs,
        out_specs=out_specs,
        out_shape=out_shape,
    )


def kernel(sparse_idx, dense_feats, deep_tables, wide_tables,
           W1, b1, W2, b2, W3, b3, W4, b4, Ww, bw):
    gidx = (sparse_idx.reshape(NW, BROWS, F_SP).transpose(0, 2, 1)
            + (jnp.arange(F_SP, dtype=jnp.int32) * V)[None, :, None]
            ).reshape(N)
    deep_flat = deep_tables.reshape(F_SP * V, D)
    wide_flat = wide_tables.reshape(F_SP * V)
    p = jnp.arange(ROWS_PER_W, dtype=jnp.int32)
    smap = (p % BROWS) * WP + (p // BROWS)

    deep_g, wide_g = _make_sc_gather()(deep_flat, wide_flat, gidx, smap)
    wide_emb = wide_g.reshape(B, WP)

    h1, h2, h3, dl, wl, fl = _make_mlp()(
        deep_g, dense_feats, wide_emb,
        W1[:F_SP * D], W1[F_SP * D:], b1.reshape(1, -1),
        W2, b2.reshape(1, -1), W3, b3.reshape(1, -1),
        W4, b4.reshape(1, -1), Ww[:F_SP], Ww[F_SP:], bw.reshape(1, -1))
    return (h1, h2, h3, dl, wl, fl)

# --- scband reference (transcript-rebuilt; emitter-appended) ---
"""Pipeline reference for scband-wdl-23398981828768 (READ-ONLY COPY).

The authoritative reference and input builder live on the scoring server;
editing this copy changes nothing except your own understanding.
"""

import jax, jax.numpy as jnp
import numpy as np

B = 4096
F_SP = 26
F_DN = 13
V = 100000
D = 32
HIDDEN = [1024, 512, 256]
OUT = 1


def setup_inputs(seed: int = 0) -> dict:
    key = jax.random.key(seed)
    ks = jax.random.split(key, 20)
    sparse_idx = jax.random.randint(ks[0], (B, F_SP), 0, V, dtype=jnp.int32)
    dense_feats = jax.random.normal(ks[1], (B, F_DN), dtype=jnp.float32)
    # embedding tables: one per sparse field, stacked for vectorized lookup
    deep_tables = jax.random.normal(ks[2], (F_SP, V, D), dtype=jnp.float32) * 0.01
    wide_tables = jax.random.normal(ks[3], (F_SP, V, 1), dtype=jnp.float32) * 0.01
    d_in = F_SP * D + F_DN  # 845
    W1 = jax.random.normal(ks[4], (d_in, HIDDEN[0]), dtype=jnp.float32) * (1.0 / np.sqrt(d_in))
    b1 = jnp.zeros((HIDDEN[0],), dtype=jnp.float32)
    W2 = jax.random.normal(ks[5], (HIDDEN[0], HIDDEN[1]), dtype=jnp.float32) * (1.0 / np.sqrt(HIDDEN[0]))
    b2 = jnp.zeros((HIDDEN[1],), dtype=jnp.float32)
    W3 = jax.random.normal(ks[6], (HIDDEN[1], HIDDEN[2]), dtype=jnp.float32) * (1.0 / np.sqrt(HIDDEN[1]))
    b3 = jnp.zeros((HIDDEN[2],), dtype=jnp.float32)
    W4 = jax.random.normal(ks[7], (HIDDEN[2], OUT), dtype=jnp.float32) * (1.0 / np.sqrt(HIDDEN[2]))
    b4 = jnp.zeros((OUT,), dtype=jnp.float32)
    d_wide = F_SP * 1 + F_DN  # 39
    Ww = jax.random.normal(ks[8], (d_wide, OUT), dtype=jnp.float32) * (1.0 / np.sqrt(d_wide))
    bw = jnp.zeros((OUT,), dtype=jnp.float32)
    return {
        'sparse_idx': sparse_idx, 'dense_feats': dense_feats,
        'deep_tables': deep_tables, 'wide_tables': wide_tables,
        'W1': W1, 'b1': b1, 'W2': W2, 'b2': b2, 'W3': W3, 'b3': b3,
        'W4': W4, 'b4': b4, 'Ww': Ww, 'bw': bw,
    }


def reference(sparse_idx, dense_feats, deep_tables, wide_tables,
              W1, b1, W2, b2, W3, b3, W4, b4, Ww, bw):
    field = jnp.arange(F_SP)[None, :]  # [1, F_SP]
    # deep embedding lookup: per-field gather -> [B, F_SP, D]
    deep_emb = deep_tables[field, sparse_idx]
    deep_in = jnp.concatenate([deep_emb.reshape(deep_emb.shape[0], -1), dense_feats], axis=-1)
    h1 = jax.nn.relu(deep_in @ W1 + b1)
    h2 = jax.nn.relu(h1 @ W2 + b2)
    h3 = jax.nn.relu(h2 @ W3 + b3)
    deep_logit = h3 @ W4 + b4
    # wide embedding lookup (output_dim=1 per field) -> [B, F_SP]
    wide_emb = wide_tables[field, sparse_idx][..., 0]
    wide_in = jnp.concatenate([wide_emb, dense_feats], axis=-1)
    wide_logit = wide_in @ Ww + bw
    final_logit = wide_logit + deep_logit
    # activations_by_layer = deep layers + [wide_logit, final_logit]
    return (h1, h2, h3, deep_logit, wide_logit, final_logit)

if __name__ == "__main__":
    import jax
    _d = setup_inputs()
    print(jax.jit(kernel)(*tuple(_d.values())))

</pallas_src>

<mosaic_0001>
#map = affine_map<(d0, d1) -> (0, 0)>
#map1 = affine_map<(d0, d1) -> (0)>
module attributes {stable_mosaic.version = 14 : i64} {
  func.func @_sc_gather_body(%arg0: i32, %arg1: i32, %arg2: memref<2600000x32xf32, #tpu.memory_space<hbm>>, %arg3: memref<2600000xf32, #tpu.memory_space<hbm>>, %arg4: memref<106496xi32, #tpu.memory_space<hbm>>, %arg5: memref<3328xi32, #tpu.memory_space<hbm>>, %arg6: memref<4096x896xf32, #tpu.memory_space<hbm>>, %arg7: memref<131072xf32, #tpu.memory_space<hbm>>, %arg8: memref<3328xi32, #tpu.memory_space<vmem>>, %arg9: memref<26x128x32xf32, #tpu.memory_space<vmem>>, %arg10: memref<3328xf32, #tpu.memory_space<vmem>>, %arg11: memref<4096xf32, #tpu.memory_space<vmem>>, %arg12: memref<3328xi32, #tpu.memory_space<vmem>>, %arg13: memref<!tpu.dma_semaphore, #tpu.memory_space<semaphore_mem>>, %arg14: memref<!tpu.dma_semaphore, #tpu.memory_space<semaphore_mem>>, %arg15: memref<!tpu.dma_semaphore, #tpu.memory_space<semaphore_mem>>) attributes {dimension_semantics = [#tpu.dimension_semantics<core_parallel>, #tpu.dimension_semantics<subcore_parallel>], iteration_bounds = array<i64: 2, 16>, scalar_prefetch = 0 : i64, scratch_operands = 8 : i64, tpu.core_type = #tpu.core_type<sc_vector_subcore>, window_params = [{transform_indices = #map}, {transform_indices = #map1}, {transform_indices = #map1}, {transform_indices = #map1}, {transform_indices = #map}, {transform_indices = #map1}]} {
    %mul3A = arith.constant 2 : i32
    %mul3A_0 = arith.muli %arg1, %mul3A : i32
    %add3A = arith.addi %mul3A_0, %arg0 : i32
    %mul3A_1 = arith.constant 3328 : i32
    %mul3A_2 = arith.muli %add3A, %mul3A_1 : i32
    %mul3A_3 = arith.constant 128 : i32
    %mul3A_4 = arith.muli %add3A, %mul3A_3 : i32
    "tpu.region"() ({
      %run_scoped3A = tpu.sem_alloc : memref<!tpu.dma_semaphore, #tpu.memory_space<semaphore_mem>>
      %dma_start3A_1210 = tpu.memref_slice %arg4[%mul3A_2] : memref<106496xi32, #tpu.memory_space<hbm>> -> memref<3328xi32, #tpu.memory_space<hbm>>
      %dma_start3A_1211 = tpu.memref_slice %arg4[%mul3A_2] : memref<106496xi32, #tpu.memory_space<hbm>> -> memref<3328xi32, #tpu.memory_space<hbm>>
      tpu.enqueue_dma source(%dma_start3A_1211 : memref<3328xi32, #tpu.memory_space<hbm>>) target(%arg8 : memref<3328xi32, #tpu.memory_space<vmem>>) target_semaphore(%run_scoped3A : memref<!tpu.dma_semaphore, #tpu.memory_space<semaphore_mem>>)
      %dma_wait3A_1212 = tpu.memref_slice %arg4[%mul3A_2] : memref<106496xi32, #tpu.memory_space<hbm>> -> memref<3328xi32, #tpu.memory_space<hbm>>
      %dma_wait3A_1213 = tpu.memref_slice %arg4[%mul3A_2] : memref<106496xi32, #tpu.memory_space<hbm>> -> memref<3328xi32, #tpu.memory_space<hbm>>
      tpu.wait_dma2 semaphore(%run_scoped3A : memref<!tpu.dma_semaphore, #tpu.memory_space<semaphore_mem>>) src(%dma_wait3A_1213 : memref<3328xi32, #tpu.memory_space<hbm>>) dst(%arg8 : memref<3328xi32, #tpu.memory_space<vmem>>)
      tpu.yield
    }) : () -> ()
    %dma_start3A = arith.constant 0 : i32
    %dma_start3A_5 = arith.constant 0 : i32
    %dma_start3A_6 = arith.constant 0 : i32
    %dma_start3A_7 = tpu.memref_slice %arg9[%dma_start3A, %dma_start3A_5, %dma_start3A_6] : memref<26x128x32xf32, #tpu.memory_space<vmem>> -> memref<1x128x32xf32, #tpu.memory_space<vmem>>
    %dma_start3A_8 = tpu.memref_squeeze %dma_start3A_7 : memref<1x128x32xf32, #tpu.memory_space<vmem>> -> memref<128x32xf32, #tpu.memory_space<vmem>>
    %dma_start3A_9 = arith.constant 0 : i32
    %dma_start3A_10 = tpu.memref_slice %arg8[%dma_start3A_9] : memref<3328xi32, #tpu.memory_space<vmem>> -> memref<128xi32, #tpu.memory_space<vmem>>
    %dma_start3A_11 = arith.constant 0 : i32
    %dma_start3A_12 = arith.constant 0 : i32
    %dma_start3A_13 = tpu.memref_slice %arg2[%dma_start3A_11, %dma_start3A_12] : memref<2600000x32xf32, #tpu.memory_space<hbm>> -> memref<2600000x32xf32, #tpu.memory_space<hbm>>
    tpu.enqueue_indirect_dma source(%dma_start3A_13 : memref<2600000x32xf32, #tpu.memory_space<hbm>>) target(%dma_start3A_8 : memref<128x32xf32, #tpu.memory_space<vmem>>) offsets(%dma_start3A_10 : memref<128xi32, #tpu.memory_space<vmem>>) semaphore(%arg13 : memref<!tpu.dma_semaphore, #tpu.memory_space<semaphore_mem>>)
    %dma_start3A_14 = arith.constant 1 : i32
    %dma_start3A_15 = arith.constant 0 : i32
    %dma_start3A_16 = arith.constant 0 : i32
    %dma_start3A_17 = tpu.memref_slice %arg9[%dma_start3A_14, %dma_start3A_15, %dma_start3A_16] : memref<26x128x32xf32, #tpu.memory_space<vmem>> -> memref<1x128x32xf32, #tpu.memory_space<vmem>>
    %dma_start3A_18 = tpu.memref_squeeze %dma_start3A_17 : memref<1x128x32xf32, #tpu.memory_space<vmem>> -> memref<128x32xf32, #tpu.memory_space<vmem>>
    %dma_start3A_19 = arith.constant 128 : i32
    %dma_start3A_20 = tpu.memref_slice %arg8[%dma_start3A_19] : memref<3328xi32, #tpu.memory_space<vmem>> -> memref<128xi32, #tpu.memory_space<vmem>>
    %dma_start3A_21 = arith.constant 0 : i32
    %dma_start3A_22 = arith.constant 0 : i32
    %dma_start3A_23 = tpu.memref_slice %arg2[%dma_start3A_21, %dma_start3A_22] : memref<2600000x32xf32, #tpu.memory_space<hbm>> -> memref<2600000x32xf32, #tpu.memory_space<hbm>>
    tpu.enqueue_indirect_dma source(%dma_start3A_23 : memref<2600000x32xf32, #tpu.memory_space<hbm>>) target(%dma_start3A_18 : memref<128x32xf32, #tpu.memory_space<vmem>>) offsets(%dma_start3A_20 : memref<128xi32, #tpu.memory_space<vmem>>) semaphore(%arg13 : memref<!tpu.dma_semaphore, #tpu.memory_space<semaphore_mem>>)
    %dma_start3A_24 = arith.constant 2 : i32
    %dma_start3A_25 = arith.constant 0 : i32
    %dma_start3A_26 = arith.constant 0 : i32
    %dma_start3A_27 = tpu.memref_slice %arg9[%dma_start3A_24, %dma_start3A_25, %dma_start3A_26] : memref<26x128x32xf32, #tpu.memory_space<vmem>> -> memref<1x128x32xf32, #tpu.memory_space<vmem>>
    %dma_start3A_28 = tpu.memref_squeeze %dma_start3A_27 : memref<1x128x32xf32, #tpu.memory_space<vmem>> -> memref<128x32xf32, #tpu.memory_space<vmem>>
    %dma_start3A_29 = arith.constant 256 : i32
    %dma_start3A_30 = tpu.memref_slice %arg8[%dma_start3A_29] : memref<3328xi32, #tpu.memory_space<vmem>> -> memref<128xi32, #tpu.memory_space<vmem>>
    %dma_start3A_31 = arith.constant 0 : i32
    %dma_start3A_32 = arith.constant 0 : i32
    %dma_start3A_33 = tpu.memref_slice %arg2[%dma_start3A_31, %dma_start3A_32] : memref<2600000x32xf32, #tpu.memory_space<hbm>> -> memref<2600000x32xf32, #tpu.memory_space<hbm>>
    tpu.enqueue_indirect_dma source(%dma_start3A_33 : memref<2600000x32xf32, #tpu.memory_space<hbm>>) target(%dma_start3A_28 : memref<128x32xf32, #tpu.memory_space<vmem>>) offsets(%dma_start3A_30 : memref<128xi32, #tpu.memory_space<vmem>>) semaphore(%arg13 : memref<!tpu.dma_semaphore, #tpu.memory_space<semaphore_mem>>)
    %dma_start3A_34 = arith.constant 3 : i32
    %dma_start3A_35 = arith.constant 0 : i32
    %dma_start3A_36 = arith.constant 0 : i32
    %dma_start3A_37 = tpu.memref_slice %arg9[%dma_start3A_34, %dma_start3A_35, %dma_start3A_36] : memref<26x128x32xf32, #tpu.memory_space<vmem>> -> memref<1x128x32xf32, #tpu.memory_space<vmem>>
    %dma_start3A_38 = tpu.memref_squeeze %dma_start3A_37 : memref<1x128x32xf32, #tpu.memory_space<vmem>> -> memref<128x32xf32, #tpu.memory_space<vmem>>
    %dma_start3A_39 = arith.constant 384 : i32
    %dma_start3A_40 = tpu.memref_slice %arg8[%dma_start3A_39] : memref<3328xi32, #tpu.memory_space<vmem>> -> memref<128xi32, #tpu.memory_space<vmem>>
    %dma_start3A_41 = arith.constant 0 : i32
    %dma_start3A_42 = arith.constant 0 : i32
    %dma_start3A_43 = tpu.memref_slice %arg2[%dma_start3A_41, %dma_start3A_42] : memref<2600000x32xf32, #tpu.memory_space<hbm>> -> memref<2600000x32xf32, #tpu.memory_space<hbm>>
    tpu.enqueue_indirect_dma source(%dma_start3A_43 : memref<2600000x32xf32, #tpu.memory_space<hbm>>) target(%dma_start3A_38 : memref<128x32xf32, #tpu.memory_space<vmem>>) offsets(%dma_start3A_40 : memref<128xi32, #tpu.memory_space<vmem>>) semaphore(%arg13 : memref<!tpu.dma_semaphore, #tpu.memory_space<semaphore_mem>>)
    %dma_start3A_44 = arith.constant 4 : i32
    %dma_start3A_45 = arith.constant 0 : i32
    %dma_start3A_46 = arith.constant 0 : i32
    %dma_start3A_47 = tpu.memref_slice %arg9[%dma_start3A_44, %dma_start3A_45, %dma_start3A_46] : memref<26x128x32xf32, #tpu.memory_space<vmem>> -> memref<1x128x32xf32, #tpu.memory_space<vmem>>
    %dma_start3A_48 = tpu.memref_squeeze %dma_start3A_47 : memref<1x128x32xf32, #tpu.memory_space<vmem>> -> memref<128x32xf32, #tpu.memory_space<vmem>>
    %dma_start3A_49 = arith.constant 512 : i32
    %dma_start3A_50 = tpu.memref_slice %arg8[%dma_start3A_49] : memref<3328xi32, #tpu.memory_space<vmem>> -> memref<128xi32, #tpu.memory_space<vmem>>
    %dma_start3A_51 = arith.constant 0 : i32
    %dma_start3A_52 = arith.constant 0 : i32
    %dma_start3A_53 = tpu.memref_slice %arg2[%dma_start3A_51, %dma_start3A_52] : memref<2600000x32xf32, #tpu.memory_space<hbm>> -> memref<2600000x32xf32, #tpu.memory_space<hbm>>
    tpu.enqueue_indirect_dma source(%dma_start3A_53 : memref<2600000x32xf32, #tpu.memory_space<hbm>>) target(%dma_start3A_48 : memref<128x32xf32, #tpu.memory_space<vmem>>) offsets(%dma_start3A_50 : memref<128xi32, #tpu.memory_space<vmem>>) semaphore(%arg13 : memref<!tpu.dma_semaphore, #tpu.memory_space<semaphore_mem>>)
    %dma_start3A_54 = arith.constant 5 : i32
    %dma_start3A_55 = arith.constant 0 : i32
    %dma_start3A_56 = arith.constant 0 : i32
    %dma_start3A_57 = tpu.memref_slice %arg9[%dma_start3A_54, %dma_start3A_55, %dma_start3A_56] : memref<26x128x32xf32, #tpu.memory_space<vmem>> -> memref<1x128x32xf32, #tpu.memory_space<vmem>>
    %dma_start3A_58 = tpu.memref_squeeze %dma_start3A_57 : memref<1x128x32xf32, #tpu.memory_space<vmem>> -> memref<128x32xf32, #tpu.memory_space<vmem>>
    %dma_start3A_59 = arith.constant 640 : i32
    %dma_start3A_60 = tpu.memref_slice %arg8[%dma_start3A_59] : memref<3328xi32, #tpu.memory_space<vmem>> -> memref<128xi32, #tpu.memory_space<vmem>>
    %dma_start3A_61 = arith.constant 0 : i32
    %dma_start3A_62 = arith.constant 0 : i32
    %dma_start3A_63 = tpu.memref_slice %arg2[%dma_start3A_61, %dma_start3A_62] : memref<2600000x32xf32, #tpu.memory_space<hbm>> -> memref<2600000x32xf32, #tpu.memory_space<hbm>>
    tpu.enqueue_indirect_dma source(%dma_start3A_63 : memref<2600000x32xf32, #tpu.memory_space<hbm>>) target(%dma_start3A_58 : memref<128x32xf32, #tpu.memory_space<vmem>>) offsets(%dma_start3A_60 : memref<128xi32, #tpu.memory_space<vmem>>) semaphore(%arg13 : memref<!tpu.dma_semaphore, #tpu.memory_space<semaphore_mem>>)
    %dma_start3A_64 = arith.constant 6 : i32
    %dma_start3A_65 = arith.constant 0 : i32
    %dma_start3A_66 = arith.constant 0 : i32
    %dma_start3A_67 = tpu.memref_slice %arg9[%dma_start3A_64, %dma_start3A_65, %dma_start3A_66] : memref<26x128x32xf32, #tpu.memory_space<vmem>> -> memref<1x128x32xf32, #tpu.memory_space<vmem>>
    %dma_start3A_68 = tpu.memref_squeeze %dma_start3A_67 : memref<1x128x32xf32, #tpu.memory_space<vmem>> -> memref<128x32xf32, #tpu.memory_space<vmem>>
    %dma_start3A_69 = arith.constant 768 : i32
    %dma_start3A_70 = tpu.memref_slice %arg8[%dma_start3A_69] : memref<3328xi32, #tpu.memory_space<vmem>> -> memref<128xi32, #tpu.memory_space<vmem>>
    %dma_start3A_71 = arith.constant 0 : i32
    %dma_start3A_72 = arith.constant 0 : i32
    %dma_start3A_73 = tpu.memref_slice %arg2[%dma_start3A_71, %dma_start3A_72] : memref<2600000x32xf32, #tpu.memory_space<hbm>> -> memref<2600000x32xf32, #tpu.memory_space<hbm>>
    tpu.enqueue_indirect_dma source(%dma_start3A_73 : memref<2600000x32xf32, #tpu.memory_space<hbm>>) target(%dma_start3A_68 : memref<128x32xf32, #tpu.memory_space<vmem>>) offsets(%dma_start3A_70 : memref<128xi32, #tpu.memory_space<vmem>>) semaphore(%arg13 : memref<!tpu.dma_semaphore, #tpu.memory_space<semaphore_mem>>)
    %dma_start3A_74 = arith.constant 7 : i32
    %dma_start3A_75 = arith.constant 0 : i32
    %dma_start3A_76 = arith.constant 0 : i32
    %dma_start3A_77 = tpu.memref_slice %arg9[%dma_start3A_74, %dma_start3A_75, %dma_start3A_76] : memref<26x128x32xf32, #tpu.memory_space<vmem>> -> memref<1x128x32xf32, #tpu.memory_space<vmem>>
    %dma_start3A_78 = tpu.memref_squeeze %dma_start3A_77 : memref<1x128x32xf32, #tpu.memory_space<vmem>> -> memref<128x32xf32, #tpu.memory_space<vmem>>
    %dma_start3A_79 = arith.constant 896 : i32
    %dma_start3A_80 = tpu.memref_slice %arg8[%dma_start3A_79] : memref<3328xi32, #tpu.memory_space<vmem>> -> memref<128xi32, #tpu.memory_space<vmem>>
    %dma_start3A_81 = arith.constant 0 : i32
    %dma_start3A_82 = arith.constant 0 : i32
    %dma_start3A_83 = tpu.memref_slice %arg2[%dma_start3A_81, %dma_start3A_82] : memref<2600000x32xf32, #tpu.memory_space<hbm>> -> memref<2600000x32xf32, #tpu.memory_space<hbm>>
    tpu.enqueue_indirect_dma source(%dma_start3A_83 : memref<2600000x32xf32, #tpu.memory_space<hbm>>) target(%dma_start3A_78 : memref<128x32xf32, #tpu.memory_space<vmem>>) offsets(%dma_start3A_80 : memref<128xi32, #tpu.memory_space<vmem>>) semaphore(%arg13 : memref<!tpu.dma_semaphore, #tpu.memory_space<semaphore_mem>>)
    %dma_start3A_84 = arith.constant 8 : i32
    %dma_start3A_85 = arith.constant 0 : i32
    %dma_start3A_86 = arith.constant 0 : i32
    %dma_start3A_87 = tpu.memref_slice %arg9[%dma_start3A_84, %dma_start3A_85, %dma_start3A_86] : memref<26x128x32xf32, #tpu.memory_space<vmem>> -> memref<1x128x32xf32, #tpu.memory_space<vmem>>
    %dma_start3A_88 = tpu.memref_squeeze %dma_start3A_87 : memref<1x128x32xf32, #tpu.memory_space<vmem>> -> memref<128x32xf32, #tpu.memory_space<vmem>>
    %dma_start3A_89 = arith.constant 1024 : i32
    %dma_start3A_90 = tpu.memref_slice %arg8[%dma_start3A_89] : memref<3328xi32, #tpu.memory_space<vmem>> -> memref<128xi32, #tpu.memory_space<vmem>>
    %dma_start3A_91 = arith.constant 0 : i32
    %dma_start3A_92 = arith.constant 0 : i32
    %dma_start3A_93 = tpu.memref_slice %arg2[%dma_start3A_91, %dma_start3A_92] : memref<2600000x32xf32, #tpu.memory_space<hbm>> -> memref<2600000x32xf32, #tpu.memory_space<hbm>>
    tpu.enqueue_indirect_dma source(%dma_start3A_93 : memref<2600000x32xf32, #tpu.memory_space<hbm>>) target(%dma_start3A_88 : memref<128x32xf32, #tpu.memory_space<vmem>>) offsets(%dma_start3A_90 : memref<128xi32, #tpu.memory_space<vmem>>) semaphore(%arg13 : memref<!tpu.dma_semaphore, #tpu.memory_space<semaphore_mem>>)
    %dma_start3A_94 = arith.constant 9 : i32
    %dma_start3A_95 = arith.constant 0 : i32
    %dma_start3A_96 = arith.constant 0 : i32
    %dma_start3A_97 = tpu.memref_slice %arg9[%dma_start3A_94, %dma_start3A_95, %dma_start3A_96] : memref<26x128x32xf32, #tpu.memory_space<vmem>> -> memref<1x128x32xf32, #tpu.memory_space<vmem>>
    %dma_start3A_98 = tpu.memref_squeeze %dma_start3A_97 : memref<1x128x32xf32, #tpu.memory_space<vmem>> -> memref<128x32xf32, #tpu.memory_space<vmem>>
    %dma_start3A_99 = arith.constant 1152 : i32
    %dma_start3A_100 = tpu.memref_slice %arg8[%dma_start3A_99] : memref<3328xi32, #tpu.memory_space<vmem>> -> memref<128xi32, #tpu.memory_space<vmem>>
    %dma_start3A_101 = arith.constant 0 : i32
    %dma_start3A_102 = arith.constant 0 : i32
    %dma_start3A_103 = tpu.memref_slice %arg2[%dma_start3A_101, %dma_start3A_102] : memref<2600000x32xf32, #tpu.memory_space<hbm>> -> memref<2600000x32xf32, #tpu.memory_space<hbm>>
    tpu.enqueue_indirect_dma source(%dma_start3A_103 : memref<2600000x32xf32, #tpu.memory_space<hbm>>) target(%dma_start3A_98 : memref<128x32xf32, #tpu.memory_space<vmem>>) offsets(%dma_start3A_100 : memref<128xi32, #tpu.memory_space<vmem>>) semaphore(%arg13 : memref<!tpu.dma_semaphore, #tpu.memory_space<semaphore_mem>>)
    %dma_start3A_104 = arith.constant 10 : i32
    %dma_start3A_105 = arith.constant 0 : i32
    %dma_start3A_106 = arith.constant 0 : i32
    %dma_start3A_107 = tpu.memref_slice %arg9[%dma_start3A_104, %dma_start3A_105, %dma_start3A_106] : memref<26x128x32xf32, #tpu.memory_space<vmem>> -> memref<1x128x32xf32, #tpu.memory_space<vmem>>
    %dma_start3A_108 = tpu.memref_squeeze %dma_start3A_107 : memref<1x128x32xf32, #tpu.memory_space<vmem>> -> memref<128x32xf32, #tpu.memory_space<vmem>>
    %dma_start3A_109 = arith.constant 1280 : i32
    %dma_start3A_110 = tpu.memref_slice %arg8[%dma_start3A_109] : memref<3328xi32, #tpu.memory_space<vmem>> -> memref<128xi32, #tpu.memory_space<vmem>>
    %dma_start3A_111 = arith.constant 0 : i32
    %dma_start3A_112 = arith.constant 0 : i32
    %dma_start3A_113 = tpu.memref_slice %arg2[%dma_start3A_111, %dma_start3A_112] : memref<2600000x32xf32, #tpu.memory_space<hbm>> -> memref<2600000x32xf32, #tpu.memory_space<hbm>>
    tpu.enqueue_indirect_dma source(%dma_start3A_113 : memref<2600000x32xf32, #tpu.memory_space<hbm>>) target(%dma_start3A_108 : memref<128x32xf32, #tpu.memory_space<vmem>>) offsets(%dma_start3A_110 : memref<128xi32, #tpu.memory_space<vmem>>) semaphore(%arg13 : memref<!tpu.dma_semaphore, #tpu.memory_space<semaphore_mem>>)
    %dma_start3A_114 = arith.constant 11 : i32
    %dma_start3A_115 = arith.constant 0 : i32
    %dma_start3A_116 = arith.constant 0 : i32
    %dma_start3A_117 = tpu.memref_slice %arg9[%dma_start3A_114, %dma_start3A_115, %dma_start3A_116] : memref<26x128x32xf32, #tpu.memory_space<vmem>> -> memref<1x128x32xf32, #tpu.memory_space<vmem>>
    %dma_start3A_118 = tpu.memref_squeeze %dma_start3A_117 : memref<1x128x32xf32, #tpu.memory_space<vmem>> -> memref<128x32xf32, #tpu.memory_space<vmem>>
    %dma_start3A_119 = arith.constant 1408 : i32
    %dma_start3A_120 = tpu.memref_slice %arg8[%dma_start3A_119] : memref<3328xi32, #tpu.memory_space<vmem>> -> memref<128xi32, #tpu.memory_space<vmem>>
    %dma_start3A_121 = arith.constant 0 : i32
    %dma_start3A_122 = arith.constant 0 : i32
    %dma_start3A_123 = tpu.memref_slice %arg2[%dma_start3A_121, %dma_start3A_122] : memref<2600000x32xf32, #tpu.memory_space<hbm>> -> memref<2600000x32xf32, #tpu.memory_space<hbm>>
    tpu.enqueue_indirect_dma source(%dma_start3A_123 : memref<2600000x32xf32, #tpu.memory_space<hbm>>) target(%dma_start3A_118 : memref<128x32xf32, #tpu.memory_space<vmem>>) offsets(%dma_start3A_120 : memref<128xi32, #tpu.memory_space<vmem>>) semaphore(%arg13 : memref<!tpu.dma_semaphore, #tpu.memory_space<semaphore_mem>>)
    %dma_start3A_124 = arith.constant 12 : i32
    %dma_start3A_125 = arith.constant 0 : i32
    %dma_start3A_126 = arith.constant 0 : i32
    %dma_start3A_127 = tpu.memref_slice %arg9[%dma_start3A_124, %dma_start3A_125, %dma_start3A_126] : memref<26x128x32xf32, #tpu.memory_space<vmem>> -> memref<1x128x32xf32, #tpu.memory_space<vmem>>
    %dma_start3A_128 = tpu.memref_squeeze %dma_start3A_127 : memref<1x128x32xf32, #tpu.memory_space<vmem>> -> memref<128x32xf32, #tpu.memory_space<vmem>>
    %dma_start3A_129 = arith.constant 1536 : i32
    %dma_start3A_130 = tpu.memref_slice %arg8[%dma_start3A_129] : memref<3328xi32, #tpu.memory_space<vmem>> -> memref<128xi32, #tpu.memory_space<vmem>>
    %dma_start3A_131 = arith.constant 0 : i32
    %dma_start3A_132 = arith.constant 0 : i32
    %dma_start3A_133 = tpu.memref_slice %arg2[%dma_start3A_131, %dma_start3A_132] : memref<2600000x32xf32, #tpu.memory_space<hbm>> -> memref<2600000x32xf32, #tpu.memory_space<hbm>>
    tpu.enqueue_indirect_dma source(%dma_start3A_133 : memref<2600000x32xf32, #tpu.memory_space<hbm>>) target(%dma_start3A_128 : memref<128x32xf32, #tpu.memory_space<vmem>>) offsets(%dma_start3A_130 : memref<128xi32, #tpu.memory_space<vmem>>) semaphore(%arg13 : memref<!tpu.dma_semaphore, #tpu.memory_space<semaphore_mem>>)
    %dma_start3A_134 = arith.constant 13 : i32
    %dma_start3A_135 = arith.constant 0 : i32
    %dma_start3A_136 = arith.constant 0 : i32
    %dma_start3A_137 = tpu.memref_slice %arg9[%dma_start3A_134, %dma_start3A_135, %dma_start3A_136] : memref<26x128x32xf32, #tpu.memory_space<vmem>> -> memref<1x128x32xf32, #tpu.memory_space<vmem>>
    %dma_start3A_138 = tpu.memref_squeeze %dma_start3A_137 : memref<1x128x32xf32, #tpu.memory_space<vmem>> -> memref<128x32xf32, #tpu.memory_space<vmem>>
    %dma_start3A_139 = arith.constant 1664 : i32
    %dma_start3A_140 = tpu.memref_slice %arg8[%dma_start3A_139] : memref<3328xi32, #tpu.memory_space<vmem>> -> memref<128xi32, #tpu.memory_space<vmem>>
    %dma_start3A_141 = arith.constant 0 : i32
    %dma_start3A_142 = arith.constant 0 : i32
    %dma_start3A_143 = tpu.memref_slice %arg2[%dma_start3A_141, %dma_start3A_142] : memref<2600000x32xf32, #tpu.memory_space<hbm>> -> memref<2600000x32xf32, #tpu.memory_space<hbm>>
    tpu.enqueue_indirect_dma source(%dma_start3A_143 : memref<2600000x32xf32, #tpu.memory_space<hbm>>) target(%dma_start3A_138 : memref<128x32xf32, #tpu.memory_space<vmem>>) offsets(%dma_start3A_140 : memref<128xi32, #tpu.memory_space<vmem>>) semaphore(%arg13 : memref<!tpu.dma_semaphore, #tpu.memory_space<semaphore_mem>>)
    %dma_start3A_144 = arith.constant 14 : i32
    %dma_start3A_145 = arith.constant 0 : i32
    %dma_start3A_146 = arith.constant 0 : i32
    %dma_start3A_147 = tpu.memref_slice %arg9[%dma_start3A_144, %dma_start3A_145, %dma_start3A_146] : memref<26x128x32xf32, #tpu.memory_space<vmem>> -> memref<1x128x32xf32, #tpu.memory_space<vmem>>
    %dma_start3A_148 = tpu.memref_squeeze %dma_start3A_147 : memref<1x128x32xf32, #tpu.memory_space<vmem>> -> memref<128x32xf32, #tpu.memory_space<vmem>>
    %dma_start3A_149 = arith.constant 1792 : i32
    %dma_start3A_150 = tpu.memref_slice %arg8[%dma_start3A_149] : memref<3328xi32, #tpu.memory_space<vmem>> -> memref<128xi32, #tpu.memory_space<vmem>>
    %dma_start3A_151 = arith.constant 0 : i32
    %dma_start3A_152 = arith.constant 0 : i32
    %dma_start3A_153 = tpu.memref_slice %arg2[%dma_start3A_151, %dma_start3A_152] : memref<2600000x32xf32, #tpu.memory_space<hbm>> -> memref<2600000x32xf32, #tpu.memory_space<hbm>>
    tpu.enqueue_indirect_dma source(%dma_start3A_153 : memref<2600000x32xf32, #tpu.memory_space<hbm>>) target(%dma_start3A_148 : memref<128x32xf32, #tpu.memory_space<vmem>>) offsets(%dma_start3A_150 : memref<128xi32, #tpu.memory_space<vmem>>) semaphore(%arg13 : memref<!tpu.dma_semaphore, #tpu.memory_space<semaphore_mem>>)
    %dma_start3A_154 = arith.constant 15 : i32
    %dma_start3A_155 = arith.constant 0 : i32
    %dma_start3A_156 = arith.constant 0 : i32
    %dma_start3A_157 = tpu.memref_slice %arg9[%dma_start3A_154, %dma_start3A_155, %dma_start3A_156] : memref<26x128x32xf32, #tpu.memory_space<vmem>> -> memref<1x128x32xf32, #tpu.memory_space<vmem>>
    %dma_start3A_158 = tpu.memref_squeeze %dma_start3A_157 : memref<1x128x32xf32, #tpu.memory_space<vmem>> -> memref<128x32xf32, #tpu.memory_space<vmem>>
    %dma_start3A_159 = arith.constant 1920 : i32
    %dma_start3A_160 = tpu.memref_slice %arg8[%dma_start3A_159] : memref<3328xi32, #tpu.memory_space<vmem>> -> memref<128xi32, #tpu.memory_space<vmem>>
    %dma_start3A_161 = arith.constant 0 : i32
    %dma_start3A_162 = arith.constant 0 : i32
    %dma_start3A_163 = tpu.memref_slice %arg2[%dma_start3A_161, %dma_start3A_162] : memref<2600000x32xf32, #tpu.memory_space<hbm>> -> memref<2600000x32xf32, #tpu.memory_space<hbm>>
    tpu.enqueue_indirect_dma source(%dma_start3A_163 : memref<2600000x32xf32, #tpu.memory_space<hbm>>) target(%dma_start3A_158 : memref<128x32xf32, #tpu.memory_space<vmem>>) offsets(%dma_start3A_160 : memref<128xi32, #tpu.memory_space<vmem>>) semaphore(%arg13 : memref<!tpu.dma_semaphore, #tpu.memory_space<semaphore_mem>>)
    %dma_start3A_164 = arith.constant 16 : i32
    %dma_start3A_165 = arith.constant 0 : i32
    %dma_start3A_166 = arith.constant 0 : i32
    %dma_start3A_167 = tpu.memref_slice %arg9[%dma_start3A_164, %dma_start3A_165, %dma_start3A_166] : memref<26x128x32xf32, #tpu.memory_space<vmem>> -> memref<1x128x32xf32, #tpu.memory_space<vmem>>
    %dma_start3A_168 = tpu.memref_squeeze %dma_start3A_167 : memref<1x128x32xf32, #tpu.memory_space<vmem>> -> memref<128x32xf32, #tpu.memory_space<vmem>>
    %dma_start3A_169 = arith.constant 2048 : i32
    %dma_start3A_170 = tpu.memref_slice %arg8[%dma_start3A_169] : memref<3328xi32, #tpu.memory_space<vmem>> -> memref<128xi32, #tpu.memory_space<vmem>>
    %dma_start3A_171 = arith.constant 0 : i32
    %dma_start3A_172 = arith.constant 0 : i32
    %dma_start3A_173 = tpu.memref_slice %arg2[%dma_start3A_171, %dma_start3A_172] : memref<2600000x32xf32, #tpu.memory_space<hbm>> -> memref<2600000x32xf32, #tpu.memory_space<hbm>>
    tpu.enqueue_indirect_dma source(%dma_start3A_173 : memref<2600000x32xf32, #tpu.memory_space<hbm>>) target(%dma_start3A_168 : memref<128x32xf32, #tpu.memory_space<vmem>>) offsets(%dma_start3A_170 : memref<128xi32, #tpu.memory_space<vmem>>) semaphore(%arg13 : memref<!tpu.dma_semaphore, #tpu.memory_space<semaphore_mem>>)
    %dma_start3A_174 = arith.constant 17 : i32
    %dma_start3A_175 = arith.constant 0 : i32
    %dma_start3A_176 = arith.constant 0 : i32
    %dma_start3A_177 = tpu.memref_slice %arg9[%dma_start3A_174, %dma_start3A_175, %dma_start3A_176] : memref<26x128x32xf32, #tpu.memory_space<vmem>> -> memref<1x128x32xf32, #tpu.memory_space<vmem>>
    %dma_start3A_178 = tpu.memref_squeeze %dma_start3A_177 : memref<1x128x32xf32, #tpu.memory_space<vmem>> -> memref<128x32xf32, #tpu.memory_space<vmem>>
    %dma_start3A_179 = arith.constant 2176 : i32
    %dma_start3A_180 = tpu.memref_slice %arg8[%dma_start3A_179] : memref<3328xi32, #tpu.memory_space<vmem>> -> memref<128xi32, #tpu.memory_space<vmem>>
    %dma_start3A_181 = arith.constant 0 : i32
    %dma_start3A_182 = arith.constant 0 : i32
    %dma_start3A_183 = tpu.memref_slice %arg2[%dma_start3A_181, %dma_start3A_182] : memref<2600000x32xf32, #tpu.memory_space<hbm>> -> memref<2600000x32xf32, #tpu.memory_space<hbm>>
    tpu.enqueue_indirect_dma source(%dma_start3A_183 : memref<2600000x32xf32, #tpu.memory_space<hbm>>) target(%dma_start3A_178 : memref<128x32xf32, #tpu.memory_space<vmem>>) offsets(%dma_start3A_180 : memref<128xi32, #tpu.memory_space<vmem>>) semaphore(%arg13 : memref<!tpu.dma_semaphore, #tpu.memory_space<semaphore_mem>>)
    %dma_start3A_184 = arith.constant 18 : i32
    %dma_start3A_185 = arith.constant 0 : i32
    %dma_start3A_186 = arith.constant 0 : i32
    %dma_start3A_187 = tpu.memref_slice %arg9[%dma_start3A_184, %dma_start3A_185, %dma_start3A_186] : memref<26x128x32xf32, #tpu.memory_space<vmem>> -> memref<1x128x32xf32, #tpu.memory_space<vmem>>
    %dma_start3A_188 = tpu.memref_squeeze %dma_start3A_187 : memref<1x128x32xf32, #tpu.memory_space<vmem>> -> memref<128x32xf32, #tpu.memory_space<vmem>>
    %dma_start3A_189 = arith.constant 2304 : i32
    %dma_start3A_190 = tpu.memref_slice %arg8[%dma_start3A_189] : memref<3328xi32, #tpu.memory_space<vmem>> -> memref<128xi32, #tpu.memory_space<vmem>>
    %dma_start3A_191 = arith.constant 0 : i32
    %dma_start3A_192 = arith.constant 0 : i32
    %dma_start3A_193 = tpu.memref_slice %arg2[%dma_start3A_191, %dma_start3A_192] : memref<2600000x32xf32, #tpu.memory_space<hbm>> -> memref<2600000x32xf32, #tpu.memory_space<hbm>>
    tpu.enqueue_indirect_dma source(%dma_start3A_193 : memref<2600000x32xf32, #tpu.memory_space<hbm>>) target(%dma_start3A_188 : memref<128x32xf32, #tpu.memory_space<vmem>>) offsets(%dma_start3A_190 : memref<128xi32, #tpu.memory_space<vmem>>) semaphore(%arg13 : memref<!tpu.dma_semaphore, #tpu.memory_space<semaphore_mem>>)
    %dma_start3A_194 = arith.constant 19 : i32
    %dma_start3A_195 = arith.constant 0 : i32
    %dma_start3A_196 = arith.constant 0 : i32
    %dma_start3A_197 = tpu.memref_slice %arg9[%dma_start3A_194, %dma_start3A_195, %dma_start3A_196] : memref<26x128x32xf32, #tpu.memory_space<vmem>> -> memref<1x128x32xf32, #tpu.memory_space<vmem>>
    %dma_start3A_198 = tpu.memref_squeeze %dma_start3A_197 : memref<1x128x32xf32, #tpu.memory_space<vmem>> -> memref<128x32xf32, #tpu.memory_space<vmem>>
    %dma_start3A_199 = arith.constant 2432 : i32
    %dma_start3A_200 = tpu.memref_slice %arg8[%dma_start3A_199] : memref<3328xi32, #tpu.memory_space<vmem>> -> memref<128xi32, #tpu.memory_space<vmem>>
    %dma_start3A_201 = arith.constant 0 : i32
    %dma_start3A_202 = arith.constant 0 : i32
    %dma_start3A_203 = tpu.memref_slice %arg2[%dma_start3A_201, %dma_start3A_202] : memref<2600000x32xf32, #tpu.memory_space<hbm>> -> memref<2600000x32xf32, #tpu.memory_space<hbm>>
    tpu.enqueue_indirect_dma source(%dma_start3A_203 : memref<2600000x32xf32, #tpu.memory_space<hbm>>) target(%dma_start3A_198 : memref<128x32xf32, #tpu.memory_space<vmem>>) offsets(%dma_start3A_200 : memref<128xi32, #tpu.memory_space<vmem>>) semaphore(%arg13 : memref<!tpu.dma_semaphore, #tpu.memory_space<semaphore_mem>>)
    %dma_start3A_204 = arith.constant 20 : i32
    %dma_start3A_205 = arith.constant 0 : i32
    %dma_start3A_206 = arith.constant 0 : i32
    %dma_start3A_207 = tpu.memref_slice %arg9[%dma_start3A_204, %dma_start3A_205, %dma_start3A_206] : memref<26x128x32xf32, #tpu.memory_space<vmem>> -> memref<1x128x32xf32, #tpu.memory_space<vmem>>
    %dma_start3A_208 = tpu.memref_squeeze %dma_start3A_207 : memref<1x128x32xf32, #tpu.memory_space<vmem>> -> memref<128x32xf32, #tpu.memory_space<vmem>>
    %dma_start3A_209 = arith.constant 2560 : i32
    %dma_start3A_210 = tpu.memref_slice %arg8[%dma_start3A_209] : memref<3328xi32, #tpu.memory_space<vmem>> -> memref<128xi32, #tpu.memory_space<vmem>>
    %dma_start3A_211 = arith.constant 0 : i32
    %dma_start3A_212 = arith.constant 0 : i32
    %dma_start3A_213 = tpu.memref_slice %arg2[%dma_start3A_211, %dma_start3A_212] : memref<2600000x32xf32, #tpu.memory_space<hbm>> -> memref<2600000x32xf32, #tpu.memory_space<hbm>>
    tpu.enqueue_indirect_dma source(%dma_start3A_213 : memref<2600000x32xf32, #tpu.memory_space<hbm>>) target(%dma_start3A_208 : memref<128x32xf32, #tpu.memory_space<vmem>>) offsets(%dma_start3A_210 : memref<128xi32, #tpu.memory_space<vmem>>) semaphore(%arg13 : memref<!tpu.dma_semaphore, #tpu.memory_space<semaphore_mem>>)
    %dma_start3A_214 = arith.constant 21 : i32
    %dma_start3A_215 = arith.constant 0 : i32
    %dma_start3A_216 = arith.constant 0 : i32
    %dma_start3A_217 = tpu.memref_slice %arg9[%dma_start3A_214, %dma_start3A_215, %dma_start3A_216] : memref<26x128x32xf32, #tpu.memory_space<vmem>> -> memref<1x128x32xf32, #tpu.memory_space<vmem>>
    %dma_start3A_218 = tpu.memref_squeeze %dma_start3A_217 : memref<1x128x32xf32, #tpu.memory_space<vmem>> -> memref<128x32xf32, #tpu.memory_space<vmem>>
    %dma_start3A_219 = arith.constant 2688 : i32
    %dma_start3A_220 = tpu.memref_slice %arg8[%dma_start3A_219] : memref<3328xi32, #tpu.memory_space<vmem>> -> memref<128xi32, #tpu.memory_space<vmem>>
    %dma_start3A_221 = arith.constant 0 : i32
    %dma_start3A_222 = arith.constant 0 : i32
    %dma_start3A_223 = tpu.memref_slice %arg2[%dma_start3A_221, %dma_start3A_222] : memref<2600000x32xf32, #tpu.memory_space<hbm>> -> memref<2600000x32xf32, #tpu.memory_space<hbm>>
    tpu.enqueue_indirect_dma source(%dma_start3A_223 : memref<2600000x32xf32, #tpu.memory_space<hbm>>) target(%dma_start3A_218 : memref<128x32xf32, #tpu.memory_space<vmem>>) offsets(%dma_start3A_220 : memref<128xi32, #tpu.memory_space<vmem>>) semaphore(%arg13 : memref<!tpu.dma_semaphore, #tpu.memory_space<semaphore_mem>>)
    %dma_start3A_224 = arith.constant 22 : i32
    %dma_start3A_225 = arith.constant 0 : i32
    %dma_start3A_226 = arith.constant 0 : i32
    %dma_start3A_227 = tpu.memref_slice %arg9[%dma_start3A_224, %dma_start3A_225, %dma_start3A_226] : memref<26x128x32xf32, #tpu.memory_space<vmem>> -> memref<1x128x32xf32, #tpu.memory_space<vmem>>
    %dma_start3A_228 = tpu.memref_squeeze %dma_start3A_227 : memref<1x128x32xf32, #tpu.memory_space<vmem>> -> memref<128x32xf32, #tpu.memory_space<vmem>>
    %dma_start3A_229 = arith.constant 2816 : i32
    %dma_start3A_230 = tpu.memref_slice %arg8[%dma_start3A_229] : memref<3328xi32, #tpu.memory_space<vmem>> -> memref<128xi32, #tpu.memory_space<vmem>>
    %dma_start3A_231 = arith.constant 0 : i32
    %dma_start3A_232 = arith.constant 0 : i32
    %dma_start3A_233 = tpu.memref_slice %arg2[%dma_start3A_231, %dma_start3A_232] : memref<2600000x32xf32, #tpu.memory_space<hbm>> -> memref<2600000x32xf32, #tpu.memory_space<hbm>>
    tpu.enqueue_indirect_dma source(%dma_start3A_233 : memref<2600000x32xf32, #tpu.memory_space<hbm>>) target(%dma_start3A_228 : memref<128x32xf32, #tpu.memory_space<vmem>>) offsets(%dma_start3A_230 : memref<128xi32, #tpu.memory_space<vmem>>) semaphore(%arg13 : memref<!tpu.dma_semaphore, #tpu.memory_space<semaphore_mem>>)
    %dma_start3A_234 = arith.constant 23 : i32
    %dma_start3A_235 = arith.constant 0 : i32
    %dma_start3A_236 = arith.constant 0 : i32
    %dma_start3A_237 = tpu.memref_slice %arg9[%dma_start3A_234, %dma_start3A_235, %dma_start3A_236] : memref<26x128x32xf32, #tpu.memory_space<vmem>> -> memref<1x128x32xf32, #tpu.memory_space<vmem>>
    %dma_start3A_238 = tpu.memref_squeeze %dma_start3A_237 : memref<1x128x32xf32, #tpu.memory_space<vmem>> -> memref<128x32xf32, #tpu.memory_space<vmem>>
    %dma_start3A_239 = arith.constant 2944 : i32
    %dma_start3A_240 = tpu.memref_slice %arg8[%dma_start3A_239] : memref<3328xi32, #tpu.memory_space<vmem>> -> memref<128xi32, #tpu.memory_space<vmem>>
    %dma_start3A_241 = arith.constant 0 : i32
    %dma_start3A_242 = arith.constant 0 : i32
    %dma_start3A_243 = tpu.memref_slice %arg2[%dma_start3A_241, %dma_start3A_242] : memref<2600000x32xf32, #tpu.memory_space<hbm>> -> memref<2600000x32xf32, #tpu.memory_space<hbm>>
    tpu.enqueue_indirect_dma source(%dma_start3A_243 : memref<2600000x32xf32, #tpu.memory_space<hbm>>) target(%dma_start3A_238 : memref<128x32xf32, #tpu.memory_space<vmem>>) offsets(%dma_start3A_240 : memref<128xi32, #tpu.memory_space<vmem>>) semaphore(%arg13 : memref<!tpu.dma_semaphore, #tpu.memory_space<semaphore_mem>>)
    %dma_start3A_244 = arith.constant 24 : i32
    %dma_start3A_245 = arith.constant 0 : i32
    %dma_start3A_246 = arith.constant 0 : i32
    %dma_start3A_247 = tpu.memref_slice %arg9[%dma_start3A_244, %dma_start3A_245, %dma_start3A_246] : memref<26x128x32xf32, #tpu.memory_space<vmem>> -> memref<1x128x32xf32, #tpu.memory_space<vmem>>
    %dma_start3A_248 = tpu.memref_squeeze %dma_start3A_247 : memref<1x128x32xf32, #tpu.memory_space<vmem>> -> memref<128x32xf32, #tpu.memory_space<vmem>>
    %dma_start3A_249 = arith.constant 3072 : i32
    %dma_start3A_250 = tpu.memref_slice %arg8[%dma_start3A_249] : memref<3328xi32, #tpu.memory_space<vmem>> -> memref<128xi32, #tpu.memory_space<vmem>>
    %dma_start3A_251 = arith.constant 0 : i32
    %dma_start3A_252 = arith.constant 0 : i32
    %dma_start3A_253 = tpu.memref_slice %arg2[%dma_start3A_251, %dma_start3A_252] : memref<2600000x32xf32, #tpu.memory_space<hbm>> -> memref<2600000x32xf32, #tpu.memory_space<hbm>>
    tpu.enqueue_indirect_dma source(%dma_start3A_253 : memref<2600000x32xf32, #tpu.memory_space<hbm>>) target(%dma_start3A_248 : memref<128x32xf32, #tpu.memory_space<vmem>>) offsets(%dma_start3A_250 : memref<128xi32, #tpu.memory_space<vmem>>) semaphore(%arg13 : memref<!tpu.dma_semaphore, #tpu.memory_space<semaphore_mem>>)
    %dma_start3A_254 = arith.constant 25 : i32
    %dma_start3A_255 = arith.constant 0 : i32
    %dma_start3A_256 = arith.constant 0 : i32
    %dma_start3A_257 = tpu.memref_slice %arg9[%dma_start3A_254, %dma_start3A_255, %dma_start3A_256] : memref<26x128x32xf32, #tpu.memory_space<vmem>> -> memref<1x128x32xf32, #tpu.memory_space<vmem>>
    %dma_start3A_258 = tpu.memref_squeeze %dma_start3A_257 : memref<1x128x32xf32, #tpu.memory_space<vmem>> -> memref<128x32xf32, #tpu.memory_space<vmem>>
    %dma_start3A_259 = arith.constant 3200 : i32
    %dma_start3A_260 = tpu.memref_slice %arg8[%dma_start3A_259] : memref<3328xi32, #tpu.memory_space<vmem>> -> memref<128xi32, #tpu.memory_space<vmem>>
    %dma_start3A_261 = arith.constant 0 : i32
    %dma_start3A_262 = arith.constant 0 : i32
    %dma_start3A_263 = tpu.memref_slice %arg2[%dma_start3A_261, %dma_start3A_262] : memref<2600000x32xf32, #tpu.memory_space<hbm>> -> memref<2600000x32xf32, #tpu.memory_space<hbm>>
    tpu.enqueue_indirect_dma source(%dma_start3A_263 : memref<2600000x32xf32, #tpu.memory_space<hbm>>) target(%dma_start3A_258 : memref<128x32xf32, #tpu.memory_space<vmem>>) offsets(%dma_start3A_260 : memref<128xi32, #tpu.memory_space<vmem>>) semaphore(%arg13 : memref<!tpu.dma_semaphore, #tpu.memory_space<semaphore_mem>>)
    %dma_start3A_264 = arith.constant 0 : i32
    %dma_start3A_265 = tpu.memref_slice %arg3[%dma_start3A_264] : memref<2600000xf32, #tpu.memory_space<hbm>> -> memref<2600000xf32, #tpu.memory_space<hbm>>
    tpu.enqueue_indirect_dma source(%dma_start3A_265 : memref<2600000xf32, #tpu.memory_space<hbm>>) target(%arg10 : memref<3328xf32, #tpu.memory_space<vmem>>) offsets(%arg8 : memref<3328xi32, #tpu.memory_space<vmem>>) semaphore(%arg15 : memref<!tpu.dma_semaphore, #tpu.memory_space<semaphore_mem>>)
    "tpu.region"() ({
      %run_scoped3A = tpu.sem_alloc : memref<!tpu.dma_semaphore, #tpu.memory_space<semaphore_mem>>
      tpu.enqueue_dma source(%arg5 : memref<3328xi32, #tpu.memory_space<hbm>>) target(%arg12 : memref<3328xi32, #tpu.memory_space<vmem>>) target_semaphore(%run_scoped3A : memref<!tpu.dma_semaphore, #tpu.memory_space<semaphore_mem>>)
      tpu.wait_dma2 semaphore(%run_scoped3A : memref<!tpu.dma_semaphore, #tpu.memory_space<semaphore_mem>>) src(%arg5 : memref<3328xi32, #tpu.memory_space<hbm>>) dst(%arg12 : memref<3328xi32, #tpu.memory_space<vmem>>)
      tpu.yield
    }) : () -> ()
    %dma_wait3A = arith.constant 0 : i32
    %dma_wait3A_266 = tpu.memref_slice %arg3[%dma_wait3A] : memref<2600000xf32, #tpu.memory_space<hbm>> -> memref<2600000xf32, #tpu.memory_space<hbm>>
    tpu.wait_indirect_dma semaphore(%arg15 : memref<!tpu.dma_semaphore, #tpu.memory_space<semaphore_mem>>) src(%dma_wait3A_266 : memref<2600000xf32, #tpu.memory_space<hbm>>) dst(%arg10 : memref<3328xf32, #tpu.memory_space<vmem>>)
    %scan3A = arith.constant 0 : i32
    %scan3A_267 = arith.constant 0 : i32
    %scan3A_268 = arith.constant 208 : i32
    %scan3A_269 = arith.addi %scan3A_267, %scan3A_268 : i32
    %scan3A_270 = arith.constant 1 : i32
    scf.for %scan3A_1210 = %scan3A_267 to %scan3A_269 step %scan3A_270  : i32 {
      %mul3A_1211 = arith.constant 16 : i32
      %mul3A_1212 = arith.muli %scan3A_1210, %mul3A_1211 : i32
      %get3A = arith.index_cast %mul3A_1212 : i32 to index
      %get3A_1213 = tpu.vector_load %arg10[%get3A] {strides = array<i32>} : memref<3328xf32, #tpu.memory_space<vmem>>, vector<16xf32>,
      %mul3A_1214 = arith.constant 16 : i32
      %mul3A_1215 = arith.muli %scan3A_1210, %mul3A_1214 : i32
      %get3A_1216 = arith.index_cast %mul3A_1215 : i32 to index
      %get3A_1217 = tpu.vector_load %arg12[%get3A_1216] {strides = array<i32>} : memref<3328xi32, #tpu.memory_space<vmem>>, vector<16xi32>,
      tpu.vector_store_idx %arg11[%get3A_1217], %get3A_1213 : memref<4096xf32, #tpu.memory_space<vmem>>[vector<16xi32>], vector<16xf32>,
    }
    %scan3A_271 = arith.constant 208 : i32
    %mul3A_272 = arith.constant 32 : i32
    %mul3A_273 = arith.muli %mul3A_4, %mul3A_272 : i32
    "tpu.region"() ({
      %run_scoped3A = tpu.sem_alloc : memref<!tpu.dma_semaphore, #tpu.memory_space<semaphore_mem>>
      %dma_start3A_1210 = tpu.memref_slice %arg7[%mul3A_273] : memref<131072xf32, #tpu.memory_space<hbm>> -> memref<4096xf32, #tpu.memory_space<hbm>>
      %dma_start3A_1211 = tpu.memref_slice %arg7[%mul3A_273] : memref<131072xf32, #tpu.memory_space<hbm>> -> memref<4096xf32, #tpu.memory_space<hbm>>
      tpu.enqueue_dma source(%arg11 : memref<4096xf32, #tpu.memory_space<vmem>>) target(%dma_start3A_1211 : memref<4096xf32, #tpu.memory_space<hbm>>) target_semaphore(%run_scoped3A : memref<!tpu.dma_semaphore, #tpu.memory_space<semaphore_mem>>)
      %dma_wait3A_1212 = tpu.memref_slice %arg7[%mul3A_273] : memref<131072xf32, #tpu.memory_space<hbm>> -> memref<4096xf32, #tpu.memory_space<hbm>>
      %dma_wait3A_1213 = tpu.memref_slice %arg7[%mul3A_273] : memref<131072xf32, #tpu.memory_space<hbm>> -> memref<4096xf32, #tpu.memory_space<hbm>>
      tpu.wait_dma2 semaphore(%run_scoped3A : memref<!tpu.dma_semaphore, #tpu.memory_space<semaphore_mem>>) src(%arg11 : memref<4096xf32, #tpu.memory_space<vmem>>) dst(%dma_wait3A_1213 : memref<4096xf32, #tpu.memory_space<hbm>>)
      tpu.yield
    }) : () -> ()
    %dma_wait3A_274 = arith.constant 0 : i32
    %dma_wait3A_275 = arith.constant 0 : i32
    %dma_wait3A_276 = arith.constant 0 : i32
    %dma_wait3A_277 = tpu.memref_slice %arg9[%dma_wait3A_274, %dma_wait3A_275, %dma_wait3A_276] : memref<26x128x32xf32, #tpu.memory_space<vmem>> -> memref<1x128x32xf32, #tpu.memory_space<vmem>>
    %dma_wait3A_278 = tpu.memref_squeeze %dma_wait3A_277 : memref<1x128x32xf32, #tpu.memory_space<vmem>> -> memref<128x32xf32, #tpu.memory_space<vmem>>
    %dma_wait3A_279 = arith.constant 0 : i32
    %dma_wait3A_280 = tpu.memref_slice %arg8[%dma_wait3A_279] : memref<3328xi32, #tpu.memory_space<vmem>> -> memref<128xi32, #tpu.memory_space<vmem>>
    %dma_wait3A_281 = arith.constant 0 : i32
    %dma_wait3A_282 = arith.constant 0 : i32
    %dma_wait3A_283 = tpu.memref_slice %arg2[%dma_wait3A_281, %dma_wait3A_282] : memref<2600000x32xf32, #tpu.memory_space<hbm>> -> memref<2600000x32xf32, #tpu.memory_space<hbm>>
    tpu.wait_indirect_dma semaphore(%arg13 : memref<!tpu.dma_semaphore, #tpu.memory_space<semaphore_mem>>) src(%dma_wait3A_283 : memref<2600000x32xf32, #tpu.memory_space<hbm>>) dst(%dma_wait3A_278 : memref<128x32xf32, #tpu.memory_space<vmem>>)
    %dma_start3A_284 = arith.constant 0 : i32
    %dma_start3A_285 = arith.constant 0 : i32
    %dma_start3A_286 = arith.constant 0 : i32
    %dma_start3A_287 = tpu.memref_slice %arg9[%dma_start3A_284, %dma_start3A_285, %dma_start3A_286] : memref<26x128x32xf32, #tpu.memory_space<vmem>> -> memref<1x128x32xf32, #tpu.memory_space<vmem>>
    %dma_start3A_288 = tpu.memref_squeeze %dma_start3A_287 : memref<1x128x32xf32, #tpu.memory_space<vmem>> -> memref<128x32xf32, #tpu.memory_space<vmem>>
    %dma_start3A_289 = arith.constant 0 : i32
    %dma_start3A_290 = tpu.memref_slice %arg6[%mul3A_4, %dma_start3A_289] : memref<4096x896xf32, #tpu.memory_space<hbm>> -> memref<128x32xf32, #tpu.memory_space<hbm>>
    %dma_start3A_291 = arith.constant 0 : i32
    %dma_start3A_292 = tpu.memref_slice %arg6[%mul3A_4, %dma_start3A_291] : memref<4096x896xf32, #tpu.memory_space<hbm>> -> memref<128x32xf32, #tpu.memory_space<hbm>>
    %dma_start3A_293 = arith.constant 0 : i32
    %dma_start3A_294 = arith.constant 0 : i32
    %dma_start3A_295 = tpu.memref_slice %arg9[%dma_start3A_284, %dma_start3A_293, %dma_start3A_294] : memref<26x128x32xf32, #tpu.memory_space<vmem>> -> memref<1x128x32xf32, #tpu.memory_space<vmem>>
    %dma_start3A_296 = tpu.memref_squeeze %dma_start3A_295 : memref<1x128x32xf32, #tpu.memory_space<vmem>> -> memref<128x32xf32, #tpu.memory_space<vmem>>
    tpu.enqueue_dma source(%dma_start3A_296 : memref<128x32xf32, #tpu.memory_space<vmem>>) target(%dma_start3A_292 : memref<128x32xf32, #tpu.memory_space<hbm>>) target_semaphore(%arg14 : memref<!tpu.dma_semaphore, #tpu.memory_space<semaphore_mem>>)
    %dma_wait3A_297 = arith.constant 1 : i32
    %dma_wait3A_298 = arith.constant 0 : i32
    %dma_wait3A_299 = arith.constant 0 : i32
    %dma_wait3A_300 = tpu.memref_slice %arg9[%dma_wait3A_297, %dma_wait3A_298, %dma_wait3A_299] : memref<26x128x32xf32, #tpu.memory_space<vmem>> -> memref<1x128x32xf32, #tpu.memory_space<vmem>>
    %dma_wait3A_301 = tpu.memref_squeeze %dma_wait3A_300 : memref<1x128x32xf32, #tpu.memory_space<vmem>> -> memref<128x32xf32, #tpu.memory_space<vmem>>
    %dma_wait3A_302 = arith.constant 128 : i32
    %dma_wait3A_303 = tpu.memref_slice %arg8[%dma_wait3A_302] : memref<3328xi32, #tpu.memory_space<vmem>> -> memref<128xi32, #tpu.memory_space<vmem>>
    %dma_wait3A_304 = arith.constant 0 : i32
    %dma_wait3A_305 = arith.constant 0 : i32
    %dma_wait3A_306 = tpu.memref_slice %arg2[%dma_wait3A_304, %dma_wait3A_305] : memref<2600000x32xf32, #tpu.memory_space<hbm>> -> memref<2600000x32xf32, #tpu.memory_space<hbm>>
    tpu.wait_indirect_dma semaphore(%arg13 : memref<!tpu.dma_semaphore, #tpu.memory_space<semaphore_mem>>) src(%dma_wait3A_306 : memref<2600000x32xf32, #tpu.memory_space<hbm>>) dst(%dma_wait3A_301 : memref<128x32xf32, #tpu.memory_space<vmem>>)
    %dma_start3A_307 = arith.constant 1 : i32
    %dma_start3A_308 = arith.constant 0 : i32
    %dma_start3A_309 = arith.constant 0 : i32
    %dma_start3A_310 = tpu.memref_slice %arg9[%dma_start3A_307, %dma_start3A_308, %dma_start3A_309] : memref<26x128x32xf32, #tpu.memory_space<vmem>> -> memref<1x128x32xf32, #tpu.memory_space<vmem>>
    %dma_start3A_311 = tpu.memref_squeeze %dma_start3A_310 : memref<1x128x32xf32, #tpu.memory_space<vmem>> -> memref<128x32xf32, #tpu.memory_space<vmem>>
    %dma_start3A_312 = arith.constant 32 : i32
    %dma_start3A_313 = tpu.memref_slice %arg6[%mul3A_4, %dma_start3A_312] : memref<4096x896xf32, #tpu.memory_space<hbm>> -> memref<128x32xf32, #tpu.memory_space<hbm>>
    %dma_start3A_314 = arith.constant 32 : i32
    %dma_start3A_315 = tpu.memref_slice %arg6[%mul3A_4, %dma_start3A_314] : memref<4096x896xf32, #tpu.memory_space<hbm>> -> memref<128x32xf32, #tpu.memory_space<hbm>>
    %dma_start3A_316 = arith.constant 0 : i32
    %dma_start3A_317 = arith.constant 0 : i32
    %dma_start3A_318 = tpu.memref_slice %arg9[%dma_start3A_307, %dma_start3A_316, %dma_start3A_317] : memref<26x128x32xf32, #tpu.memory_space<vmem>> -> memref<1x128x32xf32, #tpu.memory_space<vmem>>
    %dma_start3A_319 = tpu.memref_squeeze %dma_start3A_318 : memref<1x128x32xf32, #tpu.memory_space<vmem>> -> memref<128x32xf32, #tpu.memory_space<vmem>>
    tpu.enqueue_dma source(%dma_start3A_319 : memref<128x32xf32, #tpu.memory_space<vmem>>) target(%dma_start3A_315 : memref<128x32xf32, #tpu.memory_space<hbm>>) target_semaphore(%arg14 : memref<!tpu.dma_semaphore, #tpu.memory_space<semaphore_mem>>)
    %dma_wait3A_320 = arith.constant 2 : i32
    %dma_wait3A_321 = arith.constant 0 : i32
    %dma_wait3A_322 = arith.constant 0 : i32
    %dma_wait3A_323 = tpu.memref_slice %arg9[%dma_wait3A_320, %dma_wait3A_321, %dma_wait3A_322] : memref<26x128x32xf32, #tpu.memory_space<vmem>> -> memref<1x128x32xf32, #tpu.memory_space<vmem>>
    %dma_wait3A_324 = tpu.memref_squeeze %dma_wait3A_323 : memref<1x128x32xf32, #tpu.memory_space<vmem>> -> memref<128x32xf32, #tpu.memory_space<vmem>>
    %dma_wait3A_325 = arith.constant 256 : i32
    %dma_wait3A_326 = tpu.memref_slice %arg8[%dma_wait3A_325] : memref<3328xi32, #tpu.memory_space<vmem>> -> memref<128xi32, #tpu.memory_space<vmem>>
    %dma_wait3A_327 = arith.constant 0 : i32
    %dma_wait3A_328 = arith.constant 0 : i32
    %dma_wait3A_329 = tpu.memref_slice %arg2[%dma_wait3A_327, %dma_wait3A_328] : memref<2600000x32xf32, #tpu.memory_space<hbm>> -> memref<2600000x32xf32, #tpu.memory_space<hbm>>
    tpu.wait_indirect_dma semaphore(%arg13 : memref<!tpu.dma_semaphore, #tpu.memory_space<semaphore_mem>>) src(%dma_wait3A_329 : memref<2600000x32xf32, #tpu.memory_space<hbm>>) dst(%dma_wait3A_324 : memref<128x32xf32, #tpu.memory_space<vmem>>)
    %dma_start3A_330 = arith.constant 2 : i32
    %dma_start3A_331 = arith.constant 0 : i32
    %dma_start3A_332 = arith.constant 0 : i32
    %dma_start3A_333 = tpu.memref_slice %arg9[%dma_start3A_330, %dma_start3A_331, %dma_start3A_332] : memref<26x128x32xf32, #tpu.memory_space<vmem>> -> memref<1x128x32xf32, #tpu.memory_space<vmem>>
    %dma_start3A_334 = tpu.memref_squeeze %dma_start3A_333 : memref<1x128x32xf32, #tpu.memory_space<vmem>> -> memref<128x32xf32, #tpu.memory_space<vmem>>
    %dma_start3A_335 = arith.constant 64 : i32
    %dma_start3A_336 = tpu.memref_slice %arg6[%mul3A_4, %dma_start3A_335] : memref<4096x896xf32, #tpu.memory_space<hbm>> -> memref<128x32xf32, #tpu.memory_space<hbm>>
    %dma_start3A_337 = arith.constant 64 : i32
    %dma_start3A_338 = tpu.memref_slice %arg6[%mul3A_4, %dma_start3A_337] : memref<4096x896xf32, #tpu.memory_space<hbm>> -> memref<128x32xf32, #tpu.memory_space<hbm>>
    %dma_start3A_339 = arith.constant 0 : i32
    %dma_start3A_340 = arith.constant 0 : i32
    %dma_start3A_341 = tpu.memref_slice %arg9[%dma_start3A_330, %dma_start3A_339, %dma_start3A_340] : memref<26x128x32xf32, #tpu.memory_space<vmem>> -> memref<1x128x32xf32, #tpu.memory_space<vmem>>
    %dma_start3A_342 = tpu.memref_squeeze %dma_start3A_341 : memref<1x128x32xf32, #tpu.memory_space<vmem>> -> memref<128x32xf32, #tpu.memory_space<vmem>>
    tpu.enqueue_dma source(%dma_start3A_342 : memref<128x32xf32, #tpu.memory_space<vmem>>) target(%dma_start3A_338 : memref<128x32xf32, #tpu.memory_space<hbm>>) target_semaphore(%arg14 : memref<!tpu.dma_semaphore, #tpu.memory_space<semaphore_mem>>)
    %dma_wait3A_343 = arith.constant 3 : i32
    %dma_wait3A_344 = arith.constant 0 : i32
    %dma_wait3A_345 = arith.constant 0 : i32
    %dma_wait3A_346 = tpu.memref_slice %arg9[%dma_wait3A_343, %dma_wait3A_344, %dma_wait3A_345] : memref<26x128x32xf32, #tpu.memory_space<vmem>> -> memref<1x128x32xf32, #tpu.memory_space<vmem>>
    %dma_wait3A_347 = tpu.memref_squeeze %dma_wait3A_346 : memref<1x128x32xf32, #tpu.memory_space<vmem>> -> memref<128x32xf32, #tpu.memory_space<vmem>>
    %dma_wait3A_348 = arith.constant 384 : i32
    %dma_wait3A_349 = tpu.memref_slice %arg8[%dma_wait3A_348] : memref<3328xi32, #tpu.memory_space<vmem>> -> memref<128xi32, #tpu.memory_space<vmem>>
    %dma_wait3A_350 = arith.constant 0 : i32
    %dma_wait3A_351 = arith.constant 0 : i32
    %dma_wait3A_352 = tpu.memref_slice %arg2[%dma_wait3A_350, %dma_wait3A_351] : memref<2600000x32xf32, #tpu.memory_space<hbm>> -> memref<2600000x32xf32, #tpu.memory_space<hbm>>
    tpu.wait_indirect_dma semaphore(%arg13 : memref<!tpu.dma_semaphore, #tpu.memory_space<semaphore_mem>>) src(%dma_wait3A_352 : memref<2600000x32xf32, #tpu.memory_space<hbm>>) dst(%dma_wait3A_347 : memref<128x32xf32, #tpu.memory_space<vmem>>)
    %dma_start3A_353 = arith.constant 3 : i32
    %dma_start3A_354 = arith.constant 0 : i32
    %dma_start3A_355 = arith.constant 0 : i32
    %dma_start3A_356 = tpu.memref_slice %arg9[%dma_start3A_353, %dma_start3A_354, %dma_start3A_355] : memref<26x128x32xf32, #tpu.memory_space<vmem>> -> memref<1x128x32xf32, #tpu.memory_space<vmem>>
    %dma_start3A_357 = tpu.memref_squeeze %dma_start3A_356 : memref<1x128x32xf32, #tpu.memory_space<vmem>> -> memref<128x32xf32, #tpu.memory_space<vmem>>
    %dma_start3A_358 = arith.constant 96 : i32
    %dma_start3A_359 = tpu.memref_slice %arg6[%mul3A_4, %dma_start3A_358] : memref<4096x896xf32, #tpu.memory_space<hbm>> -> memref<128x32xf32, #tpu.memory_space<hbm>>
    %dma_start3A_360 = arith.constant 96 : i32
    %dma_start3A_361 = tpu.memref_slice %arg6[%mul3A_4, %dma_start3A_360] : memref<4096x896xf32, #tpu.memory_space<hbm>> -> memref<128x32xf32, #tpu.memory_space<hbm>>
    %dma_start3A_362 = arith.constant 0 : i32
    %dma_start3A_363 = arith.constant 0 : i32
    %dma_start3A_364 = tpu.memref_slice %arg9[%dma_start3A_353, %dma_start3A_362, %dma_start3A_363] : memref<26x128x32xf32, #tpu.memory_space<vmem>> -> memref<1x128x32xf32, #tpu.memory_space<vmem>>
    %dma_start3A_365 = tpu.memref_squeeze %dma_start3A_364 : memref<1x128x32xf32, #tpu.memory_space<vmem>> -> memref<128x32xf32, #tpu.memory_space<vmem>>
    tpu.enqueue_dma source(%dma_start3A_365 : memref<128x32xf32, #tpu.memory_space<vmem>>) target(%dma_start3A_361 : memref<128x32xf32, #tpu.memory_space<hbm>>) target_semaphore(%arg14 : memref<!tpu.dma_semaphore, #tpu.memory_space<semaphore_mem>>)
    %dma_wait3A_366 = arith.constant 4 : i32
    %dma_wait3A_367 = arith.constant 0 : i32
    %dma_wait3A_368 = arith.constant 0 : i32
    %dma_wait3A_369 = tpu.memref_slice %arg9[%dma_wait3A_366, %dma_wait3A_367, %dma_wait3A_368] : memref<26x128x32xf32, #tpu.memory_space<vmem>> -> memref<1x128x32xf32, #tpu.memory_space<vmem>>
    %dma_wait3A_370 = tpu.memref_squeeze %dma_wait3A_369 : memref<1x128x32xf32, #tpu.memory_space<vmem>> -> memref<128x32xf32, #tpu.memory_space<vmem>>
    %dma_wait3A_371 = arith.constant 512 : i32
    %dma_wait3A_372 = tpu.memref_slice %arg8[%dma_wait3A_371] : memref<3328xi32, #tpu.memory_space<vmem>> -> memref<128xi32, #tpu.memory_space<vmem>>
    %dma_wait3A_373 = arith.constant 0 : i32
    %dma_wait3A_374 = arith.constant 0 : i32
    %dma_wait3A_375 = tpu.memref_slice %arg2[%dma_wait3A_373, %dma_wait3A_374] : memref<2600000x32xf32, #tpu.memory_space<hbm>> -> memref<2600000x32xf32, #tpu.memory_space<hbm>>
    tpu.wait_indirect_dma semaphore(%arg13 : memref<!tpu.dma_semaphore, #tpu.memory_space<semaphore_mem>>) src(%dma_wait3A_375 : memref<2600000x32xf32, #tpu.memory_space<hbm>>) dst(%dma_wait3A_370 : memref<128x32xf32, #tpu.memory_space<vmem>>)
    %dma_start3A_376 = arith.constant 4 : i32
    %dma_start3A_377 = arith.constant 0 : i32
    %dma_start3A_378 = arith.constant 0 : i32
    %dma_start3A_379 = tpu.memref_slice %arg9[%dma_start3A_376, %dma_start3A_377, %dma_start3A_378] : memref<26x128x32xf32, #tpu.memory_space<vmem>> -> memref<1x128x32xf32, #tpu.memory_space<vmem>>
    %dma_start3A_380 = tpu.memref_squeeze %dma_start3A_379 : memref<1x128x32xf32, #tpu.memory_space<vmem>> -> memref<128x32xf32, #tpu.memory_space<vmem>>
    %dma_start3A_381 = arith.constant 128 : i32
    %dma_start3A_382 = tpu.memref_slice %arg6[%mul3A_4, %dma_start3A_381] : memref<4096x896xf32, #tpu.memory_space<hbm>> -> memref<128x32xf32, #tpu.memory_space<hbm>>
    %dma_start3A_383 = arith.constant 128 : i32
    %dma_start3A_384 = tpu.memref_slice %arg6[%mul3A_4, %dma_start3A_383] : memref<4096x896xf32, #tpu.memory_space<hbm>> -> memref<128x32xf32, #tpu.memory_space<hbm>>
    %dma_start3A_385 = arith.constant 0 : i32
    %dma_start3A_386 = arith.constant 0 : i32
    %dma_start3A_387 = tpu.memref_slice %arg9[%dma_start3A_376, %dma_start3A_385, %dma_start3A_386] : memref<26x128x32xf32, #tpu.memory_space<vmem>> -> memref<1x128x32xf32, #tpu.memory_space<vmem>>
    %dma_start3A_388 = tpu.memref_squeeze %dma_start3A_387 : memref<1x128x32xf32, #tpu.memory_space<vmem>> -> memref<128x32xf32, #tpu.memory_space<vmem>>
    tpu.enqueue_dma source(%dma_start3A_388 : memref<128x32xf32, #tpu.memory_space<vmem>>) target(%dma_start3A_384 : memref<128x32xf32, #tpu.memory_space<hbm>>) target_semaphore(%arg14 : memref<!tpu.dma_semaphore, #tpu.memory_space<semaphore_mem>>)
    %dma_wait3A_389 = arith.constant 5 : i32
    %dma_wait3A_390 = arith.constant 0 : i32
    %dma_wait3A_391 = arith.constant 0 : i32
    %dma_wait3A_392 = tpu.memref_slice %arg9[%dma_wait3A_389, %dma_wait3A_390, %dma_wait3A_391] : memref<26x128x32xf32, #tpu.memory_space<vmem>> -> memref<1x128x32xf32, #tpu.memory_space<vmem>>
    %dma_wait3A_393 = tpu.memref_squeeze %dma_wait3A_392 : memref<1x128x32xf32, #tpu.memory_space<vmem>> -> memref<128x32xf32, #tpu.memory_space<vmem>>
    %dma_wait3A_394 = arith.constant 640 : i32
    %dma_wait3A_395 = tpu.memref_slice %arg8[%dma_wait3A_394] : memref<3328xi32, #tpu.memory_space<vmem>> -> memref<128xi32, #tpu.memory_space<vmem>>
    %dma_wait3A_396 = arith.constant 0 : i32
    %dma_wait3A_397 = arith.constant 0 : i32
    %dma_wait3A_398 = tpu.memref_slice %arg2[%dma_wait3A_396, %dma_wait3A_397] : memref<2600000x32xf32, #tpu.memory_space<hbm>> -> memref<2600000x32xf32, #tpu.memory_space<hbm>>
    tpu.wait_indirect_dma semaphore(%arg13 : memref<!tpu.dma_semaphore, #tpu.memory_space<semaphore_mem>>) src(%dma_wait3A_398 : memref<2600000x32xf32, #tpu.memory_space<hbm>>) dst(%dma_wait3A_393 : memref<128x32xf32, #tpu.memory_space<vmem>>)
    %dma_start3A_399 = arith.constant 5 : i32
    %dma_start3A_400 = arith.constant 0 : i32
    %dma_start3A_401 = arith.constant 0 : i32
    %dma_start3A_402 = tpu.memref_slice %arg9[%dma_start3A_399, %dma_start3A_400, %dma_start3A_401] : memref<26x128x32xf32, #tpu.memory_space<vmem>> -> memref<1x128x32xf32, #tpu.memory_space<vmem>>
    %dma_start3A_403 = tpu.memref_squeeze %dma_start3A_402 : memref<1x128x32xf32, #tpu.memory_space<vmem>> -> memref<128x32xf32, #tpu.memory_space<vmem>>
    %dma_start3A_404 = arith.constant 160 : i32
    %dma_start3A_405 = tpu.memref_slice %arg6[%mul3A_4, %dma_start3A_404] : memref<4096x896xf32, #tpu.memory_space<hbm>> -> memref<128x32xf32, #tpu.memory_space<hbm>>
    %dma_start3A_406 = arith.constant 160 : i32
    %dma_start3A_407 = tpu.memref_slice %arg6[%mul3A_4, %dma_start3A_406] : memref<4096x896xf32, #tpu.memory_space<hbm>> -> memref<128x32xf32, #tpu.memory_space<hbm>>
    %dma_start3A_408 = arith.constant 0 : i32
    %dma_start3A_409 = arith.constant 0 : i32
    %dma_start3A_410 = tpu.memref_slice %arg9[%dma_start3A_399, %dma_start3A_408, %dma_start3A_409] : memref<26x128x32xf32, #tpu.memory_space<vmem>> -> memref<1x128x32xf32, #tpu.memory_space<vmem>>
    %dma_start3A_411 = tpu.memref_squeeze %dma_start3A_410 : memref<1x128x32xf32, #tpu.memory_space<vmem>> -> memref<128x32xf32, #tpu.memory_space<vmem>>
    tpu.enqueue_dma source(%dma_start3A_411 : memref<128x32xf32, #tpu.memory_space<vmem>>) target(%dma_start3A_407 : memref<128x32xf32, #tpu.memory_space<hbm>>) target_semaphore(%arg14 : memref<!tpu.dma_semaphore, #tpu.memory_space<semaphore_mem>>)
    %dma_wait3A_412 = arith.constant 6 : i32
    %dma_wait3A_413 = arith.constant 0 : i32
    %dma_wait3A_414 = arith.constant 0 : i32
    %dma_wait3A_415 = tpu.memref_slice %arg9[%dma_wait3A_412, %dma_wait3A_413, %dma_wait3A_414] : memref<26x128x32xf32, #tpu.memory_space<vmem>> -> memref<1x128x32xf32, #tpu.memory_space<vmem>>
    %dma_wait3A_416 = tpu.memref_squeeze %dma_wait3A_415 : memref<1x128x32xf32, #tpu.memory_space<vmem>> -> memref<128x32xf32, #tpu.memory_space<vmem>>
    %dma_wait3A_417 = arith.constant 768 : i32
    %dma_wait3A_418 = tpu.memref_slice %arg8[%dma_wait3A_417] : memref<3328xi32, #tpu.memory_space<vmem>> -> memref<128xi32, #tpu.memory_space<vmem>>
    %dma_wait3A_419 = arith.constant 0 : i32
    %dma_wait3A_420 = arith.constant 0 : i32
    %dma_wait3A_421 = tpu.memref_slice %arg2[%dma_wait3A_419, %dma_wait3A_420] : memref<2600000x32xf32, #tpu.memory_space<hbm>> -> memref<2600000x32xf32, #tpu.memory_space<hbm>>
    tpu.wait_indirect_dma semaphore(%arg13 : memref<!tpu.dma_semaphore, #tpu.memory_space<semaphore_mem>>) src(%dma_wait3A_421 : memref<2600000x32xf32, #tpu.memory_space<hbm>>) dst(%dma_wait3A_416 : memref<128x32xf32, #tpu.memory_space<vmem>>)
    %dma_start3A_422 = arith.constant 6 : i32
    %dma_start3A_423 = arith.constant 0 : i32
    %dma_start3A_424 = arith.constant 0 : i32
    %dma_start3A_425 = tpu.memref_slice %arg9[%dma_start3A_422, %dma_start3A_423, %dma_start3A_424] : memref<26x128x32xf32, #tpu.memory_space<vmem>> -> memref<1x128x32xf32, #tpu.memory_space<vmem>>
    %dma_start3A_426 = tpu.memref_squeeze %dma_start3A_425 : memref<1x128x32xf32, #tpu.memory_space<vmem>> -> memref<128x32xf32, #tpu.memory_space<vmem>>
    %dma_start3A_427 = arith.constant 192 : i32
    %dma_start3A_428 = tpu.memref_slice %arg6[%mul3A_4, %dma_start3A_427] : memref<4096x896xf32, #tpu.memory_space<hbm>> -> memref<128x32xf32, #tpu.memory_space<hbm>>
    %dma_start3A_429 = arith.constant 192 : i32
    %dma_start3A_430 = tpu.memref_slice %arg6[%mul3A_4, %dma_start3A_429] : memref<4096x896xf32, #tpu.memory_space<hbm>> -> memref<128x32xf32, #tpu.memory_space<hbm>>
    %dma_start3A_431 = arith.constant 0 : i32
    %dma_start3A_432 = arith.constant 0 : i32
    %dma_start3A_433 = tpu.memref_slice %arg9[%dma_start3A_422, %dma_start3A_431, %dma_start3A_432] : memref<26x128x32xf32, #tpu.memory_space<vmem>> -> memref<1x128x32xf32, #tpu.memory_space<vmem>>
    %dma_start3A_434 = tpu.memref_squeeze %dma_start3A_433 : memref<1x128x32xf32, #tpu.memory_space<vmem>> -> memref<128x32xf32, #tpu.memory_space<vmem>>
    tpu.enqueue_dma source(%dma_start3A_434 : memref<128x32xf32, #tpu.memory_space<vmem>>) target(%dma_start3A_430 : memref<128x32xf32, #tpu.memory_space<hbm>>) target_semaphore(%arg14 : memref<!tpu.dma_semaphore, #tpu.memory_space<semaphore_mem>>)
    %dma_wait3A_435 = arith.constant 7 : i32
    %dma_wait3A_436 = arith.constant 0 : i32
    %dma_wait3A_437 = arith.constant 0 : i32
    %dma_wait3A_438 = tpu.memref_slice %arg9[%dma_wait3A_435, %dma_wait3A_436, %dma_wait3A_437] : memref<26x128x32xf32, #tpu.memory_space<vmem>> -> memref<1x128x32xf32, #tpu.memory_space<vmem>>
    %dma_wait3A_439 = tpu.memref_squeeze %dma_wait3A_438 : memref<1x128x32xf32, #tpu.memory_space<vmem>> -> memref<128x32xf32, #tpu.memory_space<vmem>>
    %dma_wait3A_440 = arith.constant 896 : i32
    %dma_wait3A_441 = tpu.memref_slice %arg8[%dma_wait3A_440] : memref<3328xi32, #tpu.memory_space<vmem>> -> memref<128xi32, #tpu.memory_space<vmem>>
    %dma_wait3A_442 = arith.constant 0 : i32
    %dma_wait3A_443 = arith.constant 0 : i32
    %dma_wait3A_444 = tpu.memref_slice %arg2[%dma_wait3A_442, %dma_wait3A_443] : memref<2600000x32xf32, #tpu.memory_space<hbm>> -> memref<2600000x32xf32, #tpu.memory_space<hbm>>
    tpu.wait_indirect_dma semaphore(%arg13 : memref<!tpu.dma_semaphore, #tpu.memory_space<semaphore_mem>>) src(%dma_wait3A_444 : memref<2600000x32xf32, #tpu.memory_space<hbm>>) dst(%dma_wait3A_439 : memref<128x32xf32, #tpu.memory_space<vmem>>)
    %dma_start3A_445 = arith.constant 7 : i32
    %dma_start3A_446 = arith.constant 0 : i32
    %dma_start3A_447 = arith.constant 0 : i32
    %dma_start3A_448 = tpu.memref_slice %arg9[%dma_start3A_445, %dma_start3A_446, %dma_start3A_447] : memref<26x128x32xf32, #tpu.memory_space<vmem>> -> memref<1x128x32xf32, #tpu.memory_space<vmem>>
    %dma_start3A_449 = tpu.memref_squeeze %dma_start3A_448 : memref<1x128x32xf32, #tpu.memory_space<vmem>> -> memref<128x32xf32, #tpu.memory_space<vmem>>
    %dma_start3A_450 = arith.constant 224 : i32
    %dma_start3A_451 = tpu.memref_slice %arg6[%mul3A_4, %dma_start3A_450] : memref<4096x896xf32, #tpu.memory_space<hbm>> -> memref<128x32xf32, #tpu.memory_space<hbm>>
    %dma_start3A_452 = arith.constant 224 : i32
    %dma_start3A_453 = tpu.memref_slice %arg6[%mul3A_4, %dma_start3A_452] : memref<4096x896xf32, #tpu.memory_space<hbm>> -> memref<128x32xf32, #tpu.memory_space<hbm>>
    %dma_start3A_454 = arith.constant 0 : i32
    %dma_start3A_455 = arith.constant 0 : i32
    %dma_start3A_456 = tpu.memref_slice %arg9[%dma_start3A_445, %dma_start3A_454, %dma_start3A_455] : memref<26x128x32xf32, #tpu.memory_space<vmem>> -> memref<1x128x32xf32, #tpu.memory_space<vmem>>
    %dma_start3A_457 = tpu.memref_squeeze %dma_start3A_456 : memref<1x128x32xf32, #tpu.memory_space<vmem>> -> memref<128x32xf32, #tpu.memory_space<vmem>>
    tpu.enqueue_dma source(%dma_start3A_457 : memref<128x32xf32, #tpu.memory_space<vmem>>) target(%dma_start3A_453 : memref<128x32xf32, #tpu.memory_space<hbm>>) target_semaphore(%arg14 : memref<!tpu.dma_semaphore, #tpu.memory_space<semaphore_mem>>)
    %dma_wait3A_458 = arith.constant 8 : i32
    %dma_wait3A_459 = arith.constant 0 : i32
    %dma_wait3A_460 = arith.constant 0 : i32
    %dma_wait3A_461 = tpu.memref_slice %arg9[%dma_wait3A_458, %dma_wait3A_459, %dma_wait3A_460] : memref<26x128x32xf32, #tpu.memory_space<vmem>> -> memref<1x128x32xf32, #tpu.memory_space<vmem>>
    %dma_wait3A_462 = tpu.memref_squeeze %dma_wait3A_461 : memref<1x128x32xf32, #tpu.memory_space<vmem>> -> memref<128x32xf32, #tpu.memory_space<vmem>>
    %dma_wait3A_463 = arith.constant 1024 : i32
    %dma_wait3A_464 = tpu.memref_slice %arg8[%dma_wait3A_463] : memref<3328xi32, #tpu.memory_space<vmem>> -> memref<128xi32, #tpu.memory_space<vmem>>
    %dma_wait3A_465 = arith.constant 0 : i32
    %dma_wait3A_466 = arith.constant 0 : i32
    %dma_wait3A_467 = tpu.memref_slice %arg2[%dma_wait3A_465, %dma_wait3A_466] : memref<2600000x32xf32, #tpu.memory_space<hbm>> -> memref<2600000x32xf32, #tpu.memory_space<hbm>>
    tpu.wait_indirect_dma semaphore(%arg13 : memref<!tpu.dma_semaphore, #tpu.memory_space<semaphore_mem>>) src(%dma_wait3A_467 : memref<2600000x32xf32, #tpu.memory_space<hbm>>) dst(%dma_wait3A_462 : memref<128x32xf32, #tpu.memory_space<vmem>>)
    %dma_start3A_468 = arith.constant 8 : i32
    %dma_start3A_469 = arith.constant 0 : i32
    %dma_start3A_470 = arith.constant 0 : i32
    %dma_start3A_471 = tpu.memref_slice %arg9[%dma_start3A_468, %dma_start3A_469, %dma_start3A_470] : memref<26x128x32xf32, #tpu.memory_space<vmem>> -> memref<1x128x32xf32, #tpu.memory_space<vmem>>
    %dma_start3A_472 = tpu.memref_squeeze %dma_start3A_471 : memref<1x128x32xf32, #tpu.memory_space<vmem>> -> memref<128x32xf32, #tpu.memory_space<vmem>>
    %dma_start3A_473 = arith.constant 256 : i32
    %dma_start3A_474 = tpu.memref_slice %arg6[%mul3A_4, %dma_start3A_473] : memref<4096x896xf32, #tpu.memory_space<hbm>> -> memref<128x32xf32, #tpu.memory_space<hbm>>
    %dma_start3A_475 = arith.constant 256 : i32
    %dma_start3A_476 = tpu.memref_slice %arg6[%mul3A_4, %dma_start3A_475] : memref<4096x896xf32, #tpu.memory_space<hbm>> -> memref<128x32xf32, #tpu.memory_space<hbm>>
    %dma_start3A_477 = arith.constant 0 : i32
    %dma_start3A_478 = arith.constant 0 : i32
    %dma_start3A_479 = tpu.memref_slice %arg9[%dma_start3A_468, %dma_start3A_477, %dma_start3A_478] : memref<26x128x32xf32, #tpu.memory_space<vmem>> -> memref<1x128x32xf32, #tpu.memory_space<vmem>>
    %dma_start3A_480 = tpu.memref_squeeze %dma_start3A_479 : memref<1x128x32xf32, #tpu.memory_space<vmem>> -> memref<128x32xf32, #tpu.memory_space<vmem>>
    tpu.enqueue_dma source(%dma_start3A_480 : memref<128x32xf32, #tpu.memory_space<vmem>>) target(%dma_start3A_476 : memref<128x32xf32, #tpu.memory_space<hbm>>) target_semaphore(%arg14 : memref<!tpu.dma_semaphore, #tpu.memory_space<semaphore_mem>>)
    %dma_wait3A_481 = arith.constant 9 : i32
    %dma_wait3A_482 = arith.constant 0 : i32
    %dma_wait3A_483 = arith.constant 0 : i32
    %dma_wait3A_484 = tpu.memref_slice %arg9[%dma_wait3A_481, %dma_wait3A_482, %dma_wait3A_483] : memref<26x128x32xf32, #tpu.memory_space<vmem>> -> memref<1x128x32xf32, #tpu.memory_space<vmem>>
    %dma_wait3A_485 = tpu.memref_squeeze %dma_wait3A_484 : memref<1x128x32xf32, #tpu.memory_space<vmem>> -> memref<128x32xf32, #tpu.memory_space<vmem>>
    %dma_wait3A_486 = arith.constant 1152 : i32
    %dma_wait3A_487 = tpu.memref_slice %arg8[%dma_wait3A_486] : memref<3328xi32, #tpu.memory_space<vmem>> -> memref<128xi32, #tpu.memory_space<vmem>>
    %dma_wait3A_488 = arith.constant 0 : i32
    %dma_wait3A_489 = arith.constant 0 : i32
    %dma_wait3A_490 = tpu.memref_slice %arg2[%dma_wait3A_488, %dma_wait3A_489] : memref<2600000x32xf32, #tpu.memory_space<hbm>> -> memref<2600000x32xf32, #tpu.memory_space<hbm>>
    tpu.wait_indirect_dma semaphore(%arg13 : memref<!tpu.dma_semaphore, #tpu.memory_space<semaphore_mem>>) src(%dma_wait3A_490 : memref<2600000x32xf32, #tpu.memory_space<hbm>>) dst(%dma_wait3A_485 : memref<128x32xf32, #tpu.memory_space<vmem>>)
    %dma_start3A_491 = arith.constant 9 : i32
    %dma_start3A_492 = arith.constant 0 : i32
    %dma_start3A_493 = arith.constant 0 : i32
    %dma_start3A_494 = tpu.memref_slice %arg9[%dma_start3A_491, %dma_start3A_492, %dma_start3A_493] : memref<26x128x32xf32, #tpu.memory_space<vmem>> -> memref<1x128x32xf32, #tpu.memory_space<vmem>>
    %dma_start3A_495 = tpu.memref_squeeze %dma_start3A_494 : memref<1x128x32xf32, #tpu.memory_space<vmem>> -> memref<128x32xf32, #tpu.memory_space<vmem>>
    %dma_start3A_496 = arith.constant 288 : i32
    %dma_start3A_497 = tpu.memref_slice %arg6[%mul3A_4, %dma_start3A_496] : memref<4096x896xf32, #tpu.memory_space<hbm>> -> memref<128x32xf32, #tpu.memory_space<hbm>>
    %dma_start3A_498 = arith.constant 288 : i32
    %dma_start3A_499 = tpu.memref_slice %arg6[%mul3A_4, %dma_start3A_498] : memref<4096x896xf32, #tpu.memory_space<hbm>> -> memref<128x32xf32, #tpu.memory_space<hbm>>
    %dma_start3A_500 = arith.constant 0 : i32
    %dma_start3A_501 = arith.constant 0 : i32
    %dma_start3A_502 = tpu.memref_slice %arg9[%dma_start3A_491, %dma_start3A_500, %dma_start3A_501] : memref<26x128x32xf32, #tpu.memory_space<vmem>> -> memref<1x128x32xf32, #tpu.memory_space<vmem>>
    %dma_start3A_503 = tpu.memref_squeeze %dma_start3A_502 : memref<1x128x32xf32, #tpu.memory_space<vmem>> -> memref<128x32xf32, #tpu.memory_space<vmem>>
    tpu.enqueue_dma source(%dma_start3A_503 : memref<128x32xf32, #tpu.memory_space<vmem>>) target(%dma_start3A_499 : memref<128x32xf32, #tpu.memory_space<hbm>>) target_semaphore(%arg14 : memref<!tpu.dma_semaphore, #tpu.memory_space<semaphore_mem>>)
    %dma_wait3A_504 = arith.constant 10 : i32
    %dma_wait3A_505 = arith.constant 0 : i32
    %dma_wait3A_506 = arith.constant 0 : i32
    %dma_wait3A_507 = tpu.memref_slice %arg9[%dma_wait3A_504, %dma_wait3A_505, %dma_wait3A_506] : memref<26x128x32xf32, #tpu.memory_space<vmem>> -> memref<1x128x32xf32, #tpu.memory_space<vmem>>
    %dma_wait3A_508 = tpu.memref_squeeze %dma_wait3A_507 : memref<1x128x32xf32, #tpu.memory_space<vmem>> -> memref<128x32xf32, #tpu.memory_space<vmem>>
    %dma_wait3A_509 = arith.constant 1280 : i32
    %dma_wait3A_510 = tpu.memref_slice %arg8[%dma_wait3A_509] : memref<3328xi32, #tpu.memory_space<vmem>> -> memref<128xi32, #tpu.memory_space<vmem>>
    %dma_wait3A_511 = arith.constant 0 : i32
    %dma_wait3A_512 = arith.constant 0 : i32
    %dma_wait3A_513 = tpu.memref_slice %arg2[%dma_wait3A_511, %dma_wait3A_512] : memref<2600000x32xf32, #tpu.memory_space<hbm>> -> memref<2600000x32xf32, #tpu.memory_space<hbm>>
    tpu.wait_indirect_dma semaphore(%arg13 : memref<!tpu.dma_semaphore, #tpu.memory_space<semaphore_mem>>) src(%dma_wait3A_513 : memref<2600000x32xf32, #tpu.memory_space<hbm>>) dst(%dma_wait3A_508 : memref<128x32xf32, #tpu.memory_space<vmem>>)
    %dma_start3A_514 = arith.constant 10 : i32
    %dma_start3A_515 = arith.constant 0 : i32
    %dma_start3A_516 = arith.constant 0 : i32
    %dma_start3A_517 = tpu.memref_slice %arg9[%dma_start3A_514, %dma_start3A_515, %dma_start3A_516] : memref<26x128x32xf32, #tpu.memory_space<vmem>> -> memref<1x128x32xf32, #tpu.memory_space<vmem>>
    %dma_start3A_518 = tpu.memref_squeeze %dma_start3A_517 : memref<1x128x32xf32, #tpu.memory_space<vmem>> -> memref<128x32xf32, #tpu.memory_space<vmem>>
    %dma_start3A_519 = arith.constant 320 : i32
    %dma_start3A_520 = tpu.memref_slice %arg6[%mul3A_4, %dma_start3A_519] : memref<4096x896xf32, #tpu.memory_space<hbm>> -> memref<128x32xf32, #tpu.memory_space<hbm>>
    %dma_start3A_521 = arith.constant 320 : i32
    %dma_start3A_522 = tpu.memref_slice %arg6[%mul3A_4, %dma_start3A_521] : memref<4096x896xf32, #tpu.memory_space<hbm>> -> memref<128x32xf32, #tpu.memory_space<hbm>>
    %dma_start3A_523 = arith.constant 0 : i32
    %dma_start3A_524 = arith.constant 0 : i32
    %dma_start3A_525 = tpu.memref_slice %arg9[%dma_start3A_514, %dma_start3A_523, %dma_start3A_524] : memref<26x128x32xf32, #tpu.memory_space<vmem>> -> memref<1x128x32xf32, #tpu.memory_space<vmem>>
    %dma_start3A_526 = tpu.memref_squeeze %dma_start3A_525 : memref<1x128x32xf32, #tpu.memory_space<vmem>> -> memref<128x32xf32, #tpu.memory_space<vmem>>
    tpu.enqueue_dma source(%dma_start3A_526 : memref<128x32xf32, #tpu.memory_space<vmem>>) target(%dma_start3A_522 : memref<128x32xf32, #tpu.memory_space<hbm>>) target_semaphore(%arg14 : memref<!tpu.dma_semaphore, #tpu.memory_space<semaphore_mem>>)
    %dma_wait3A_527 = arith.constant 11 : i32
    %dma_wait3A_528 = arith.constant 0 : i32
    %dma_wait3A_529 = arith.constant 0 : i32
    %dma_wait3A_530 = tpu.memref_slice %arg9[%dma_wait3A_527, %dma_wait3A_528, %dma_wait3A_529] : memref<26x128x32xf32, #tpu.memory_space<vmem>> -> memref<1x128x32xf32, #tpu.memory_space<vmem>>
    %dma_wait3A_531 = tpu.memref_squeeze %dma_wait3A_530 : memref<1x128x32xf32, #tpu.memory_space<vmem>> -> memref<128x32xf32, #tpu.memory_space<vmem>>
    %dma_wait3A_532 = arith.constant 1408 : i32
    %dma_wait3A_533 = tpu.memref_slice %arg8[%dma_wait3A_532] : memref<3328xi32, #tpu.memory_space<vmem>> -> memref<128xi32, #tpu.memory_space<vmem>>
    %dma_wait3A_534 = arith.constant 0 : i32
    %dma_wait3A_535 = arith.constant 0 : i32
    %dma_wait3A_536 = tpu.memref_slice %arg2[%dma_wait3A_534, %dma_wait3A_535] : memref<2600000x32xf32, #tpu.memory_space<hbm>> -> memref<2600000x32xf32, #tpu.memory_space<hbm>>
    tpu.wait_indirect_dma semaphore(%arg13 : memref<!tpu.dma_semaphore, #tpu.memory_space<semaphore_mem>>) src(%dma_wait3A_536 : memref<2600000x32xf32, #tpu.memory_space<hbm>>) dst(%dma_wait3A_531 : memref<128x32xf32, #tpu.memory_space<vmem>>)
    %dma_start3A_537 = arith.constant 11 : i32
    %dma_start3A_538 = arith.constant 0 : i32
    %dma_start3A_539 = arith.constant 0 : i32
    %dma_start3A_540 = tpu.memref_slice %arg9[%dma_start3A_537, %dma_start3A_538, %dma_start3A_539] : memref<26x128x32xf32, #tpu.memory_space<vmem>> -> memref<1x128x32xf32, #tpu.memory_space<vmem>>
    %dma_start3A_541 = tpu.memref_squeeze %dma_start3A_540 : memref<1x128x32xf32, #tpu.memory_space<vmem>> -> memref<128x32xf32, #tpu.memory_space<vmem>>
    %dma_start3A_542 = arith.constant 352 : i32
    %dma_start3A_543 = tpu.memref_slice %arg6[%mul3A_4, %dma_start3A_542] : memref<4096x896xf32, #tpu.memory_space<hbm>> -> memref<128x32xf32, #tpu.memory_space<hbm>>
    %dma_start3A_544 = arith.constant 352 : i32
    %dma_start3A_545 = tpu.memref_slice %arg6[%mul3A_4, %dma_start3A_544] : memref<4096x896xf32, #tpu.memory_space<hbm>> -> memref<128x32xf32, #tpu.memory_space<hbm>>
    %dma_start3A_546 = arith.constant 0 : i32
    %dma_start3A_547 = arith.constant 0 : i32
    %dma_start3A_548 = tpu.memref_slice %arg9[%dma_start3A_537, %dma_start3A_546, %dma_start3A_547] : memref<26x128x32xf32, #tpu.memory_space<vmem>> -> memref<1x128x32xf32, #tpu.memory_space<vmem>>
    %dma_start3A_549 = tpu.memref_squeeze %dma_start3A_548 : memref<1x128x32xf32, #tpu.memory_space<vmem>> -> memref<128x32xf32, #tpu.memory_space<vmem>>
    tpu.enqueue_dma source(%dma_start3A_549 : memref<128x32xf32, #tpu.memory_space<vmem>>) target(%dma_start3A_545 : memref<128x32xf32, #tpu.memory_space<hbm>>) target_semaphore(%arg14 : memref<!tpu.dma_semaphore, #tpu.memory_space<semaphore_mem>>)
    %dma_wait3A_550 = arith.constant 12 : i32
    %dma_wait3A_551 = arith.constant 0 : i32
    %dma_wait3A_552 = arith.constant 0 : i32
    %dma_wait3A_553 = tpu.memref_slice %arg9[%dma_wait3A_550, %dma_wait3A_551, %dma_wait3A_552] : memref<26x128x32xf32, #tpu.memory_space<vmem>> -> memref<1x128x32xf32, #tpu.memory_space<vmem>>
    %dma_wait3A_554 = tpu.memref_squeeze %dma_wait3A_553 : memref<1x128x32xf32, #tpu.memory_space<vmem>> -> memref<128x32xf32, #tpu.memory_space<vmem>>
    %dma_wait3A_555 = arith.constant 1536 : i32
    %dma_wait3A_556 = tpu.memref_slice %arg8[%dma_wait3A_555] : memref<3328xi32, #tpu.memory_space<vmem>> -> memref<128xi32, #tpu.memory_space<vmem>>
    %dma_wait3A_557 = arith.constant 0 : i32
    %dma_wait3A_558 = arith.constant 0 : i32
    %dma_wait3A_559 = tpu.memref_slice %arg2[%dma_wait3A_557, %dma_wait3A_558] : memref<2600000x32xf32, #tpu.memory_space<hbm>> -> memref<2600000x32xf32, #tpu.memory_space<hbm>>
    tpu.wait_indirect_dma semaphore(%arg13 : memref<!tpu.dma_semaphore, #tpu.memory_space<semaphore_mem>>) src(%dma_wait3A_559 : memref<2600000x32xf32, #tpu.memory_space<hbm>>) dst(%dma_wait3A_554 : memref<128x32xf32, #tpu.memory_space<vmem>>)
    %dma_start3A_560 = arith.constant 12 : i32
    %dma_start3A_561 = arith.constant 0 : i32
    %dma_start3A_562 = arith.constant 0 : i32
    %dma_start3A_563 = tpu.memref_slice %arg9[%dma_start3A_560, %dma_start3A_561, %dma_start3A_562] : memref<26x128x32xf32, #tpu.memory_space<vmem>> -> memref<1x128x32xf32, #tpu.memory_space<vmem>>
    %dma_start3A_564 = tpu.memref_squeeze %dma_start3A_563 : memref<1x128x32xf32, #tpu.memory_space<vmem>> -> memref<128x32xf32, #tpu.memory_space<vmem>>
    %dma_start3A_565 = arith.constant 384 : i32
    %dma_start3A_566 = tpu.memref_slice %arg6[%mul3A_4, %dma_start3A_565] : memref<4096x896xf32, #tpu.memory_space<hbm>> -> memref<128x32xf32, #tpu.memory_space<hbm>>
    %dma_start3A_567 = arith.constant 384 : i32
    %dma_start3A_568 = tpu.memref_slice %arg6[%mul3A_4, %dma_start3A_567] : memref<4096x896xf32, #tpu.memory_space<hbm>> -> memref<128x32xf32, #tpu.memory_space<hbm>>
    %dma_start3A_569 = arith.constant 0 : i32
    %dma_start3A_570 = arith.constant 0 : i32
    %dma_start3A_571 = tpu.memref_slice %arg9[%dma_start3A_560, %dma_start3A_569, %dma_start3A_570] : memref<26x128x32xf32, #tpu.memory_space<vmem>> -> memref<1x128x32xf32, #tpu.memory_space<vmem>>
    %dma_start3A_572 = tpu.memref_squeeze %dma_start3A_571 : memref<1x128x32xf32, #tpu.memory_space<vmem>> -> memref<128x32xf32, #tpu.memory_space<vmem>>
    tpu.enqueue_dma source(%dma_start3A_572 : memref<128x32xf32, #tpu.memory_space<vmem>>) target(%dma_start3A_568 : memref<128x32xf32, #tpu.memory_space<hbm>>) target_semaphore(%arg14 : memref<!tpu.dma_semaphore, #tpu.memory_space<semaphore_mem>>)
    %dma_wait3A_573 = arith.constant 13 : i32
    %dma_wait3A_574 = arith.constant 0 : i32
    %dma_wait3A_575 = arith.constant 0 : i32
    %dma_wait3A_576 = tpu.memref_slice %arg9[%dma_wait3A_573, %dma_wait3A_574, %dma_wait3A_575] : memref<26x128x32xf32, #tpu.memory_space<vmem>> -> memref<1x128x32xf32, #tpu.memory_space<vmem>>
    %dma_wait3A_577 = tpu.memref_squeeze %dma_wait3A_576 : memref<1x128x32xf32, #tpu.memory_space<vmem>> -> memref<128x32xf32, #tpu.memory_space<vmem>>
    %dma_wait3A_578 = arith.constant 1664 : i32
    %dma_wait3A_579 = tpu.memref_slice %arg8[%dma_wait3A_578] : memref<3328xi32, #tpu.memory_space<vmem>> -> memref<128xi32, #tpu.memory_space<vmem>>
    %dma_wait3A_580 = arith.constant 0 : i32
    %dma_wait3A_581 = arith.constant 0 : i32
    %dma_wait3A_582 = tpu.memref_slice %arg2[%dma_wait3A_580, %dma_wait3A_581] : memref<2600000x32xf32, #tpu.memory_space<hbm>> -> memref<2600000x32xf32, #tpu.memory_space<hbm>>
    tpu.wait_indirect_dma semaphore(%arg13 : memref<!tpu.dma_semaphore, #tpu.memory_space<semaphore_mem>>) src(%dma_wait3A_582 : memref<2600000x32xf32, #tpu.memory_space<hbm>>) dst(%dma_wait3A_577 : memref<128x32xf32, #tpu.memory_space<vmem>>)
    %dma_start3A_583 = arith.constant 13 : i32
    %dma_start3A_584 = arith.constant 0 : i32
    %dma_start3A_585 = arith.constant 0 : i32
    %dma_start3A_586 = tpu.memref_slice %arg9[%dma_start3A_583, %dma_start3A_584, %dma_start3A_585] : memref<26x128x32xf32, #tpu.memory_space<vmem>> -> memref<1x128x32xf32, #tpu.memory_space<vmem>>
    %dma_start3A_587 = tpu.memref_squeeze %dma_start3A_586 : memref<1x128x32xf32, #tpu.memory_space<vmem>> -> memref<128x32xf32, #tpu.memory_space<vmem>>
    %dma_start3A_588 = arith.constant 416 : i32
    %dma_start3A_589 = tpu.memref_slice %arg6[%mul3A_4, %dma_start3A_588] : memref<4096x896xf32, #tpu.memory_space<hbm>> -> memref<128x32xf32, #tpu.memory_space<hbm>>
    %dma_start3A_590 = arith.constant 416 : i32
    %dma_start3A_591 = tpu.memref_slice %arg6[%mul3A_4, %dma_start3A_590] : memref<4096x896xf32, #tpu.memory_space<hbm>> -> memref<128x32xf32, #tpu.memory_space<hbm>>
    %dma_start3A_592 = arith.constant 0 : i32
    %dma_start3A_593 = arith.constant 0 : i32
    %dma_start3A_594 = tpu.memref_slice %arg9[%dma_start3A_583, %dma_start3A_592, %dma_start3A_593] : memref<26x128x32xf32, #tpu.memory_space<vmem>> -> memref<1x128x32xf32, #tpu.memory_space<vmem>>
    %dma_start3A_595 = tpu.memref_squeeze %dma_start3A_594 : memref<1x128x32xf32, #tpu.memory_space<vmem>> -> memref<128x32xf32, #tpu.memory_space<vmem>>
    tpu.enqueue_dma source(%dma_start3A_595 : memref<128x32xf32, #tpu.memory_space<vmem>>) target(%dma_start3A_591 : memref<128x32xf32, #tpu.memory_space<hbm>>) target_semaphore(%arg14 : memref<!tpu.dma_semaphore, #tpu.memory_space<semaphore_mem>>)
    %dma_wait3A_596 = arith.constant 14 : i32
    %dma_wait3A_597 = arith.constant 0 : i32
    %dma_wait3A_598 = arith.constant 0 : i32
    %dma_wait3A_599 = tpu.memref_slice %arg9[%dma_wait3A_596, %dma_wait3A_597, %dma_wait3A_598] : memref<26x128x32xf32, #tpu.memory_space<vmem>> -> memref<1x128x32xf32, #tpu.memory_space<vmem>>
    %dma_wait3A_600 = tpu.memref_squeeze %dma_wait3A_599 : memref<1x128x32xf32, #tpu.memory_space<vmem>> -> memref<128x32xf32, #tpu.memory_space<vmem>>
    %dma_wait3A_601 = arith.constant 1792 : i32
    %dma_wait3A_602 = tpu.memref_slice %arg8[%dma_wait3A_601] : memref<3328xi32, #tpu.memory_space<vmem>> -> memref<128xi32, #tpu.memory_space<vmem>>
    %dma_wait3A_603 = arith.constant 0 : i32
    %dma_wait3A_604 = arith.constant 0 : i32
    %dma_wait3A_605 = tpu.memref_slice %arg2[%dma_wait3A_603, %dma_wait3A_604] : memref<2600000x32xf32, #tpu.memory_space<hbm>> -> memref<2600000x32xf32, #tpu.memory_space<hbm>>
    tpu.wait_indirect_dma semaphore(%arg13 : memref<!tpu.dma_semaphore, #tpu.memory_space<semaphore_mem>>) src(%dma_wait3A_605 : memref<2600000x32xf32, #tpu.memory_space<hbm>>) dst(%dma_wait3A_600 : memref<128x32xf32, #tpu.memory_space<vmem>>)
    %dma_start3A_606 = arith.constant 14 : i32
    %dma_start3A_607 = arith.constant 0 : i32
    %dma_start3A_608 = arith.constant 0 : i32
    %dma_start3A_609 = tpu.memref_slice %arg9[%dma_start3A_606, %dma_start3A_607, %dma_start3A_608] : memref<26x128x32xf32, #tpu.memory_space<vmem>> -> memref<1x128x32xf32, #tpu.memory_space<vmem>>
    %dma_start3A_610 = tpu.memref_squeeze %dma_start3A_609 : memref<1x128x32xf32, #tpu.memory_space<vmem>> -> memref<128x32xf32, #tpu.memory_space<vmem>>
    %dma_start3A_611 = arith.constant 448 : i32
    %dma_start3A_612 = tpu.memref_slice %arg6[%mul3A_4, %dma_start3A_611] : memref<4096x896xf32, #tpu.memory_space<hbm>> -> memref<128x32xf32, #tpu.memory_space<hbm>>
    %dma_start3A_613 = arith.constant 448 : i32
    %dma_start3A_614 = tpu.memref_slice %arg6[%mul3A_4, %dma_start3A_613] : memref<4096x896xf32, #tpu.memory_space<hbm>> -> memref<128x32xf32, #tpu.memory_space<hbm>>
    %dma_start3A_615 = arith.constant 0 : i32
    %dma_start3A_616 = arith.constant 0 : i32
    %dma_start3A_617 = tpu.memref_slice %arg9[%dma_start3A_606, %dma_start3A_615, %dma_start3A_616] : memref<26x128x32xf32, #tpu.memory_space<vmem>> -> memref<1x128x32xf32, #tpu.memory_space<vmem>>
    %dma_start3A_618 = tpu.memref_squeeze %dma_start3A_617 : memref<1x128x32xf32, #tpu.memory_space<vmem>> -> memref<128x32xf32, #tpu.memory_space<vmem>>
    tpu.enqueue_dma source(%dma_start3A_618 : memref<128x32xf32, #tpu.memory_space<vmem>>) target(%dma_start3A_614 : memref<128x32xf32, #tpu.memory_space<hbm>>) target_semaphore(%arg14 : memref<!tpu.dma_semaphore, #tpu.memory_space<semaphore_mem>>)
    %dma_wait3A_619 = arith.constant 15 : i32
    %dma_wait3A_620 = arith.constant 0 : i32
    %dma_wait3A_621 = arith.constant 0 : i32
    %dma_wait3A_622 = tpu.memref_slice %arg9[%dma_wait3A_619, %dma_wait3A_620, %dma_wait3A_621] : memref<26x128x32xf32, #tpu.memory_space<vmem>> -> memref<1x128x32xf32, #tpu.memory_space<vmem>>
    %dma_wait3A_623 = tpu.memref_squeeze %dma_wait3A_622 : memref<1x128x32xf32, #tpu.memory_space<vmem>> -> memref<128x32xf32, #tpu.memory_space<vmem>>
    %dma_wait3A_624 = arith.constant 1920 : i32
    %dma_wait3A_625 = tpu.memref_slice %arg8[%dma_wait3A_624] : memref<3328xi32, #tpu.memory_space<vmem>> -> memref<128xi32, #tpu.memory_space<vmem>>
    %dma_wait3A_626 = arith.constant 0 : i32
    %dma_wait3A_627 = arith.constant 0 : i32
    %dma_wait3A_628 = tpu.memref_slice %arg2[%dma_wait3A_626, %dma_wait3A_627] : memref<2600000x32xf32, #tpu.memory_space<hbm>> -> memref<2600000x32xf32, #tpu.memory_space<hbm>>
    tpu.wait_indirect_dma semaphore(%arg13 : memref<!tpu.dma_semaphore, #tpu.memory_space<semaphore_mem>>) src(%dma_wait3A_628 : memref<2600000x32xf32, #tpu.memory_space<hbm>>) dst(%dma_wait3A_623 : memref<128x32xf32, #tpu.memory_space<vmem>>)
    %dma_start3A_629 = arith.constant 15 : i32
    %dma_start3A_630 = arith.constant 0 : i32
    %dma_start3A_631 = arith.constant 0 : i32
    %dma_start3A_632 = tpu.memref_slice %arg9[%dma_start3A_629, %dma_start3A_630, %dma_start3A_631] : memref<26x128x32xf32, #tpu.memory_space<vmem>> -> memref<1x128x32xf32, #tpu.memory_space<vmem>>
    %dma_start3A_633 = tpu.memref_squeeze %dma_start3A_632 : memref<1x128x32xf32, #tpu.memory_space<vmem>> -> memref<128x32xf32, #tpu.memory_space<vmem>>
    %dma_start3A_634 = arith.constant 480 : i32
    %dma_start3A_635 = tpu.memref_slice %arg6[%mul3A_4, %dma_start3A_634] : memref<4096x896xf32, #tpu.memory_space<hbm>> -> memref<128x32xf32, #tpu.memory_space<hbm>>
    %dma_start3A_636 = arith.constant 480 : i32
    %dma_start3A_637 = tpu.memref_slice %arg6[%mul3A_4, %dma_start3A_636] : memref<4096x896xf32, #tpu.memory_space<hbm>> -> memref<128x32xf32, #tpu.memory_space<hbm>>
    %dma_start3A_638 = arith.constant 0 : i32
    %dma_start3A_639 = arith.constant 0 : i32
    %dma_start3A_640 = tpu.memref_slice %arg9[%dma_start3A_629, %dma_start3A_638, %dma_start3A_639] : memref<26x128x32xf32, #tpu.memory_space<vmem>> -> memref<1x128x32xf32, #tpu.memory_space<vmem>>
    %dma_start3A_641 = tpu.memref_squeeze %dma_start3A_640 : memref<1x128x32xf32, #tpu.memory_space<vmem>> -> memref<128x32xf32, #tpu.memory_space<vmem>>
    tpu.enqueue_dma source(%dma_start3A_641 : memref<128x32xf32, #tpu.memory_space<vmem>>) target(%dma_start3A_637 : memref<128x32xf32, #tpu.memory_space<hbm>>) target_semaphore(%arg14 : memref<!tpu.dma_semaphore, #tpu.memory_space<semaphore_mem>>)
    %dma_wait3A_642 = arith.constant 16 : i32
    %dma_wait3A_643 = arith.constant 0 : i32
    %dma_wait3A_644 = arith.constant 0 : i32
    %dma_wait3A_645 = tpu.memref_slice %arg9[%dma_wait3A_642, %dma_wait3A_643, %dma_wait3A_644] : memref<26x128x32xf32, #tpu.memory_space<vmem>> -> memref<1x128x32xf32, #tpu.memory_space<vmem>>
    %dma_wait3A_646 = tpu.memref_squeeze %dma_wait3A_645 : memref<1x128x32xf32, #tpu.memory_space<vmem>> -> memref<128x32xf32, #tpu.memory_space<vmem>>
    %dma_wait3A_647 = arith.constant 2048 : i32
    %dma_wait3A_648 = tpu.memref_slice %arg8[%dma_wait3A_647] : memref<3328xi32, #tpu.memory_space<vmem>> -> memref<128xi32, #tpu.memory_space<vmem>>
    %dma_wait3A_649 = arith.constant 0 : i32
    %dma_wait3A_650 = arith.constant 0 : i32
    %dma_wait3A_651 = tpu.memref_slice %arg2[%dma_wait3A_649, %dma_wait3A_650] : memref<2600000x32xf32, #tpu.memory_space<hbm>> -> memref<2600000x32xf32, #tpu.memory_space<hbm>>
    tpu.wait_indirect_dma semaphore(%arg13 : memref<!tpu.dma_semaphore, #tpu.memory_space<semaphore_mem>>) src(%dma_wait3A_651 : memref<2600000x32xf32, #tpu.memory_space<hbm>>) dst(%dma_wait3A_646 : memref<128x32xf32, #tpu.memory_space<vmem>>)
    %dma_start3A_652 = arith.constant 16 : i32
    %dma_start3A_653 = arith.constant 0 : i32
    %dma_start3A_654 = arith.constant 0 : i32
    %dma_start3A_655 = tpu.memref_slice %arg9[%dma_start3A_652, %dma_start3A_653, %dma_start3A_654] : memref<26x128x32xf32, #tpu.memory_space<vmem>> -> memref<1x128x32xf32, #tpu.memory_space<vmem>>
    %dma_start3A_656 = tpu.memref_squeeze %dma_start3A_655 : memref<1x128x32xf32, #tpu.memory_space<vmem>> -> memref<128x32xf32, #tpu.memory_space<vmem>>
    %dma_start3A_657 = arith.constant 512 : i32
    %dma_start3A_658 = tpu.memref_slice %arg6[%mul3A_4, %dma_start3A_657] : memref<4096x896xf32, #tpu.memory_space<hbm>> -> memref<128x32xf32, #tpu.memory_space<hbm>>
    %dma_start3A_659 = arith.constant 512 : i32
    %dma_start3A_660 = tpu.memref_slice %arg6[%mul3A_4, %dma_start3A_659] : memref<4096x896xf32, #tpu.memory_space<hbm>> -> memref<128x32xf32, #tpu.memory_space<hbm>>
    %dma_start3A_661 = arith.constant 0 : i32
    %dma_start3A_662 = arith.constant 0 : i32
    %dma_start3A_663 = tpu.memref_slice %arg9[%dma_start3A_652, %dma_start3A_661, %dma_start3A_662] : memref<26x128x32xf32, #tpu.memory_space<vmem>> -> memref<1x128x32xf32, #tpu.memory_space<vmem>>
    %dma_start3A_664 = tpu.memref_squeeze %dma_start3A_663 : memref<1x128x32xf32, #tpu.memory_space<vmem>> -> memref<128x32xf32, #tpu.memory_space<vmem>>
    tpu.enqueue_dma source(%dma_start3A_664 : memref<128x32xf32, #tpu.memory_space<vmem>>) target(%dma_start3A_660 : memref<128x32xf32, #tpu.memory_space<hbm>>) target_semaphore(%arg14 : memref<!tpu.dma_semaphore, #tpu.memory_space<semaphore_mem>>)
    %dma_wait3A_665 = arith.constant 17 : i32
    %dma_wait3A_666 = arith.constant 0 : i32
    %dma_wait3A_667 = arith.constant 0 : i32
    %dma_wait3A_668 = tpu.memref_slice %arg9[%dma_wait3A_665, %dma_wait3A_666, %dma_wait3A_667] : memref<26x128x32xf32, #tpu.memory_space<vmem>> -> memref<1x128x32xf32, #tpu.memory_space<vmem>>
    %dma_wait3A_669 = tpu.memref_squeeze %dma_wait3A_668 : memref<1x128x32xf32, #tpu.memory_space<vmem>> -> memref<128x32xf32, #tpu.memory_space<vmem>>
    %dma_wait3A_670 = arith.constant 2176 : i32
    %dma_wait3A_671 = tpu.memref_slice %arg8[%dma_wait3A_670] : memref<3328xi32, #tpu.memory_space<vmem>> -> memref<128xi32, #tpu.memory_space<vmem>>
    %dma_wait3A_672 = arith.constant 0 : i32
    %dma_wait3A_673 = arith.constant 0 : i32
    %dma_wait3A_674 = tpu.memref_slice %arg2[%dma_wait3A_672, %dma_wait3A_673] : memref<2600000x32xf32, #tpu.memory_space<hbm>> -> memref<2600000x32xf32, #tpu.memory_space<hbm>>
    tpu.wait_indirect_dma semaphore(%arg13 : memref<!tpu.dma_semaphore, #tpu.memory_space<semaphore_mem>>) src(%dma_wait3A_674 : memref<2600000x32xf32, #tpu.memory_space<hbm>>) dst(%dma_wait3A_669 : memref<128x32xf32, #tpu.memory_space<vmem>>)
    %dma_start3A_675 = arith.constant 17 : i32
    %dma_start3A_676 = arith.constant 0 : i32
    %dma_start3A_677 = arith.constant 0 : i32
    %dma_start3A_678 = tpu.memref_slice %arg9[%dma_start3A_675, %dma_start3A_676, %dma_start3A_677] : memref<26x128x32xf32, #tpu.memory_space<vmem>> -> memref<1x128x32xf32, #tpu.memory_space<vmem>>
    %dma_start3A_679 = tpu.memref_squeeze %dma_start3A_678 : memref<1x128x32xf32, #tpu.memory_space<vmem>> -> memref<128x32xf32, #tpu.memory_space<vmem>>
    %dma_start3A_680 = arith.constant 544 : i32
    %dma_start3A_681 = tpu.memref_slice %arg6[%mul3A_4, %dma_start3A_680] : memref<4096x896xf32, #tpu.memory_space<hbm>> -> memref<128x32xf32, #tpu.memory_space<hbm>>
    %dma_start3A_682 = arith.constant 544 : i32
    %dma_start3A_683 = tpu.memref_slice %arg6[%mul3A_4, %dma_start3A_682] : memref<4096x896xf32, #tpu.memory_space<hbm>> -> memref<128x32xf32, #tpu.memory_space<hbm>>
    %dma_start3A_684 = arith.constant 0 : i32
    %dma_start3A_685 = arith.constant 0 : i32
    %dma_start3A_686 = tpu.memref_slice %arg9[%dma_start3A_675, %dma_start3A_684, %dma_start3A_685] : memref<26x128x32xf32, #tpu.memory_space<vmem>> -> memref<1x128x32xf32, #tpu.memory_space<vmem>>
    %dma_start3A_687 = tpu.memref_squeeze %dma_start3A_686 : memref<1x128x32xf32, #tpu.memory_space<vmem>> -> memref<128x32xf32, #tpu.memory_space<vmem>>
    tpu.enqueue_dma source(%dma_start3A_687 : memref<128x32xf32, #tpu.memory_space<vmem>>) target(%dma_start3A_683 : memref<128x32xf32, #tpu.memory_space<hbm>>) target_semaphore(%arg14 : memref<!tpu.dma_semaphore, #tpu.memory_space<semaphore_mem>>)
    %dma_wait3A_688 = arith.constant 18 : i32
    %dma_wait3A_689 = arith.constant 0 : i32
    %dma_wait3A_690 = arith.constant 0 : i32
    %dma_wait3A_691 = tpu.memref_slice %arg9[%dma_wait3A_688, %dma_wait3A_689, %dma_wait3A_690] : memref<26x128x32xf32, #tpu.memory_space<vmem>> -> memref<1x128x32xf32, #tpu.memory_space<vmem>>
    %dma_wait3A_692 = tpu.memref_squeeze %dma_wait3A_691 : memref<1x128x32xf32, #tpu.memory_space<vmem>> -> memref<128x32xf32, #tpu.memory_space<vmem>>
    %dma_wait3A_693 = arith.constant 2304 : i32
    %dma_wait3A_694 = tpu.memref_slice %arg8[%dma_wait3A_693] : memref<3328xi32, #tpu.memory_space<vmem>> -> memref<128xi32, #tpu.memory_space<vmem>>
    %dma_wait3A_695 = arith.constant 0 : i32
    %dma_wait3A_696 = arith.constant 0 : i32
    %dma_wait3A_697 = tpu.memref_slice %arg2[%dma_wait3A_695, %dma_wait3A_696] : memref<2600000x32xf32, #tpu.memory_space<hbm>> -> memref<2600000x32xf32, #tpu.memory_space<hbm>>
    tpu.wait_indirect_dma semaphore(%arg13 : memref<!tpu.dma_semaphore, #tpu.memory_space<semaphore_mem>>) src(%dma_wait3A_697 : memref<2600000x32xf32, #tpu.memory_space<hbm>>) dst(%dma_wait3A_692 : memref<128x32xf32, #tpu.memory_space<vmem>>)
    %dma_start3A_698 = arith.constant 18 : i32
    %dma_start3A_699 = arith.constant 0 : i32
    %dma_start3A_700 = arith.constant 0 : i32
    %dma_start3A_701 = tpu.memref_slice %arg9[%dma_start3A_698, %dma_start3A_699, %dma_start3A_700] : memref<26x128x32xf32, #tpu.memory_space<vmem>> -> memref<1x128x32xf32, #tpu.memory_space<vmem>>
    %dma_start3A_702 = tpu.memref_squeeze %dma_start3A_701 : memref<1x128x32xf32, #tpu.memory_space<vmem>> -> memref<128x32xf32, #tpu.memory_space<vmem>>
    %dma_start3A_703 = arith.constant 576 : i32
    %dma_start3A_704 = tpu.memref_slice %arg6[%mul3A_4, %dma_start3A_703] : memref<4096x896xf32, #tpu.memory_space<hbm>> -> memref<128x32xf32, #tpu.memory_space<hbm>>
    %dma_start3A_705 = arith.constant 576 : i32
    %dma_start3A_706 = tpu.memref_slice %arg6[%mul3A_4, %dma_start3A_705] : memref<4096x896xf32, #tpu.memory_space<hbm>> -> memref<128x32xf32, #tpu.memory_space<hbm>>
    %dma_start3A_707 = arith.constant 0 : i32
    %dma_start3A_708 = arith.constant 0 : i32
    %dma_start3A_709 = tpu.memref_slice %arg9[%dma_start3A_698, %dma_start3A_707, %dma_start3A_708] : memref<26x128x32xf32, #tpu.memory_space<vmem>> -> memref<1x128x32xf32, #tpu.memory_space<vmem>>
    %dma_start3A_710 = tpu.memref_squeeze %dma_start3A_709 : memref<1x128x32xf32, #tpu.memory_space<vmem>> -> memref<128x32xf32, #tpu.memory_space<vmem>>
    tpu.enqueue_dma source(%dma_start3A_710 : memref<128x32xf32, #tpu.memory_space<vmem>>) target(%dma_start3A_706 : memref<128x32xf32, #tpu.memory_space<hbm>>) target_semaphore(%arg14 : memref<!tpu.dma_semaphore, #tpu.memory_space<semaphore_mem>>)
    %dma_wait3A_711 = arith.constant 19 : i32
    %dma_wait3A_712 = arith.constant 0 : i32
    %dma_wait3A_713 = arith.constant 0 : i32
    %dma_wait3A_714 = tpu.memref_slice %arg9[%dma_wait3A_711, %dma_wait3A_712, %dma_wait3A_713] : memref<26x128x32xf32, #tpu.memory_space<vmem>> -> memref<1x128x32xf32, #tpu.memory_space<vmem>>
    %dma_wait3A_715 = tpu.memref_squeeze %dma_wait3A_714 : memref<1x128x32xf32, #tpu.memory_space<vmem>> -> memref<128x32xf32, #tpu.memory_space<vmem>>
    %dma_wait3A_716 = arith.constant 2432 : i32
    %dma_wait3A_717 = tpu.memref_slice %arg8[%dma_wait3A_716] : memref<3328xi32, #tpu.memory_space<vmem>> -> memref<128xi32, #tpu.memory_space<vmem>>
    %dma_wait3A_718 = arith.constant 0 : i32
    %dma_wait3A_719 = arith.constant 0 : i32
    %dma_wait3A_720 = tpu.memref_slice %arg2[%dma_wait3A_718, %dma_wait3A_719] : memref<2600000x32xf32, #tpu.memory_space<hbm>> -> memref<2600000x32xf32, #tpu.memory_space<hbm>>
    tpu.wait_indirect_dma semaphore(%arg13 : memref<!tpu.dma_semaphore, #tpu.memory_space<semaphore_mem>>) src(%dma_wait3A_720 : memref<2600000x32xf32, #tpu.memory_space<hbm>>) dst(%dma_wait3A_715 : memref<128x32xf32, #tpu.memory_space<vmem>>)
    %dma_start3A_721 = arith.constant 19 : i32
    %dma_start3A_722 = arith.constant 0 : i32
    %dma_start3A_723 = arith.constant 0 : i32
    %dma_start3A_724 = tpu.memref_slice %arg9[%dma_start3A_721, %dma_start3A_722, %dma_start3A_723] : memref<26x128x32xf32, #tpu.memory_space<vmem>> -> memref<1x128x32xf32, #tpu.memory_space<vmem>>
    %dma_start3A_725 = tpu.memref_squeeze %dma_start3A_724 : memref<1x128x32xf32, #tpu.memory_space<vmem>> -> memref<128x32xf32, #tpu.memory_space<vmem>>
    %dma_start3A_726 = arith.constant 608 : i32
    %dma_start3A_727 = tpu.memref_slice %arg6[%mul3A_4, %dma_start3A_726] : memref<4096x896xf32, #tpu.memory_space<hbm>> -> memref<128x32xf32, #tpu.memory_space<hbm>>
    %dma_start3A_728 = arith.constant 608 : i32
    %dma_start3A_729 = tpu.memref_slice %arg6[%mul3A_4, %dma_start3A_728] : memref<4096x896xf32, #tpu.memory_space<hbm>> -> memref<128x32xf32, #tpu.memory_space<hbm>>
    %dma_start3A_730 = arith.constant 0 : i32
    %dma_start3A_731 = arith.constant 0 : i32
    %dma_start3A_732 = tpu.memref_slice %arg9[%dma_start3A_721, %dma_start3A_730, %dma_start3A_731] : memref<26x128x32xf32, #tpu.memory_space<vmem>> -> memref<1x128x32xf32, #tpu.memory_space<vmem>>
    %dma_start3A_733 = tpu.memref_squeeze %dma_start3A_732 : memref<1x128x32xf32, #tpu.memory_space<vmem>> -> memref<128x32xf32, #tpu.memory_space<vmem>>
    tpu.enqueue_dma source(%dma_start3A_733 : memref<128x32xf32, #tpu.memory_space<vmem>>) target(%dma_start3A_729 : memref<128x32xf32, #tpu.memory_space<hbm>>) target_semaphore(%arg14 : memref<!tpu.dma_semaphore, #tpu.memory_space<semaphore_mem>>)
    %dma_wait3A_734 = arith.constant 20 : i32
    %dma_wait3A_735 = arith.constant 0 : i32
    %dma_wait3A_736 = arith.constant 0 : i32
    %dma_wait3A_737 = tpu.memref_slice %arg9[%dma_wait3A_734, %dma_wait3A_735, %dma_wait3A_736] : memref<26x128x32xf32, #tpu.memory_space<vmem>> -> memref<1x128x32xf32, #tpu.memory_space<vmem>>
    %dma_wait3A_738 = tpu.memref_squeeze %dma_wait3A_737 : memref<1x128x32xf32, #tpu.memory_space<vmem>> -> memref<128x32xf32, #tpu.memory_space<vmem>>
    %dma_wait3A_739 = arith.constant 2560 : i32
    %dma_wait3A_740 = tpu.memref_slice %arg8[%dma_wait3A_739] : memref<3328xi32, #tpu.memory_space<vmem>> -> memref<128xi32, #tpu.memory_space<vmem>>
    %dma_wait3A_741 = arith.constant 0 : i32
    %dma_wait3A_742 = arith.constant 0 : i32
    %dma_wait3A_743 = tpu.memref_slice %arg2[%dma_wait3A_741, %dma_wait3A_742] : memref<2600000x32xf32, #tpu.memory_space<hbm>> -> memref<2600000x32xf32, #tpu.memory_space<hbm>>
    tpu.wait_indirect_dma semaphore(%arg13 : memref<!tpu.dma_semaphore, #tpu.memory_space<semaphore_mem>>) src(%dma_wait3A_743 : memref<2600000x32xf32, #tpu.memory_space<hbm>>) dst(%dma_wait3A_738 : memref<128x32xf32, #tpu.memory_space<vmem>>)
    %dma_start3A_744 = arith.constant 20 : i32
    %dma_start3A_745 = arith.constant 0 : i32
    %dma_start3A_746 = arith.constant 0 : i32
    %dma_start3A_747 = tpu.memref_slice %arg9[%dma_start3A_744, %dma_start3A_745, %dma_start3A_746] : memref<26x128x32xf32, #tpu.memory_space<vmem>> -> memref<1x128x32xf32, #tpu.memory_space<vmem>>
    %dma_start3A_748 = tpu.memref_squeeze %dma_start3A_747 : memref<1x128x32xf32, #tpu.memory_space<vmem>> -> memref<128x32xf32, #tpu.memory_space<vmem>>
    %dma_start3A_749 = arith.constant 640 : i32
    %dma_start3A_750 = tpu.memref_slice %arg6[%mul3A_4, %dma_start3A_749] : memref<4096x896xf32, #tpu.memory_space<hbm>> -> memref<128x32xf32, #tpu.memory_space<hbm>>
    %dma_start3A_751 = arith.constant 640 : i32
    %dma_start3A_752 = tpu.memref_slice %arg6[%mul3A_4, %dma_start3A_751] : memref<4096x896xf32, #tpu.memory_space<hbm>> -> memref<128x32xf32, #tpu.memory_space<hbm>>
    %dma_start3A_753 = arith.constant 0 : i32
    %dma_start3A_754 = arith.constant 0 : i32
    %dma_start3A_755 = tpu.memref_slice %arg9[%dma_start3A_744, %dma_start3A_753, %dma_start3A_754] : memref<26x128x32xf32, #tpu.memory_space<vmem>> -> memref<1x128x32xf32, #tpu.memory_space<vmem>>
    %dma_start3A_756 = tpu.memref_squeeze %dma_start3A_755 : memref<1x128x32xf32, #tpu.memory_space<vmem>> -> memref<128x32xf32, #tpu.memory_space<vmem>>
    tpu.enqueue_dma source(%dma_start3A_756 : memref<128x32xf32, #tpu.memory_space<vmem>>) target(%dma_start3A_752 : memref<128x32xf32, #tpu.memory_space<hbm>>) target_semaphore(%arg14 : memref<!tpu.dma_semaphore, #tpu.memory_space<semaphore_mem>>)
    %dma_wait3A_757 = arith.constant 21 : i32
    %dma_wait3A_758 = arith.constant 0 : i32
    %dma_wait3A_759 = arith.constant 0 : i32
    %dma_wait3A_760 = tpu.memref_slice %arg9[%dma_wait3A_757, %dma_wait3A_758, %dma_wait3A_759] : memref<26x128x32xf32, #tpu.memory_space<vmem>> -> memref<1x128x32xf32, #tpu.memory_space<vmem>>
    %dma_wait3A_761 = tpu.memref_squeeze %dma_wait3A_760 : memref<1x128x32xf32, #tpu.memory_space<vmem>> -> memref<128x32xf32, #tpu.memory_space<vmem>>
    %dma_wait3A_762 = arith.constant 2688 : i32
    %dma_wait3A_763 = tpu.memref_slice %arg8[%dma_wait3A_762] : memref<3328xi32, #tpu.memory_space<vmem>> -> memref<128xi32, #tpu.memory_space<vmem>>
    %dma_wait3A_764 = arith.constant 0 : i32
    %dma_wait3A_765 = arith.constant 0 : i32
    %dma_wait3A_766 = tpu.memref_slice %arg2[%dma_wait3A_764, %dma_wait3A_765] : memref<2600000x32xf32, #tpu.memory_space<hbm>> -> memref<2600000x32xf32, #tpu.memory_space<hbm>>
    tpu.wait_indirect_dma semaphore(%arg13 : memref<!tpu.dma_semaphore, #tpu.memory_space<semaphore_mem>>) src(%dma_wait3A_766 : memref<2600000x32xf32, #tpu.memory_space<hbm>>) dst(%dma_wait3A_761 : memref<128x32xf32, #tpu.memory_space<vmem>>)
    %dma_start3A_767 = arith.constant 21 : i32
    %dma_start3A_768 = arith.constant 0 : i32
    %dma_start3A_769 = arith.constant 0 : i32
    %dma_start3A_770 = tpu.memref_slice %arg9[%dma_start3A_767, %dma_start3A_768, %dma_start3A_769] : memref<26x128x32xf32, #tpu.memory_space<vmem>> -> memref<1x128x32xf32, #tpu.memory_space<vmem>>
    %dma_start3A_771 = tpu.memref_squeeze %dma_start3A_770 : memref<1x128x32xf32, #tpu.memory_space<vmem>> -> memref<128x32xf32, #tpu.memory_space<vmem>>
    %dma_start3A_772 = arith.constant 672 : i32
    %dma_start3A_773 = tpu.memref_slice %arg6[%mul3A_4, %dma_start3A_772] : memref<4096x896xf32, #tpu.memory_space<hbm>> -> memref<128x32xf32, #tpu.memory_space<hbm>>
    %dma_start3A_774 = arith.constant 672 : i32
    %dma_start3A_775 = tpu.memref_slice %arg6[%mul3A_4, %dma_start3A_774] : memref<4096x896xf32, #tpu.memory_space<hbm>> -> memref<128x32xf32, #tpu.memory_space<hbm>>
    %dma_start3A_776 = arith.constant 0 : i32
    %dma_start3A_777 = arith.constant 0 : i32
    %dma_start3A_778 = tpu.memref_slice %arg9[%dma_start3A_767, %dma_start3A_776, %dma_start3A_777] : memref<26x128x32xf32, #tpu.memory_space<vmem>> -> memref<1x128x32xf32, #tpu.memory_space<vmem>>
    %dma_start3A_779 = tpu.memref_squeeze %dma_start3A_778 : memref<1x128x32xf32, #tpu.memory_space<vmem>> -> memref<128x32xf32, #tpu.memory_space<vmem>>
    tpu.enqueue_dma source(%dma_start3A_779 : memref<128x32xf32, #tpu.memory_space<vmem>>) target(%dma_start3A_775 : memref<128x32xf32, #tpu.memory_space<hbm>>) target_semaphore(%arg14 : memref<!tpu.dma_semaphore, #tpu.memory_space<semaphore_mem>>)
    %dma_wait3A_780 = arith.constant 22 : i32
    %dma_wait3A_781 = arith.constant 0 : i32
    %dma_wait3A_782 = arith.constant 0 : i32
    %dma_wait3A_783 = tpu.memref_slice %arg9[%dma_wait3A_780, %dma_wait3A_781, %dma_wait3A_782] : memref<26x128x32xf32, #tpu.memory_space<vmem>> -> memref<1x128x32xf32, #tpu.memory_space<vmem>>
    %dma_wait3A_784 = tpu.memref_squeeze %dma_wait3A_783 : memref<1x128x32xf32, #tpu.memory_space<vmem>> -> memref<128x32xf32, #tpu.memory_space<vmem>>
    %dma_wait3A_785 = arith.constant 2816 : i32
    %dma_wait3A_786 = tpu.memref_slice %arg8[%dma_wait3A_785] : memref<3328xi32, #tpu.memory_space<vmem>> -> memref<128xi32, #tpu.memory_space<vmem>>
    %dma_wait3A_787 = arith.constant 0 : i32
    %dma_wait3A_788 = arith.constant 0 : i32
    %dma_wait3A_789 = tpu.memref_slice %arg2[%dma_wait3A_787, %dma_wait3A_788] : memref<2600000x32xf32, #tpu.memory_space<hbm>> -> memref<2600000x32xf32, #tpu.memory_space<hbm>>
    tpu.wait_indirect_dma semaphore(%arg13 : memref<!tpu.dma_semaphore, #tpu.memory_space<semaphore_mem>>) src(%dma_wait3A_789 : memref<2600000x32xf32, #tpu.memory_space<hbm>>) dst(%dma_wait3A_784 : memref<128x32xf32, #tpu.memory_space<vmem>>)
    %dma_start3A_790 = arith.constant 22 : i32
    %dma_start3A_791 = arith.constant 0 : i32
    %dma_start3A_792 = arith.constant 0 : i32
    %dma_start3A_793 = tpu.memref_slice %arg9[%dma_start3A_790, %dma_start3A_791, %dma_start3A_792] : memref<26x128x32xf32, #tpu.memory_space<vmem>> -> memref<1x128x32xf32, #tpu.memory_space<vmem>>
    %dma_start3A_794 = tpu.memref_squeeze %dma_start3A_793 : memref<1x128x32xf32, #tpu.memory_space<vmem>> -> memref<128x32xf32, #tpu.memory_space<vmem>>
    %dma_start3A_795 = arith.constant 704 : i32
    %dma_start3A_796 = tpu.memref_slice %arg6[%mul3A_4, %dma_start3A_795] : memref<4096x896xf32, #tpu.memory_space<hbm>> -> memref<128x32xf32, #tpu.memory_space<hbm>>
    %dma_start3A_797 = arith.constant 704 : i32
    %dma_start3A_798 = tpu.memref_slice %arg6[%mul3A_4, %dma_start3A_797] : memref<4096x896xf32, #tpu.memory_space<hbm>> -> memref<128x32xf32, #tpu.memory_space<hbm>>
    %dma_start3A_799 = arith.constant 0 : i32
    %dma_start3A_800 = arith.constant 0 : i32
    %dma_start3A_801 = tpu.memref_slice %arg9[%dma_start3A_790, %dma_start3A_799, %dma_start3A_800] : memref<26x128x32xf32, #tpu.memory_space<vmem>> -> memref<1x128x32xf32, #tpu.memory_space<vmem>>
    %dma_start3A_802 = tpu.memref_squeeze %dma_start3A_801 : memref<1x128x32xf32, #tpu.memory_space<vmem>> -> memref<128x32xf32, #tpu.memory_space<vmem>>
    tpu.enqueue_dma source(%dma_start3A_802 : memref<128x32xf32, #tpu.memory_space<vmem>>) target(%dma_start3A_798 : memref<128x32xf32, #tpu.memory_space<hbm>>) target_semaphore(%arg14 : memref<!tpu.dma_semaphore, #tpu.memory_space<semaphore_mem>>)
    %dma_wait3A_803 = arith.constant 23 : i32
    %dma_wait3A_804 = arith.constant 0 : i32
    %dma_wait3A_805 = arith.constant 0 : i32
    %dma_wait3A_806 = tpu.memref_slice %arg9[%dma_wait3A_803, %dma_wait3A_804, %dma_wait3A_805] : memref<26x128x32xf32, #tpu.memory_space<vmem>> -> memref<1x128x32xf32, #tpu.memory_space<vmem>>
    %dma_wait3A_807 = tpu.memref_squeeze %dma_wait3A_806 : memref<1x128x32xf32, #tpu.memory_space<vmem>> -> memref<128x32xf32, #tpu.memory_space<vmem>>
    %dma_wait3A_808 = arith.constant 2944 : i32
    %dma_wait3A_809 = tpu.memref_slice %arg8[%dma_wait3A_808] : memref<3328xi32, #tpu.memory_space<vmem>> -> memref<128xi32, #tpu.memory_space<vmem>>
    %dma_wait3A_810 = arith.constant 0 : i32
    %dma_wait3A_811 = arith.constant 0 : i32
    %dma_wait3A_812 = tpu.memref_slice %arg2[%dma_wait3A_810, %dma_wait3A_811] : memref<2600000x32xf32, #tpu.memory_space<hbm>> -> memref<2600000x32xf32, #tpu.memory_space<hbm>>
    tpu.wait_indirect_dma semaphore(%arg13 : memref<!tpu.dma_semaphore, #tpu.memory_space<semaphore_mem>>) src(%dma_wait3A_812 : memref<2600000x32xf32, #tpu.memory_space<hbm>>) dst(%dma_wait3A_807 : memref<128x32xf32, #tpu.memory_space<vmem>>)
    %dma_start3A_813 = arith.constant 23 : i32
    %dma_start3A_814 = arith.constant 0 : i32
    %dma_start3A_815 = arith.constant 0 : i32
    %dma_start3A_816 = tpu.memref_slice %arg9[%dma_start3A_813, %dma_start3A_814, %dma_start3A_815] : memref<26x128x32xf32, #tpu.memory_space<vmem>> -> memref<1x128x32xf32, #tpu.memory_space<vmem>>
    %dma_start3A_817 = tpu.memref_squeeze %dma_start3A_816 : memref<1x128x32xf32, #tpu.memory_space<vmem>> -> memref<128x32xf32, #tpu.memory_space<vmem>>
    %dma_start3A_818 = arith.constant 736 : i32
    %dma_start3A_819 = tpu.memref_slice %arg6[%mul3A_4, %dma_start3A_818] : memref<4096x896xf32, #tpu.memory_space<hbm>> -> memref<128x32xf32, #tpu.memory_space<hbm>>
    %dma_start3A_820 = arith.constant 736 : i32
    %dma_start3A_821 = tpu.memref_slice %arg6[%mul3A_4, %dma_start3A_820] : memref<4096x896xf32, #tpu.memory_space<hbm>> -> memref<128x32xf32, #tpu.memory_space<hbm>>
    %dma_start3A_822 = arith.constant 0 : i32
    %dma_start3A_823 = arith.constant 0 : i32
    %dma_start3A_824 = tpu.memref_slice %arg9[%dma_start3A_813, %dma_start3A_822, %dma_start3A_823] : memref<26x128x32xf32, #tpu.memory_space<vmem>> -> memref<1x128x32xf32, #tpu.memory_space<vmem>>
    %dma_start3A_825 = tpu.memref_squeeze %dma_start3A_824 : memref<1x128x32xf32, #tpu.memory_space<vmem>> -> memref<128x32xf32, #tpu.memory_space<vmem>>
    tpu.enqueue_dma source(%dma_start3A_825 : memref<128x32xf32, #tpu.memory_space<vmem>>) target(%dma_start3A_821 : memref<128x32xf32, #tpu.memory_space<hbm>>) target_semaphore(%arg14 : memref<!tpu.dma_semaphore, #tpu.memory_space<semaphore_mem>>)
    %dma_wait3A_826 = arith.constant 24 : i32
    %dma_wait3A_827 = arith.constant 0 : i32
    %dma_wait3A_828 = arith.constant 0 : i32
    %dma_wait3A_829 = tpu.memref_slice %arg9[%dma_wait3A_826, %dma_wait3A_827, %dma_wait3A_828] : memref<26x128x32xf32, #tpu.memory_space<vmem>> -> memref<1x128x32xf32, #tpu.memory_space<vmem>>
    %dma_wait3A_830 = tpu.memref_squeeze %dma_wait3A_829 : memref<1x128x32xf32, #tpu.memory_space<vmem>> -> memref<128x32xf32, #tpu.memory_space<vmem>>
    %dma_wait3A_831 = arith.constant 3072 : i32
    %dma_wait3A_832 = tpu.memref_slice %arg8[%dma_wait3A_831] : memref<3328xi32, #tpu.memory_space<vmem>> -> memref<128xi32, #tpu.memory_space<vmem>>
    %dma_wait3A_833 = arith.constant 0 : i32
    %dma_wait3A_834 = arith.constant 0 : i32
    %dma_wait3A_835 = tpu.memref_slice %arg2[%dma_wait3A_833, %dma_wait3A_834] : memref<2600000x32xf32, #tpu.memory_space<hbm>> -> memref<2600000x32xf32, #tpu.memory_space<hbm>>
    tpu.wait_indirect_dma semaphore(%arg13 : memref<!tpu.dma_semaphore, #tpu.memory_space<semaphore_mem>>) src(%dma_wait3A_835 : memref<2600000x32xf32, #tpu.memory_space<hbm>>) dst(%dma_wait3A_830 : memref<128x32xf32, #tpu.memory_space<vmem>>)
    %dma_start3A_836 = arith.constant 24 : i32
    %dma_start3A_837 = arith.constant 0 : i32
    %dma_start3A_838 = arith.constant 0 : i32
    %dma_start3A_839 = tpu.memref_slice %arg9[%dma_start3A_836, %dma_start3A_837, %dma_start3A_838] : memref<26x128x32xf32, #tpu.memory_space<vmem>> -> memref<1x128x32xf32, #tpu.memory_space<vmem>>
    %dma_start3A_840 = tpu.memref_squeeze %dma_start3A_839 : memref<1x128x32xf32, #tpu.memory_space<vmem>> -> memref<128x32xf32, #tpu.memory_space<vmem>>
    %dma_start3A_841 = arith.constant 768 : i32
    %dma_start3A_842 = tpu.memref_slice %arg6[%mul3A_4, %dma_start3A_841] : memref<4096x896xf32, #tpu.memory_space<hbm>> -> memref<128x32xf32, #tpu.memory_space<hbm>>
    %dma_start3A_843 = arith.constant 768 : i32
    %dma_start3A_844 = tpu.memref_slice %arg6[%mul3A_4, %dma_start3A_843] : memref<4096x896xf32, #tpu.memory_space<hbm>> -> memref<128x32xf32, #tpu.memory_space<hbm>>
    %dma_start3A_845 = arith.constant 0 : i32
    %dma_start3A_846 = arith.constant 0 : i32
    %dma_start3A_847 = tpu.memref_slice %arg9[%dma_start3A_836, %dma_start3A_845, %dma_start3A_846] : memref<26x128x32xf32, #tpu.memory_space<vmem>> -> memref<1x128x32xf32, #tpu.memory_space<vmem>>
    %dma_start3A_848 = tpu.memref_squeeze %dma_start3A_847 : memref<1x128x32xf32, #tpu.memory_space<vmem>> -> memref<128x32xf32, #tpu.memory_space<vmem>>
    tpu.enqueue_dma source(%dma_start3A_848 : memref<128x32xf32, #tpu.memory_space<vmem>>) target(%dma_start3A_844 : memref<128x32xf32, #tpu.memory_space<hbm>>) target_semaphore(%arg14 : memref<!tpu.dma_semaphore, #tpu.memory_space<semaphore_mem>>)
    %dma_wait3A_849 = arith.constant 25 : i32
    %dma_wait3A_850 = arith.constant 0 : i32
    %dma_wait3A_851 = arith.constant 0 : i32
    %dma_wait3A_852 = tpu.memref_slice %arg9[%dma_wait3A_849, %dma_wait3A_850, %dma_wait3A_851] : memref<26x128x32xf32, #tpu.memory_space<vmem>> -> memref<1x128x32xf32, #tpu.memory_space<vmem>>
    %dma_wait3A_853 = tpu.memref_squeeze %dma_wait3A_852 : memref<1x128x32xf32, #tpu.memory_space<vmem>> -> memref<128x32xf32, #tpu.memory_space<vmem>>
    %dma_wait3A_854 = arith.constant 3200 : i32
    %dma_wait3A_855 = tpu.memref_slice %arg8[%dma_wait3A_854] : memref<3328xi32, #tpu.memory_space<vmem>> -> memref<128xi32, #tpu.memory_space<vmem>>
    %dma_wait3A_856 = arith.constant 0 : i32
    %dma_wait3A_857 = arith.constant 0 : i32
    %dma_wait3A_858 = tpu.memref_slice %arg2[%dma_wait3A_856, %dma_wait3A_857] : memref<2600000x32xf32, #tpu.memory_space<hbm>> -> memref<2600000x32xf32, #tpu.memory_space<hbm>>
    tpu.wait_indirect_dma semaphore(%arg13 : memref<!tpu.dma_semaphore, #tpu.memory_space<semaphore_mem>>) src(%dma_wait3A_858 : memref<2600000x32xf32, #tpu.memory_space<hbm>>) dst(%dma_wait3A_853 : memref<128x32xf32, #tpu.memory_space<vmem>>)
    %dma_start3A_859 = arith.constant 25 : i32
    %dma_start3A_860 = arith.constant 0 : i32
    %dma_start3A_861 = arith.constant 0 : i32
    %dma_start3A_862 = tpu.memref_slice %arg9[%dma_start3A_859, %dma_start3A_860, %dma_start3A_861] : memref<26x128x32xf32, #tpu.memory_space<vmem>> -> memref<1x128x32xf32, #tpu.memory_space<vmem>>
    %dma_start3A_863 = tpu.memref_squeeze %dma_start3A_862 : memref<1x128x32xf32, #tpu.memory_space<vmem>> -> memref<128x32xf32, #tpu.memory_space<vmem>>
    %dma_start3A_864 = arith.constant 800 : i32
    %dma_start3A_865 = tpu.memref_slice %arg6[%mul3A_4, %dma_start3A_864] : memref<4096x896xf32, #tpu.memory_space<hbm>> -> memref<128x32xf32, #tpu.memory_space<hbm>>
    %dma_start3A_866 = arith.constant 800 : i32
    %dma_start3A_867 = tpu.memref_slice %arg6[%mul3A_4, %dma_start3A_866] : memref<4096x896xf32, #tpu.memory_space<hbm>> -> memref<128x32xf32, #tpu.memory_space<hbm>>
    %dma_start3A_868 = arith.constant 0 : i32
    %dma_start3A_869 = arith.constant 0 : i32
    %dma_start3A_870 = tpu.memref_slice %arg9[%dma_start3A_859, %dma_start3A_868, %dma_start3A_869] : memref<26x128x32xf32, #tpu.memory_space<vmem>> -> memref<1x128x32xf32, #tpu.memory_space<vmem>>
    %dma_start3A_871 = tpu.memref_squeeze %dma_start3A_870 : memref<1x128x32xf32, #tpu.memory_space<vmem>> -> memref<128x32xf32, #tpu.memory_space<vmem>>
    tpu.enqueue_dma source(%dma_start3A_871 : memref<128x32xf32, #tpu.memory_space<vmem>>) target(%dma_start3A_867 : memref<128x32xf32, #tpu.memory_space<hbm>>) target_semaphore(%arg14 : memref<!tpu.dma_semaphore, #tpu.memory_space<semaphore_mem>>)
    %dma_wait3A_872 = arith.constant 0 : i32
    %dma_wait3A_873 = arith.constant 0 : i32
    %dma_wait3A_874 = arith.constant 0 : i32
    %dma_wait3A_875 = tpu.memref_slice %arg9[%dma_wait3A_872, %dma_wait3A_873, %dma_wait3A_874] : memref<26x128x32xf32, #tpu.memory_space<vmem>> -> memref<1x128x32xf32, #tpu.memory_space<vmem>>
    %dma_wait3A_876 = tpu.memref_squeeze %dma_wait3A_875 : memref<1x128x32xf32, #tpu.memory_space<vmem>> -> memref<128x32xf32, #tpu.memory_space<vmem>>
    %dma_wait3A_877 = arith.constant 0 : i32
    %dma_wait3A_878 = tpu.memref_slice %arg6[%mul3A_4, %dma_wait3A_877] : memref<4096x896xf32, #tpu.memory_space<hbm>> -> memref<128x32xf32, #tpu.memory_space<hbm>>
    %dma_wait3A_879 = arith.constant 0 : i32
    %dma_wait3A_880 = tpu.memref_slice %arg6[%mul3A_4, %dma_wait3A_879] : memref<4096x896xf32, #tpu.memory_space<hbm>> -> memref<128x32xf32, #tpu.memory_space<hbm>>
    %dma_wait3A_881 = arith.constant 0 : i32
    %dma_wait3A_882 = arith.constant 0 : i32
    %dma_wait3A_883 = tpu.memref_slice %arg9[%dma_wait3A_872, %dma_wait3A_881, %dma_wait3A_882] : memref<26x128x32xf32, #tpu.memory_space<vmem>> -> memref<1x128x32xf32, #tpu.memory_space<vmem>>
    %dma_wait3A_884 = tpu.memref_squeeze %dma_wait3A_883 : memref<1x128x32xf32, #tpu.memory_space<vmem>> -> memref<128x32xf32, #tpu.memory_space<vmem>>
    tpu.wait_dma2 semaphore(%arg14 : memref<!tpu.dma_semaphore, #tpu.memory_space<semaphore_mem>>) src(%dma_wait3A_884 : memref<128x32xf32, #tpu.memory_space<vmem>>) dst(%dma_wait3A_880 : memref<128x32xf32, #tpu.memory_space<hbm>>)
    %dma_wait3A_885 = arith.constant 1 : i32
    %dma_wait3A_886 = arith.constant 0 : i32
    %dma_wait3A_887 = arith.constant 0 : i32
    %dma_wait3A_888 = tpu.memref_slice %arg9[%dma_wait3A_885, %dma_wait3A_886, %dma_wait3A_887] : memref<26x128x32xf32, #tpu.memory_space<vmem>> -> memref<1x128x32xf32, #tpu.memory_space<vmem>>
    %dma_wait3A_889 = tpu.memref_squeeze %dma_wait3A_888 : memref<1x128x32xf32, #tpu.memory_space<vmem>> -> memref<128x32xf32, #tpu.memory_space<vmem>>
    %dma_wait3A_890 = arith.constant 32 : i32
    %dma_wait3A_891 = tpu.memref_slice %arg6[%mul3A_4, %dma_wait3A_890] : memref<4096x896xf32, #tpu.memory_space<hbm>> -> memref<128x32xf32, #tpu.memory_space<hbm>>
    %dma_wait3A_892 = arith.constant 32 : i32
    %dma_wait3A_893 = tpu.memref_slice %arg6[%mul3A_4, %dma_wait3A_892] : memref<4096x896xf32, #tpu.memory_space<hbm>> -> memref<128x32xf32, #tpu.memory_space<hbm>>
    %dma_wait3A_894 = arith.constant 0 : i32
    %dma_wait3A_895 = arith.constant 0 : i32
    %dma_wait3A_896 = tpu.memref_slice %arg9[%dma_wait3A_885, %dma_wait3A_894, %dma_wait3A_895] : memref<26x128x32xf32, #tpu.memory_space<vmem>> -> memref<1x128x32xf32, #tpu.memory_space<vmem>>
    %dma_wait3A_897 = tpu.memref_squeeze %dma_wait3A_896 : memref<1x128x32xf32, #tpu.memory_space<vmem>> -> memref<128x32xf32, #tpu.memory_space<vmem>>
    tpu.wait_dma2 semaphore(%arg14 : memref<!tpu.dma_semaphore, #tpu.memory_space<semaphore_mem>>) src(%dma_wait3A_897 : memref<128x32xf32, #tpu.memory_space<vmem>>) dst(%dma_wait3A_893 : memref<128x32xf32, #tpu.memory_space<hbm>>)
    %dma_wait3A_898 = arith.constant 2 : i32
    %dma_wait3A_899 = arith.constant 0 : i32
    %dma_wait3A_900 = arith.constant 0 : i32
    %dma_wait3A_901 = tpu.memref_slice %arg9[%dma_wait3A_898, %dma_wait3A_899, %dma_wait3A_900] : memref<26x128x32xf32, #tpu.memory_space<vmem>> -> memref<1x128x32xf32, #tpu.memory_space<vmem>>
    %dma_wait3A_902 = tpu.memref_squeeze %dma_wait3A_901 : memref<1x128x32xf32, #tpu.memory_space<vmem>> -> memref<128x32xf32, #tpu.memory_space<vmem>>
    %dma_wait3A_903 = arith.constant 64 : i32
    %dma_wait3A_904 = tpu.memref_slice %arg6[%mul3A_4, %dma_wait3A_903] : memref<4096x896xf32, #tpu.memory_space<hbm>> -> memref<128x32xf32, #tpu.memory_space<hbm>>
    %dma_wait3A_905 = arith.constant 64 : i32
    %dma_wait3A_906 = tpu.memref_slice %arg6[%mul3A_4, %dma_wait3A_905] : memref<4096x896xf32, #tpu.memory_space<hbm>> -> memref<128x32xf32, #tpu.memory_space<hbm>>
    %dma_wait3A_907 = arith.constant 0 : i32
    %dma_wait3A_908 = arith.constant 0 : i32
    %dma_wait3A_909 = tpu.memref_slice %arg9[%dma_wait3A_898, %dma_wait3A_907, %dma_wait3A_908] : memref<26x128x32xf32, #tpu.memory_space<vmem>> -> memref<1x128x32xf32, #tpu.memory_space<vmem>>
    %dma_wait3A_910 = tpu.memref_squeeze %dma_wait3A_909 : memref<1x128x32xf32, #tpu.memory_space<vmem>> -> memref<128x32xf32, #tpu.memory_space<vmem>>
    tpu.wait_dma2 semaphore(%arg14 : memref<!tpu.dma_semaphore, #tpu.memory_space<semaphore_mem>>) src(%dma_wait3A_910 : memref<128x32xf32, #tpu.memory_space<vmem>>) dst(%dma_wait3A_906 : memref<128x32xf32, #tpu.memory_space<hbm>>)
    %dma_wait3A_911 = arith.constant 3 : i32
    %dma_wait3A_912 = arith.constant 0 : i32
    %dma_wait3A_913 = arith.constant 0 : i32
    %dma_wait3A_914 = tpu.memref_slice %arg9[%dma_wait3A_911, %dma_wait3A_912, %dma_wait3A_913] : memref<26x128x32xf32, #tpu.memory_space<vmem>> -> memref<1x128x32xf32, #tpu.memory_space<vmem>>
    %dma_wait3A_915 = tpu.memref_squeeze %dma_wait3A_914 : memref<1x128x32xf32, #tpu.memory_space<vmem>> -> memref<128x32xf32, #tpu.memory_space<vmem>>
    %dma_wait3A_916 = arith.constant 96 : i32
    %dma_wait3A_917 = tpu.memref_slice %arg6[%mul3A_4, %dma_wait3A_916] : memref<4096x896xf32, #tpu.memory_space<hbm>> -> memref<128x32xf32, #tpu.memory_space<hbm>>
    %dma_wait3A_918 = arith.constant 96 : i32
    %dma_wait3A_919 = tpu.memref_slice %arg6[%mul3A_4, %dma_wait3A_918] : memref<4096x896xf32, #tpu.memory_space<hbm>> -> memref<128x32xf32, #tpu.memory_space<hbm>>
    %dma_wait3A_920 = arith.constant 0 : i32
    %dma_wait3A_921 = arith.constant 0 : i32
    %dma_wait3A_922 = tpu.memref_slice %arg9[%dma_wait3A_911, %dma_wait3A_920, %dma_wait3A_921] : memref<26x128x32xf32, #tpu.memory_space<vmem>> -> memref<1x128x32xf32, #tpu.memory_space<vmem>>
    %dma_wait3A_923 = tpu.memref_squeeze %dma_wait3A_922 : memref<1x128x32xf32, #tpu.memory_space<vmem>> -> memref<128x32xf32, #tpu.memory_space<vmem>>
    tpu.wait_dma2 semaphore(%arg14 : memref<!tpu.dma_semaphore, #tpu.memory_space<semaphore_mem>>) src(%dma_wait3A_923 : memref<128x32xf32, #tpu.memory_space<vmem>>) dst(%dma_wait3A_919 : memref<128x32xf32, #tpu.memory_space<hbm>>)
    %dma_wait3A_924 = arith.constant 4 : i32
    %dma_wait3A_925 = arith.constant 0 : i32
    %dma_wait3A_926 = arith.constant 0 : i32
    %dma_wait3A_927 = tpu.memref_slice %arg9[%dma_wait3A_924, %dma_wait3A_925, %dma_wait3A_926] : memref<26x128x32xf32, #tpu.memory_space<vmem>> -> memref<1x128x32xf32, #tpu.memory_space<vmem>>
    %dma_wait3A_928 = tpu.memref_squeeze %dma_wait3A_927 : memref<1x128x32xf32, #tpu.memory_space<vmem>> -> memref<128x32xf32, #tpu.memory_space<vmem>>
    %dma_wait3A_929 = arith.constant 128 : i32
    %dma_wait3A_930 = tpu.memref_slice %arg6[%mul3A_4, %dma_wait3A_929] : memref<4096x896xf32, #tpu.memory_space<hbm>> -> memref<128x32xf32, #tpu.memory_space<hbm>>
    %dma_wait3A_931 = arith.constant 128 : i32
    %dma_wait3A_932 = tpu.memref_slice %arg6[%mul3A_4, %dma_wait3A_931] : memref<4096x896xf32, #tpu.memory_space<hbm>> -> memref<128x32xf32, #tpu.memory_space<hbm>>
    %dma_wait3A_933 = arith.constant 0 : i32
    %dma_wait3A_934 = arith.constant 0 : i32
    %dma_wait3A_935 = tpu.memref_slice %arg9[%dma_wait3A_924, %dma_wait3A_933, %dma_wait3A_934] : memref<26x128x32xf32, #tpu.memory_space<vmem>> -> memref<1x128x32xf32, #tpu.memory_space<vmem>>
    %dma_wait3A_936 = tpu.memref_squeeze %dma_wait3A_935 : memref<1x128x32xf32, #tpu.memory_space<vmem>> -> memref<128x32xf32, #tpu.memory_space<vmem>>
    tpu.wait_dma2 semaphore(%arg14 : memref<!tpu.dma_semaphore, #tpu.memory_space<semaphore_mem>>) src(%dma_wait3A_936 : memref<128x32xf32, #tpu.memory_space<vmem>>) dst(%dma_wait3A_932 : memref<128x32xf32, #tpu.memory_space<hbm>>)
    %dma_wait3A_937 = arith.constant 5 : i32
    %dma_wait3A_938 = arith.constant 0 : i32
    %dma_wait3A_939 = arith.constant 0 : i32
    %dma_wait3A_940 = tpu.memref_slice %arg9[%dma_wait3A_937, %dma_wait3A_938, %dma_wait3A_939] : memref<26x128x32xf32, #tpu.memory_space<vmem>> -> memref<1x128x32xf32, #tpu.memory_space<vmem>>
    %dma_wait3A_941 = tpu.memref_squeeze %dma_wait3A_940 : memref<1x128x32xf32, #tpu.memory_space<vmem>> -> memref<128x32xf32, #tpu.memory_space<vmem>>
    %dma_wait3A_942 = arith.constant 160 : i32
    %dma_wait3A_943 = tpu.memref_slice %arg6[%mul3A_4, %dma_wait3A_942] : memref<4096x896xf32, #tpu.memory_space<hbm>> -> memref<128x32xf32, #tpu.memory_space<hbm>>
    %dma_wait3A_944 = arith.constant 160 : i32
    %dma_wait3A_945 = tpu.memref_slice %arg6[%mul3A_4, %dma_wait3A_944] : memref<4096x896xf32, #tpu.memory_space<hbm>> -> memref<128x32xf32, #tpu.memory_space<hbm>>
    %dma_wait3A_946 = arith.constant 0 : i32
    %dma_wait3A_947 = arith.constant 0 : i32
    %dma_wait3A_948 = tpu.memref_slice %arg9[%dma_wait3A_937, %dma_wait3A_946, %dma_wait3A_947] : memref<26x128x32xf32, #tpu.memory_space<vmem>> -> memref<1x128x32xf32, #tpu.memory_space<vmem>>
    %dma_wait3A_949 = tpu.memref_squeeze %dma_wait3A_948 : memref<1x128x32xf32, #tpu.memory_space<vmem>> -> memref<128x32xf32, #tpu.memory_space<vmem>>
    tpu.wait_dma2 semaphore(%arg14 : memref<!tpu.dma_semaphore, #tpu.memory_space<semaphore_mem>>) src(%dma_wait3A_949 : memref<128x32xf32, #tpu.memory_space<vmem>>) dst(%dma_wait3A_945 : memref<128x32xf32, #tpu.memory_space<hbm>>)
    %dma_wait3A_950 = arith.constant 6 : i32
    %dma_wait3A_951 = arith.constant 0 : i32
    %dma_wait3A_952 = arith.constant 0 : i32
    %dma_wait3A_953 = tpu.memref_slice %arg9[%dma_wait3A_950, %dma_wait3A_951, %dma_wait3A_952] : memref<26x128x32xf32, #tpu.memory_space<vmem>> -> memref<1x128x32xf32, #tpu.memory_space<vmem>>
    %dma_wait3A_954 = tpu.memref_squeeze %dma_wait3A_953 : memref<1x128x32xf32, #tpu.memory_space<vmem>> -> memref<128x32xf32, #tpu.memory_space<vmem>>
    %dma_wait3A_955 = arith.constant 192 : i32
    %dma_wait3A_956 = tpu.memref_slice %arg6[%mul3A_4, %dma_wait3A_955] : memref<4096x896xf32, #tpu.memory_space<hbm>> -> memref<128x32xf32, #tpu.memory_space<hbm>>
    %dma_wait3A_957 = arith.constant 192 : i32
    %dma_wait3A_958 = tpu.memref_slice %arg6[%mul3A_4, %dma_wait3A_957] : memref<4096x896xf32, #tpu.memory_space<hbm>> -> memref<128x32xf32, #tpu.memory_space<hbm>>
    %dma_wait3A_959 = arith.constant 0 : i32
    %dma_wait3A_960 = arith.constant 0 : i32
    %dma_wait3A_961 = tpu.memref_slice %arg9[%dma_wait3A_950, %dma_wait3A_959, %dma_wait3A_960] : memref<26x128x32xf32, #tpu.memory_space<vmem>> -> memref<1x128x32xf32, #tpu.memory_space<vmem>>
    %dma_wait3A_962 = tpu.memref_squeeze %dma_wait3A_961 : memref<1x128x32xf32, #tpu.memory_space<vmem>> -> memref<128x32xf32, #tpu.memory_space<vmem>>
    tpu.wait_dma2 semaphore(%arg14 : memref<!tpu.dma_semaphore, #tpu.memory_space<semaphore_mem>>) src(%dma_wait3A_962 : memref<128x32xf32, #tpu.memory_space<vmem>>) dst(%dma_wait3A_958 : memref<128x32xf32, #tpu.memory_space<hbm>>)
    %dma_wait3A_963 = arith.constant 7 : i32
    %dma_wait3A_964 = arith.constant 0 : i32
    %dma_wait3A_965 = arith.constant 0 : i32
    %dma_wait3A_966 = tpu.memref_slice %arg9[%dma_wait3A_963, %dma_wait3A_964, %dma_wait3A_965] : memref<26x128x32xf32, #tpu.memory_space<vmem>> -> memref<1x128x32xf32, #tpu.memory_space<vmem>>
    %dma_wait3A_967 = tpu.memref_squeeze %dma_wait3A_966 : memref<1x128x32xf32, #tpu.memory_space<vmem>> -> memref<128x32xf32, #tpu.memory_space<vmem>>
    %dma_wait3A_968 = arith.constant 224 : i32
    %dma_wait3A_969 = tpu.memref_slice %arg6[%mul3A_4, %dma_wait3A_968] : memref<4096x896xf32, #tpu.memory_space<hbm>> -> memref<128x32xf32, #tpu.memory_space<hbm>>
    %dma_wait3A_970 = arith.constant 224 : i32
    %dma_wait3A_971 = tpu.memref_slice %arg6[%mul3A_4, %dma_wait3A_970] : memref<4096x896xf32, #tpu.memory_space<hbm>> -> memref<128x32xf32, #tpu.memory_space<hbm>>
    %dma_wait3A_972 = arith.constant 0 : i32
    %dma_wait3A_973 = arith.constant 0 : i32
    %dma_wait3A_974 = tpu.memref_slice %arg9[%dma_wait3A_963, %dma_wait3A_972, %dma_wait3A_973] : memref<26x128x32xf32, #tpu.memory_space<vmem>> -> memref<1x128x32xf32, #tpu.memory_space<vmem>>
    %dma_wait3A_975 = tpu.memref_squeeze %dma_wait3A_974 : memref<1x128x32xf32, #tpu.memory_space<vmem>> -> memref<128x32xf32, #tpu.memory_space<vmem>>
    tpu.wait_dma2 semaphore(%arg14 : memref<!tpu.dma_semaphore, #tpu.memory_space<semaphore_mem>>) src(%dma_wait3A_975 : memref<128x32xf32, #tpu.memory_space<vmem>>) dst(%dma_wait3A_971 : memref<128x32xf32, #tpu.memory_space<hbm>>)
    %dma_wait3A_976 = arith.constant 8 : i32
    %dma_wait3A_977 = arith.constant 0 : i32
    %dma_wait3A_978 = arith.constant 0 : i32
    %dma_wait3A_979 = tpu.memref_slice %arg9[%dma_wait3A_976, %dma_wait3A_977, %dma_wait3A_978] : memref<26x128x32xf32, #tpu.memory_space<vmem>> -> memref<1x128x32xf32, #tpu.memory_space<vmem>>
    %dma_wait3A_980 = tpu.memref_squeeze %dma_wait3A_979 : memref<1x128x32xf32, #tpu.memory_space<vmem>> -> memref<128x32xf32, #tpu.memory_space<vmem>>
    %dma_wait3A_981 = arith.constant 256 : i32
    %dma_wait3A_982 = tpu.memref_slice %arg6[%mul3A_4, %dma_wait3A_981] : memref<4096x896xf32, #tpu.memory_space<hbm>> -> memref<128x32xf32, #tpu.memory_space<hbm>>
    %dma_wait3A_983 = arith.constant 256 : i32
    %dma_wait3A_984 = tpu.memref_slice %arg6[%mul3A_4, %dma_wait3A_983] : memref<4096x896xf32, #tpu.memory_space<hbm>> -> memref<128x32xf32, #tpu.memory_space<hbm>>
    %dma_wait3A_985 = arith.constant 0 : i32
    %dma_wait3A_986 = arith.constant 0 : i32
    %dma_wait3A_987 = tpu.memref_slice %arg9[%dma_wait3A_976, %dma_wait3A_985, %dma_wait3A_986] : memref<26x128x32xf32, #tpu.memory_space<vmem>> -> memref<1x128x32xf32, #tpu.memory_space<vmem>>
    %dma_wait3A_988 = tpu.memref_squeeze %dma_wait3A_987 : memref<1x128x32xf32, #tpu.memory_space<vmem>> -> memref<128x32xf32, #tpu.memory_space<vmem>>
    tpu.wait_dma2 semaphore(%arg14 : memref<!tpu.dma_semaphore, #tpu.memory_space<semaphore_mem>>) src(%dma_wait3A_988 : memref<128x32xf32, #tpu.memory_space<vmem>>) dst(%dma_wait3A_984 : memref<128x32xf32, #tpu.memory_space<hbm>>)
    %dma_wait3A_989 = arith.constant 9 : i32
    %dma_wait3A_990 = arith.constant 0 : i32
    %dma_wait3A_991 = arith.constant 0 : i32
    %dma_wait3A_992 = tpu.memref_slice %arg9[%dma_wait3A_989, %dma_wait3A_990, %dma_wait3A_991] : memref<26x128x32xf32, #tpu.memory_space<vmem>> -> memref<1x128x32xf32, #tpu.memory_space<vmem>>
    %dma_wait3A_993 = tpu.memref_squeeze %dma_wait3A_992 : memref<1x128x32xf32, #tpu.memory_space<vmem>> -> memref<128x32xf32, #tpu.memory_space<vmem>>
    %dma_wait3A_994 = arith.constant 288 : i32
    %dma_wait3A_995 = tpu.memref_slice %arg6[%mul3A_4, %dma_wait3A_994] : memref<4096x896xf32, #tpu.memory_space<hbm>> -> memref<128x32xf32, #tpu.memory_space<hbm>>
    %dma_wait3A_996 = arith.constant 288 : i32
    %dma_wait3A_997 = tpu.memref_slice %arg6[%mul3A_4, %dma_wait3A_996] : memref<4096x896xf32, #tpu.memory_space<hbm>> -> memref<128x32xf32, #tpu.memory_space<hbm>>
    %dma_wait3A_998 = arith.constant 0 : i32
    %dma_wait3A_999 = arith.constant 0 : i32
    %dma_wait3A_1000 = tpu.memref_slice %arg9[%dma_wait3A_989, %dma_wait3A_998, %dma_wait3A_999] : memref<26x128x32xf32, #tpu.memory_space<vmem>> -> memref<1x128x32xf32, #tpu.memory_space<vmem>>
    %dma_wait3A_1001 = tpu.memref_squeeze %dma_wait3A_1000 : memref<1x128x32xf32, #tpu.memory_space<vmem>> -> memref<128x32xf32, #tpu.memory_space<vmem>>
    tpu.wait_dma2 semaphore(%arg14 : memref<!tpu.dma_semaphore, #tpu.memory_space<semaphore_mem>>) src(%dma_wait3A_1001 : memref<128x32xf32, #tpu.memory_space<vmem>>) dst(%dma_wait3A_997 : memref<128x32xf32, #tpu.memory_space<hbm>>)
    %dma_wait3A_1002 = arith.constant 10 : i32
    %dma_wait3A_1003 = arith.constant 0 : i32
    %dma_wait3A_1004 = arith.constant 0 : i32
    %dma_wait3A_1005 = tpu.memref_slice %arg9[%dma_wait3A_1002, %dma_wait3A_1003, %dma_wait3A_1004] : memref<26x128x32xf32, #tpu.memory_space<vmem>> -> memref<1x128x32xf32, #tpu.memory_space<vmem>>
    %dma_wait3A_1006 = tpu.memref_squeeze %dma_wait3A_1005 : memref<1x128x32xf32, #tpu.memory_space<vmem>> -> memref<128x32xf32, #tpu.memory_space<vmem>>
    %dma_wait3A_1007 = arith.constant 320 : i32
    %dma_wait3A_1008 = tpu.memref_slice %arg6[%mul3A_4, %dma_wait3A_1007] : memref<4096x896xf32, #tpu.memory_space<hbm>> -> memref<128x32xf32, #tpu.memory_space<hbm>>
    %dma_wait3A_1009 = arith.constant 320 : i32
    %dma_wait3A_1010 = tpu.memref_slice %arg6[%mul3A_4, %dma_wait3A_1009] : memref<4096x896xf32, #tpu.memory_space<hbm>> -> memref<128x32xf32, #tpu.memory_space<hbm>>
    %dma_wait3A_1011 = arith.constant 0 : i32
    %dma_wait3A_1012 = arith.constant 0 : i32
    %dma_wait3A_1013 = tpu.memref_slice %arg9[%dma_wait3A_1002, %dma_wait3A_1011, %dma_wait3A_1012] : memref<26x128x32xf32, #tpu.memory_space<vmem>> -> memref<1x128x32xf32, #tpu.memory_space<vmem>>
    %dma_wait3A_1014 = tpu.memref_squeeze %dma_wait3A_1013 : memref<1x128x32xf32, #tpu.memory_space<vmem>> -> memref<128x32xf32, #tpu.memory_space<vmem>>
    tpu.wait_dma2 semaphore(%arg14 : memref<!tpu.dma_semaphore, #tpu.memory_space<semaphore_mem>>) src(%dma_wait3A_1014 : memref<128x32xf32, #tpu.memory_space<vmem>>) dst(%dma_wait3A_1010 : memref<128x32xf32, #tpu.memory_space<hbm>>)
    %dma_wait3A_1015 = arith.constant 11 : i32
    %dma_wait3A_1016 = arith.constant 0 : i32
    %dma_wait3A_1017 = arith.constant 0 : i32
    %dma_wait3A_1018 = tpu.memref_slice %arg9[%dma_wait3A_1015, %dma_wait3A_1016, %dma_wait3A_1017] : memref<26x128x32xf32, #tpu.memory_space<vmem>> -> memref<1x128x32xf32, #tpu.memory_space<vmem>>
    %dma_wait3A_1019 = tpu.memref_squeeze %dma_wait3A_1018 : memref<1x128x32xf32, #tpu.memory_space<vmem>> -> memref<128x32xf32, #tpu.memory_space<vmem>>
    %dma_wait3A_1020 = arith.constant 352 : i32
    %dma_wait3A_1021 = tpu.memref_slice %arg6[%mul3A_4, %dma_wait3A_1020] : memref<4096x896xf32, #tpu.memory_space<hbm>> -> memref<128x32xf32, #tpu.memory_space<hbm>>
    %dma_wait3A_1022 = arith.constant 352 : i32
    %dma_wait3A_1023 = tpu.memref_slice %arg6[%mul3A_4, %dma_wait3A_1022] : memref<4096x896xf32, #tpu.memory_space<hbm>> -> memref<128x32xf32, #tpu.memory_space<hbm>>
    %dma_wait3A_1024 = arith.constant 0 : i32
    %dma_wait3A_1025 = arith.constant 0 : i32
    %dma_wait3A_1026 = tpu.memref_slice %arg9[%dma_wait3A_1015, %dma_wait3A_1024, %dma_wait3A_1025] : memref<26x128x32xf32, #tpu.memory_space<vmem>> -> memref<1x128x32xf32, #tpu.memory_space<vmem>>
    %dma_wait3A_1027 = tpu.memref_squeeze %dma_wait3A_1026 : memref<1x128x32xf32, #tpu.memory_space<vmem>> -> memref<128x32xf32, #tpu.memory_space<vmem>>
    tpu.wait_dma2 semaphore(%arg14 : memref<!tpu.dma_semaphore, #tpu.memory_space<semaphore_mem>>) src(%dma_wait3A_1027 : memref<128x32xf32, #tpu.memory_space<vmem>>) dst(%dma_wait3A_1023 : memref<128x32xf32, #tpu.memory_space<hbm>>)
    %dma_wait3A_1028 = arith.constant 12 : i32
    %dma_wait3A_1029 = arith.constant 0 : i32
    %dma_wait3A_1030 = arith.constant 0 : i32
    %dma_wait3A_1031 = tpu.memref_slice %arg9[%dma_wait3A_1028, %dma_wait3A_1029, %dma_wait3A_1030] : memref<26x128x32xf32, #tpu.memory_space<vmem>> -> memref<1x128x32xf32, #tpu.memory_space<vmem>>
    %dma_wait3A_1032 = tpu.memref_squeeze %dma_wait3A_1031 : memref<1x128x32xf32, #tpu.memory_space<vmem>> -> memref<128x32xf32, #tpu.memory_space<vmem>>
    %dma_wait3A_1033 = arith.constant 384 : i32
    %dma_wait3A_1034 = tpu.memref_slice %arg6[%mul3A_4, %dma_wait3A_1033] : memref<4096x896xf32, #tpu.memory_space<hbm>> -> memref<128x32xf32, #tpu.memory_space<hbm>>
    %dma_wait3A_1035 = arith.constant 384 : i32
    %dma_wait3A_1036 = tpu.memref_slice %arg6[%mul3A_4, %dma_wait3A_1035] : memref<4096x896xf32, #tpu.memory_space<hbm>> -> memref<128x32xf32, #tpu.memory_space<hbm>>
    %dma_wait3A_1037 = arith.constant 0 : i32
    %dma_wait3A_1038 = arith.constant 0 : i32
    %dma_wait3A_1039 = tpu.memref_slice %arg9[%dma_wait3A_1028, %dma_wait3A_1037, %dma_wait3A_1038] : memref<26x128x32xf32, #tpu.memory_space<vmem>> -> memref<1x128x32xf32, #tpu.memory_space<vmem>>
    %dma_wait3A_1040 = tpu.memref_squeeze %dma_wait3A_1039 : memref<1x128x32xf32, #tpu.memory_space<vmem>> -> memref<128x32xf32, #tpu.memory_space<vmem>>
    tpu.wait_dma2 semaphore(%arg14 : memref<!tpu.dma_semaphore, #tpu.memory_space<semaphore_mem>>) src(%dma_wait3A_1040 : memref<128x32xf32, #tpu.memory_space<vmem>>) dst(%dma_wait3A_1036 : memref<128x32xf32, #tpu.memory_space<hbm>>)
    %dma_wait3A_1041 = arith.constant 13 : i32
    %dma_wait3A_1042 = arith.constant 0 : i32
    %dma_wait3A_1043 = arith.constant 0 : i32
    %dma_wait3A_1044 = tpu.memref_slice %arg9[%dma_wait3A_1041, %dma_wait3A_1042, %dma_wait3A_1043] : memref<26x128x32xf32, #tpu.memory_space<vmem>> -> memref<1x128x32xf32, #tpu.memory_space<vmem>>
    %dma_wait3A_1045 = tpu.memref_squeeze %dma_wait3A_1044 : memref<1x128x32xf32, #tpu.memory_space<vmem>> -> memref<128x32xf32, #tpu.memory_space<vmem>>
    %dma_wait3A_1046 = arith.constant 416 : i32
    %dma_wait3A_1047 = tpu.memref_slice %arg6[%mul3A_4, %dma_wait3A_1046] : memref<4096x896xf32, #tpu.memory_space<hbm>> -> memref<128x32xf32, #tpu.memory_space<hbm>>
    %dma_wait3A_1048 = arith.constant 416 : i32
    %dma_wait3A_1049 = tpu.memref_slice %arg6[%mul3A_4, %dma_wait3A_1048] : memref<4096x896xf32, #tpu.memory_space<hbm>> -> memref<128x32xf32, #tpu.memory_space<hbm>>
    %dma_wait3A_1050 = arith.constant 0 : i32
    %dma_wait3A_1051 = arith.constant 0 : i32
    %dma_wait3A_1052 = tpu.memref_slice %arg9[%dma_wait3A_1041, %dma_wait3A_1050, %dma_wait3A_1051] : memref<26x128x32xf32, #tpu.memory_space<vmem>> -> memref<1x128x32xf32, #tpu.memory_space<vmem>>
    %dma_wait3A_1053 = tpu.memref_squeeze %dma_wait3A_1052 : memref<1x128x32xf32, #tpu.memory_space<vmem>> -> memref<128x32xf32, #tpu.memory_space<vmem>>
    tpu.wait_dma2 semaphore(%arg14 : memref<!tpu.dma_semaphore, #tpu.memory_space<semaphore_mem>>) src(%dma_wait3A_1053 : memref<128x32xf32, #tpu.memory_space<vmem>>) dst(%dma_wait3A_1049 : memref<128x32xf32, #tpu.memory_space<hbm>>)
    %dma_wait3A_1054 = arith.constant 14 : i32
    %dma_wait3A_1055 = arith.constant 0 : i32
    %dma_wait3A_1056 = arith.constant 0 : i32
    %dma_wait3A_1057 = tpu.memref_slice %arg9[%dma_wait3A_1054, %dma_wait3A_1055, %dma_wait3A_1056] : memref<26x128x32xf32, #tpu.memory_space<vmem>> -> memref<1x128x32xf32, #tpu.memory_space<vmem>>
    %dma_wait3A_1058 = tpu.memref_squeeze %dma_wait3A_1057 : memref<1x128x32xf32, #tpu.memory_space<vmem>> -> memref<128x32xf32, #tpu.memory_space<vmem>>
    %dma_wait3A_1059 = arith.constant 448 : i32
    %dma_wait3A_1060 = tpu.memref_slice %arg6[%mul3A_4, %dma_wait3A_1059] : memref<4096x896xf32, #tpu.memory_space<hbm>> -> memref<128x32xf32, #tpu.memory_space<hbm>>
    %dma_wait3A_1061 = arith.constant 448 : i32
    %dma_wait3A_1062 = tpu.memref_slice %arg6[%mul3A_4, %dma_wait3A_1061] : memref<4096x896xf32, #tpu.memory_space<hbm>> -> memref<128x32xf32, #tpu.memory_space<hbm>>
    %dma_wait3A_1063 = arith.constant 0 : i32
    %dma_wait3A_1064 = arith.constant 0 : i32
    %dma_wait3A_1065 = tpu.memref_slice %arg9[%dma_wait3A_1054, %dma_wait3A_1063, %dma_wait3A_1064] : memref<26x128x32xf32, #tpu.memory_space<vmem>> -> memref<1x128x32xf32, #tpu.memory_space<vmem>>
    %dma_wait3A_1066 = tpu.memref_squeeze %dma_wait3A_1065 : memref<1x128x32xf32, #tpu.memory_space<vmem>> -> memref<128x32xf32, #tpu.memory_space<vmem>>
    tpu.wait_dma2 semaphore(%arg14 : memref<!tpu.dma_semaphore, #tpu.memory_space<semaphore_mem>>) src(%dma_wait3A_1066 : memref<128x32xf32, #tpu.memory_space<vmem>>) dst(%dma_wait3A_1062 : memref<128x32xf32, #tpu.memory_space<hbm>>)
    %dma_wait3A_1067 = arith.constant 15 : i32
    %dma_wait3A_1068 = arith.constant 0 : i32
    %dma_wait3A_1069 = arith.constant 0 : i32
    %dma_wait3A_1070 = tpu.memref_slice %arg9[%dma_wait3A_1067, %dma_wait3A_1068, %dma_wait3A_1069] : memref<26x128x32xf32, #tpu.memory_space<vmem>> -> memref<1x128x32xf32, #tpu.memory_space<vmem>>
    %dma_wait3A_1071 = tpu.memref_squeeze %dma_wait3A_1070 : memref<1x128x32xf32, #tpu.memory_space<vmem>> -> memref<128x32xf32, #tpu.memory_space<vmem>>
    %dma_wait3A_1072 = arith.constant 480 : i32
    %dma_wait3A_1073 = tpu.memref_slice %arg6[%mul3A_4, %dma_wait3A_1072] : memref<4096x896xf32, #tpu.memory_space<hbm>> -> memref<128x32xf32, #tpu.memory_space<hbm>>
    %dma_wait3A_1074 = arith.constant 480 : i32
    %dma_wait3A_1075 = tpu.memref_slice %arg6[%mul3A_4, %dma_wait3A_1074] : memref<4096x896xf32, #tpu.memory_space<hbm>> -> memref<128x32xf32, #tpu.memory_space<hbm>>
    %dma_wait3A_1076 = arith.constant 0 : i32
    %dma_wait3A_1077 = arith.constant 0 : i32
    %dma_wait3A_1078 = tpu.memref_slice %arg9[%dma_wait3A_1067, %dma_wait3A_1076, %dma_wait3A_1077] : memref<26x128x32xf32, #tpu.memory_space<vmem>> -> memref<1x128x32xf32, #tpu.memory_space<vmem>>
    %dma_wait3A_1079 = tpu.memref_squeeze %dma_wait3A_1078 : memref<1x128x32xf32, #tpu.memory_space<vmem>> -> memref<128x32xf32, #tpu.memory_space<vmem>>
    tpu.wait_dma2 semaphore(%arg14 : memref<!tpu.dma_semaphore, #tpu.memory_space<semaphore_mem>>) src(%dma_wait3A_1079 : memref<128x32xf32, #tpu.memory_space<vmem>>) dst(%dma_wait3A_1075 : memref<128x32xf32, #tpu.memory_space<hbm>>)
    %dma_wait3A_1080 = arith.constant 16 : i32
    %dma_wait3A_1081 = arith.constant 0 : i32
    %dma_wait3A_1082 = arith.constant 0 : i32
    %dma_wait3A_1083 = tpu.memref_slice %arg9[%dma_wait3A_1080, %dma_wait3A_1081, %dma_wait3A_1082] : memref<26x128x32xf32, #tpu.memory_space<vmem>> -> memref<1x128x32xf32, #tpu.memory_space<vmem>>
    %dma_wait3A_1084 = tpu.memref_squeeze %dma_wait3A_1083 : memref<1x128x32xf32, #tpu.memory_space<vmem>> -> memref<128x32xf32, #tpu.memory_space<vmem>>
    %dma_wait3A_1085 = arith.constant 512 : i32
    %dma_wait3A_1086 = tpu.memref_slice %arg6[%mul3A_4, %dma_wait3A_1085] : memref<4096x896xf32, #tpu.memory_space<hbm>> -> memref<128x32xf32, #tpu.memory_space<hbm>>
    %dma_wait3A_1087 = arith.constant 512 : i32
    %dma_wait3A_1088 = tpu.memref_slice %arg6[%mul3A_4, %dma_wait3A_1087] : memref<4096x896xf32, #tpu.memory_space<hbm>> -> memref<128x32xf32, #tpu.memory_space<hbm>>
    %dma_wait3A_1089 = arith.constant 0 : i32
    %dma_wait3A_1090 = arith.constant 0 : i32
    %dma_wait3A_1091 = tpu.memref_slice %arg9[%dma_wait3A_1080, %dma_wait3A_1089, %dma_wait3A_1090] : memref<26x128x32xf32, #tpu.memory_space<vmem>> -> memref<1x128x32xf32, #tpu.memory_space<vmem>>
    %dma_wait3A_1092 = tpu.memref_squeeze %dma_wait3A_1091 : memref<1x128x32xf32, #tpu.memory_space<vmem>> -> memref<128x32xf32, #tpu.memory_space<vmem>>
    tpu.wait_dma2 semaphore(%arg14 : memref<!tpu.dma_semaphore, #tpu.memory_space<semaphore_mem>>) src(%dma_wait3A_1092 : memref<128x32xf32, #tpu.memory_space<vmem>>) dst(%dma_wait3A_1088 : memref<128x32xf32, #tpu.memory_space<hbm>>)
    %dma_wait3A_1093 = arith.constant 17 : i32
    %dma_wait3A_1094 = arith.constant 0 : i32
    %dma_wait3A_1095 = arith.constant 0 : i32
    %dma_wait3A_1096 = tpu.memref_slice %arg9[%dma_wait3A_1093, %dma_wait3A_1094, %dma_wait3A_1095] : memref<26x128x32xf32, #tpu.memory_space<vmem>> -> memref<1x128x32xf32, #tpu.memory_space<vmem>>
    %dma_wait3A_1097 = tpu.memref_squeeze %dma_wait3A_1096 : memref<1x128x32xf32, #tpu.memory_space<vmem>> -> memref<128x32xf32, #tpu.memory_space<vmem>>
    %dma_wait3A_1098 = arith.constant 544 : i32
    %dma_wait3A_1099 = tpu.memref_slice %arg6[%mul3A_4, %dma_wait3A_1098] : memref<4096x896xf32, #tpu.memory_space<hbm>> -> memref<128x32xf32, #tpu.memory_space<hbm>>
    %dma_wait3A_1100 = arith.constant 544 : i32
    %dma_wait3A_1101 = tpu.memref_slice %arg6[%mul3A_4, %dma_wait3A_1100] : memref<4096x896xf32, #tpu.memory_space<hbm>> -> memref<128x32xf32, #tpu.memory_space<hbm>>
    %dma_wait3A_1102 = arith.constant 0 : i32
    %dma_wait3A_1103 = arith.constant 0 : i32
    %dma_wait3A_1104 = tpu.memref_slice %arg9[%dma_wait3A_1093, %dma_wait3A_1102, %dma_wait3A_1103] : memref<26x128x32xf32, #tpu.memory_space<vmem>> -> memref<1x128x32xf32, #tpu.memory_space<vmem>>
    %dma_wait3A_1105 = tpu.memref_squeeze %dma_wait3A_1104 : memref<1x128x32xf32, #tpu.memory_space<vmem>> -> memref<128x32xf32, #tpu.memory_space<vmem>>
    tpu.wait_dma2 semaphore(%arg14 : memref<!tpu.dma_semaphore, #tpu.memory_space<semaphore_mem>>) src(%dma_wait3A_1105 : memref<128x32xf32, #tpu.memory_space<vmem>>) dst(%dma_wait3A_1101 : memref<128x32xf32, #tpu.memory_space<hbm>>)
    %dma_wait3A_1106 = arith.constant 18 : i32
    %dma_wait3A_1107 = arith.constant 0 : i32
    %dma_wait3A_1108 = arith.constant 0 : i32
    %dma_wait3A_1109 = tpu.memref_slice %arg9[%dma_wait3A_1106, %dma_wait3A_1107, %dma_wait3A_1108] : memref<26x128x32xf32, #tpu.memory_space<vmem>> -> memref<1x128x32xf32, #tpu.memory_space<vmem>>
    %dma_wait3A_1110 = tpu.memref_squeeze %dma_wait3A_1109 : memref<1x128x32xf32, #tpu.memory_space<vmem>> -> memref<128x32xf32, #tpu.memory_space<vmem>>
    %dma_wait3A_1111 = arith.constant 576 : i32
    %dma_wait3A_1112 = tpu.memref_slice %arg6[%mul3A_4, %dma_wait3A_1111] : memref<4096x896xf32, #tpu.memory_space<hbm>> -> memref<128x32xf32, #tpu.memory_space<hbm>>
    %dma_wait3A_1113 = arith.constant 576 : i32
    %dma_wait3A_1114 = tpu.memref_slice %arg6[%mul3A_4, %dma_wait3A_1113] : memref<4096x896xf32, #tpu.memory_space<hbm>> -> memref<128x32xf32, #tpu.memory_space<hbm>>
    %dma_wait3A_1115 = arith.constant 0 : i32
    %dma_wait3A_1116 = arith.constant 0 : i32
    %dma_wait3A_1117 = tpu.memref_slice %arg9[%dma_wait3A_1106, %dma_wait3A_1115, %dma_wait3A_1116] : memref<26x128x32xf32, #tpu.memory_space<vmem>> -> memref<1x128x32xf32, #tpu.memory_space<vmem>>
    %dma_wait3A_1118 = tpu.memref_squeeze %dma_wait3A_1117 : memref<1x128x32xf32, #tpu.memory_space<vmem>> -> memref<128x32xf32, #tpu.memory_space<vmem>>
    tpu.wait_dma2 semaphore(%arg14 : memref<!tpu.dma_semaphore, #tpu.memory_space<semaphore_mem>>) src(%dma_wait3A_1118 : memref<128x32xf32, #tpu.memory_space<vmem>>) dst(%dma_wait3A_1114 : memref<128x32xf32, #tpu.memory_space<hbm>>)
    %dma_wait3A_1119 = arith.constant 19 : i32
    %dma_wait3A_1120 = arith.constant 0 : i32
    %dma_wait3A_1121 = arith.constant 0 : i32
    %dma_wait3A_1122 = tpu.memref_slice %arg9[%dma_wait3A_1119, %dma_wait3A_1120, %dma_wait3A_1121] : memref<26x128x32xf32, #tpu.memory_space<vmem>> -> memref<1x128x32xf32, #tpu.memory_space<vmem>>
    %dma_wait3A_1123 = tpu.memref_squeeze %dma_wait3A_1122 : memref<1x128x32xf32, #tpu.memory_space<vmem>> -> memref<128x32xf32, #tpu.memory_space<vmem>>
    %dma_wait3A_1124 = arith.constant 608 : i32
    %dma_wait3A_1125 = tpu.memref_slice %arg6[%mul3A_4, %dma_wait3A_1124] : memref<4096x896xf32, #tpu.memory_space<hbm>> -> memref<128x32xf32, #tpu.memory_space<hbm>>
    %dma_wait3A_1126 = arith.constant 608 : i32
    %dma_wait3A_1127 = tpu.memref_slice %arg6[%mul3A_4, %dma_wait3A_1126] : memref<4096x896xf32, #tpu.memory_space<hbm>> -> memref<128x32xf32, #tpu.memory_space<hbm>>
    %dma_wait3A_1128 = arith.constant 0 : i32
    %dma_wait3A_1129 = arith.constant 0 : i32
    %dma_wait3A_1130 = tpu.memref_slice %arg9[%dma_wait3A_1119, %dma_wait3A_1128, %dma_wait3A_1129] : memref<26x128x32xf32, #tpu.memory_space<vmem>> -> memref<1x128x32xf32, #tpu.memory_space<vmem>>
    %dma_wait3A_1131 = tpu.memref_squeeze %dma_wait3A_1130 : memref<1x128x32xf32, #tpu.memory_space<vmem>> -> memref<128x32xf32, #tpu.memory_space<vmem>>
    tpu.wait_dma2 semaphore(%arg14 : memref<!tpu.dma_semaphore, #tpu.memory_space<semaphore_mem>>) src(%dma_wait3A_1131 : memref<128x32xf32, #tpu.memory_space<vmem>>) dst(%dma_wait3A_1127 : memref<128x32xf32, #tpu.memory_space<hbm>>)
    %dma_wait3A_1132 = arith.constant 20 : i32
    %dma_wait3A_1133 = arith.constant 0 : i32
    %dma_wait3A_1134 = arith.constant 0 : i32
    %dma_wait3A_1135 = tpu.memref_slice %arg9[%dma_wait3A_1132, %dma_wait3A_1133, %dma_wait3A_1134] : memref<26x128x32xf32, #tpu.memory_space<vmem>> -> memref<1x128x32xf32, #tpu.memory_space<vmem>>
    %dma_wait3A_1136 = tpu.memref_squeeze %dma_wait3A_1135 : memref<1x128x32xf32, #tpu.memory_space<vmem>> -> memref<128x32xf32, #tpu.memory_space<vmem>>
    %dma_wait3A_1137 = arith.constant 640 : i32
    %dma_wait3A_1138 = tpu.memref_slice %arg6[%mul3A_4, %dma_wait3A_1137] : memref<4096x896xf32, #tpu.memory_space<hbm>> -> memref<128x32xf32, #tpu.memory_space<hbm>>
    %dma_wait3A_1139 = arith.constant 640 : i32
    %dma_wait3A_1140 = tpu.memref_slice %arg6[%mul3A_4, %dma_wait3A_1139] : memref<4096x896xf32, #tpu.memory_space<hbm>> -> memref<128x32xf32, #tpu.memory_space<hbm>>
    %dma_wait3A_1141 = arith.constant 0 : i32
    %dma_wait3A_1142 = arith.constant 0 : i32
    %dma_wait3A_1143 = tpu.memref_slice %arg9[%dma_wait3A_1132, %dma_wait3A_1141, %dma_wait3A_1142] : memref<26x128x32xf32, #tpu.memory_space<vmem>> -> memref<1x128x32xf32, #tpu.memory_space<vmem>>
    %dma_wait3A_1144 = tpu.memref_squeeze %dma_wait3A_1143 : memref<1x128x32xf32, #tpu.memory_space<vmem>> -> memref<128x32xf32, #tpu.memory_space<vmem>>
    tpu.wait_dma2 semaphore(%arg14 : memref<!tpu.dma_semaphore, #tpu.memory_space<semaphore_mem>>) src(%dma_wait3A_1144 : memref<128x32xf32, #tpu.memory_space<vmem>>) dst(%dma_wait3A_1140 : memref<128x32xf32, #tpu.memory_space<hbm>>)
    %dma_wait3A_1145 = arith.constant 21 : i32
    %dma_wait3A_1146 = arith.constant 0 : i32
    %dma_wait3A_1147 = arith.constant 0 : i32
    %dma_wait3A_1148 = tpu.memref_slice %arg9[%dma_wait3A_1145, %dma_wait3A_1146, %dma_wait3A_1147] : memref<26x128x32xf32, #tpu.memory_space<vmem>> -> memref<1x128x32xf32, #tpu.memory_space<vmem>>
    %dma_wait3A_1149 = tpu.memref_squeeze %dma_wait3A_1148 : memref<1x128x32xf32, #tpu.memory_space<vmem>> -> memref<128x32xf32, #tpu.memory_space<vmem>>
    %dma_wait3A_1150 = arith.constant 672 : i32
    %dma_wait3A_1151 = tpu.memref_slice %arg6[%mul3A_4, %dma_wait3A_1150] : memref<4096x896xf32, #tpu.memory_space<hbm>> -> memref<128x32xf32, #tpu.memory_space<hbm>>
    %dma_wait3A_1152 = arith.constant 672 : i32
    %dma_wait3A_1153 = tpu.memref_slice %arg6[%mul3A_4, %dma_wait3A_1152] : memref<4096x896xf32, #tpu.memory_space<hbm>> -> memref<128x32xf32, #tpu.memory_space<hbm>>
    %dma_wait3A_1154 = arith.constant 0 : i32
    %dma_wait3A_1155 = arith.constant 0 : i32
    %dma_wait3A_1156 = tpu.memref_slice %arg9[%dma_wait3A_1145, %dma_wait3A_1154, %dma_wait3A_1155] : memref<26x128x32xf32, #tpu.memory_space<vmem>> -> memref<1x128x32xf32, #tpu.memory_space<vmem>>
    %dma_wait3A_1157 = tpu.memref_squeeze %dma_wait3A_1156 : memref<1x128x32xf32, #tpu.memory_space<vmem>> -> memref<128x32xf32, #tpu.memory_space<vmem>>
    tpu.wait_dma2 semaphore(%arg14 : memref<!tpu.dma_semaphore, #tpu.memory_space<semaphore_mem>>) src(%dma_wait3A_1157 : memref<128x32xf32, #tpu.memory_space<vmem>>) dst(%dma_wait3A_1153 : memref<128x32xf32, #tpu.memory_space<hbm>>)
    %dma_wait3A_1158 = arith.constant 22 : i32
    %dma_wait3A_1159 = arith.constant 0 : i32
    %dma_wait3A_1160 = arith.constant 0 : i32
    %dma_wait3A_1161 = tpu.memref_slice %arg9[%dma_wait3A_1158, %dma_wait3A_1159, %dma_wait3A_1160] : memref<26x128x32xf32, #tpu.memory_space<vmem>> -> memref<1x128x32xf32, #tpu.memory_space<vmem>>
    %dma_wait3A_1162 = tpu.memref_squeeze %dma_wait3A_1161 : memref<1x128x32xf32, #tpu.memory_space<vmem>> -> memref<128x32xf32, #tpu.memory_space<vmem>>
    %dma_wait3A_1163 = arith.constant 704 : i32
    %dma_wait3A_1164 = tpu.memref_slice %arg6[%mul3A_4, %dma_wait3A_1163] : memref<4096x896xf32, #tpu.memory_space<hbm>> -> memref<128x32xf32, #tpu.memory_space<hbm>>
    %dma_wait3A_1165 = arith.constant 704 : i32
    %dma_wait3A_1166 = tpu.memref_slice %arg6[%mul3A_4, %dma_wait3A_1165] : memref<4096x896xf32, #tpu.memory_space<hbm>> -> memref<128x32xf32, #tpu.memory_space<hbm>>
    %dma_wait3A_1167 = arith.constant 0 : i32
    %dma_wait3A_1168 = arith.constant 0 : i32
    %dma_wait3A_1169 = tpu.memref_slice %arg9[%dma_wait3A_1158, %dma_wait3A_1167, %dma_wait3A_1168] : memref<26x128x32xf32, #tpu.memory_space<vmem>> -> memref<1x128x32xf32, #tpu.memory_space<vmem>>
    %dma_wait3A_1170 = tpu.memref_squeeze %dma_wait3A_1169 : memref<1x128x32xf32, #tpu.memory_space<vmem>> -> memref<128x32xf32, #tpu.memory_space<vmem>>
    tpu.wait_dma2 semaphore(%arg14 : memref<!tpu.dma_semaphore, #tpu.memory_space<semaphore_mem>>) src(%dma_wait3A_1170 : memref<128x32xf32, #tpu.memory_space<vmem>>) dst(%dma_wait3A_1166 : memref<128x32xf32, #tpu.memory_space<hbm>>)
    %dma_wait3A_1171 = arith.constant 23 : i32
    %dma_wait3A_1172 = arith.constant 0 : i32
    %dma_wait3A_1173 = arith.constant 0 : i32
    %dma_wait3A_1174 = tpu.memref_slice %arg9[%dma_wait3A_1171, %dma_wait3A_1172, %dma_wait3A_1173] : memref<26x128x32xf32, #tpu.memory_space<vmem>> -> memref<1x128x32xf32, #tpu.memory_space<vmem>>
    %dma_wait3A_1175 = tpu.memref_squeeze %dma_wait3A_1174 : memref<1x128x32xf32, #tpu.memory_space<vmem>> -> memref<128x32xf32, #tpu.memory_space<vmem>>
    %dma_wait3A_1176 = arith.constant 736 : i32
    %dma_wait3A_1177 = tpu.memref_slice %arg6[%mul3A_4, %dma_wait3A_1176] : memref<4096x896xf32, #tpu.memory_space<hbm>> -> memref<128x32xf32, #tpu.memory_space<hbm>>
    %dma_wait3A_1178 = arith.constant 736 : i32
    %dma_wait3A_1179 = tpu.memref_slice %arg6[%mul3A_4, %dma_wait3A_1178] : memref<4096x896xf32, #tpu.memory_space<hbm>> -> memref<128x32xf32, #tpu.memory_space<hbm>>
    %dma_wait3A_1180 = arith.constant 0 : i32
    %dma_wait3A_1181 = arith.constant 0 : i32
    %dma_wait3A_1182 = tpu.memref_slice %arg9[%dma_wait3A_1171, %dma_wait3A_1180, %dma_wait3A_1181] : memref<26x128x32xf32, #tpu.memory_space<vmem>> -> memref<1x128x32xf32, #tpu.memory_space<vmem>>
    %dma_wait3A_1183 = tpu.memref_squeeze %dma_wait3A_1182 : memref<1x128x32xf32, #tpu.memory_space<vmem>> -> memref<128x32xf32, #tpu.memory_space<vmem>>
    tpu.wait_dma2 semaphore(%arg14 : memref<!tpu.dma_semaphore, #tpu.memory_space<semaphore_mem>>) src(%dma_wait3A_1183 : memref<128x32xf32, #tpu.memory_space<vmem>>) dst(%dma_wait3A_1179 : memref<128x32xf32, #tpu.memory_space<hbm>>)
    %dma_wait3A_1184 = arith.constant 24 : i32
    %dma_wait3A_1185 = arith.constant 0 : i32
    %dma_wait3A_1186 = arith.constant 0 : i32
    %dma_wait3A_1187 = tpu.memref_slice %arg9[%dma_wait3A_1184, %dma_wait3A_1185, %dma_wait3A_1186] : memref<26x128x32xf32, #tpu.memory_space<vmem>> -> memref<1x128x32xf32, #tpu.memory_space<vmem>>
    %dma_wait3A_1188 = tpu.memref_squeeze %dma_wait3A_1187 : memref<1x128x32xf32, #tpu.memory_space<vmem>> -> memref<128x32xf32, #tpu.memory_space<vmem>>
    %dma_wait3A_1189 = arith.constant 768 : i32
    %dma_wait3A_1190 = tpu.memref_slice %arg6[%mul3A_4, %dma_wait3A_1189] : memref<4096x896xf32, #tpu.memory_space<hbm>> -> memref<128x32xf32, #tpu.memory_space<hbm>>
    %dma_wait3A_1191 = arith.constant 768 : i32
    %dma_wait3A_1192 = tpu.memref_slice %arg6[%mul3A_4, %dma_wait3A_1191] : memref<4096x896xf32, #tpu.memory_space<hbm>> -> memref<128x32xf32, #tpu.memory_space<hbm>>
    %dma_wait3A_1193 = arith.constant 0 : i32
    %dma_wait3A_1194 = arith.constant 0 : i32
    %dma_wait3A_1195 = tpu.memref_slice %arg9[%dma_wait3A_1184, %dma_wait3A_1193, %dma_wait3A_1194] : memref<26x128x32xf32, #tpu.memory_space<vmem>> -> memref<1x128x32xf32, #tpu.memory_space<vmem>>
    %dma_wait3A_1196 = tpu.memref_squeeze %dma_wait3A_1195 : memref<1x128x32xf32, #tpu.memory_space<vmem>> -> memref<128x32xf32, #tpu.memory_space<vmem>>
    tpu.wait_dma2 semaphore(%arg14 : memref<!tpu.dma_semaphore, #tpu.memory_space<semaphore_mem>>) src(%dma_wait3A_1196 : memref<128x32xf32, #tpu.memory_space<vmem>>) dst(%dma_wait3A_1192 : memref<128x32xf32, #tpu.memory_space<hbm>>)
    %dma_wait3A_1197 = arith.constant 25 : i32
    %dma_wait3A_1198 = arith.constant 0 : i32
    %dma_wait3A_1199 = arith.constant 0 : i32
    %dma_wait3A_1200 = tpu.memref_slice %arg9[%dma_wait3A_1197, %dma_wait3A_1198, %dma_wait3A_1199] : memref<26x128x32xf32, #tpu.memory_space<vmem>> -> memref<1x128x32xf32, #tpu.memory_space<vmem>>
    %dma_wait3A_1201 = tpu.memref_squeeze %dma_wait3A_1200 : memref<1x128x32xf32, #tpu.memory_space<vmem>> -> memref<128x32xf32, #tpu.memory_space<vmem>>
    %dma_wait3A_1202 = arith.constant 800 : i32
    %dma_wait3A_1203 = tpu.memref_slice %arg6[%mul3A_4, %dma_wait3A_1202] : memref<4096x896xf32, #tpu.memory_space<hbm>> -> memref<128x32xf32, #tpu.memory_space<hbm>>
    %dma_wait3A_1204 = arith.constant 800 : i32
    %dma_wait3A_1205 = tpu.memref_slice %arg6[%mul3A_4, %dma_wait3A_1204] : memref<4096x896xf32, #tpu.memory_space<hbm>> -> memref<128x32xf32, #tpu.memory_space<hbm>>
    %dma_wait3A_1206 = arith.constant 0 : i32
    %dma_wait3A_1207 = arith.constant 0 : i32
    %dma_wait3A_1208 = tpu.memref_slice %arg9[%dma_wait3A_1197, %dma_wait3A_1206, %dma_wait3A_1207] : memref<26x128x32xf32, #tpu.memory_space<vmem>> -> memref<1x128x32xf32, #tpu.memory_space<vmem>>
    %dma_wait3A_1209 = tpu.memref_squeeze %dma_wait3A_1208 : memref<1x128x32xf32, #tpu.memory_space<vmem>> -> memref<128x32xf32, #tpu.memory_space<vmem>>
    tpu.wait_dma2 semaphore(%arg14 : memref<!tpu.dma_semaphore, #tpu.memory_space<semaphore_mem>>) src(%dma_wait3A_1209 : memref<128x32xf32, #tpu.memory_space<vmem>>) dst(%dma_wait3A_1205 : memref<128x32xf32, #tpu.memory_space<hbm>>)
    return
  }
}

module attributes {stable_mosaic.version = 14 : i64} {
  func.func @_mlp_body(%arg0: i32, %arg1: memref<1024x896xf32, #tpu.memory_space<vmem>>, %arg2: memref<1024x13xf32, #tpu.memory_space<vmem>>, %arg3: memref<1024x32xf32, #tpu.memory_space<vmem>>, %arg4: memref<832x1024xf32, #tpu.memory_space<vmem>>, %arg5: memref<13x1024xf32, #tpu.memory_space<vmem>>, %arg6: memref<1x1024xf32, #tpu.memory_space<vmem>>, %arg7: memref<1024x512xf32, #tpu.memory_space<vmem>>, %arg8: memref<1x512xf32, #tpu.memory_space<vmem>>, %arg9: memref<512x256xf32, #tpu.memory_space<vmem>>, %arg10: memref<1x256xf32, #tpu.memory_space<vmem>>, %arg11: memref<256x1xf32, #tpu.memory_space<vmem>>, %arg12: memref<1x1xf32, #tpu.memory_space<vmem>>, %arg13: memref<26x1xf32, #tpu.memory_space<vmem>>, %arg14: memref<13x1xf32, #tpu.memory_space<vmem>>, %arg15: memref<1x1xf32, #tpu.memory_space<vmem>>, %arg16: memref<1024x1024xf32, #tpu.memory_space<vmem>>, %arg17: memref<1024x512xf32, #tpu.memory_space<vmem>>, %arg18: memref<1024x256xf32, #tpu.memory_space<vmem>>, %arg19: memref<1024x1xf32, #tpu.memory_space<vmem>>, %arg20: memref<1024x1xf32, #tpu.memory_space<vmem>>, %arg21: memref<1024x1xf32, #tpu.memory_space<vmem>>) attributes {dimension_semantics = [#tpu.dimension_semantics<arbitrary>], iteration_bounds = array<i64: 4>, scalar_prefetch = 0 : i64, scratch_operands = 0 : i64, tpu.core_type = #tpu.core_type<tc>, window_params = [{transform_indices = @transform_0, window_bounds = array<i64: 1024, 896>}, {transform_indices = @transform_1, window_bounds = array<i64: 1024, 13>}, {transform_indices = @transform_2, window_bounds = array<i64: 1024, 32>}, {pipeline_mode = #tpu.pipeline_mode<synchronous>, transform_indices = @transform_3, window_bounds = array<i64: 832, 1024>}, {pipeline_mode = #tpu.pipeline_mode<synchronous>, transform_indices = @transform_4, window_bounds = array<i64: 13, 1024>}, {pipeline_mode = #tpu.pipeline_mode<synchronous>, transform_indices = @transform_5, window_bounds = array<i64: 1, 1024>}, {pipeline_mode = #tpu.pipeline_mode<synchronous>, transform_indices = @transform_6, window_bounds = array<i64: 1024, 512>}, {pipeline_mode = #tpu.pipeline_mode<synchronous>, transform_indices = @transform_7, window_bounds = array<i64: 1, 512>}, {pipeline_mode = #tpu.pipeline_mode<synchronous>, transform_indices = @transform_8, window_bounds = array<i64: 512, 256>}, {pipeline_mode = #tpu.pipeline_mode<synchronous>, transform_indices = @transform_9, window_bounds = array<i64: 1, 256>}, {pipeline_mode = #tpu.pipeline_mode<synchronous>, transform_indices = @transform_10, window_bounds = array<i64: 256, 1>}, {pipeline_mode = #tpu.pipeline_mode<synchronous>, transform_indices = @transform_11, window_bounds = array<i64: 1, 1>}, {pipeline_mode = #tpu.pipeline_mode<synchronous>, transform_indices = @transform_12, window_bounds = array<i64: 26, 1>}, {pipeline_mode = #tpu.pipeline_mode<synchronous>, transform_indices = @transform_13, window_bounds = array<i64: 13, 1>}, {pipeline_mode = #tpu.pipeline_mode<synchronous>, transform_indices = @transform_14, window_bounds = array<i64: 1, 1>}, {transform_indices = @transform_15, window_bounds = array<i64: 1024, 1024>}, {transform_indices = @transform_16, window_bounds = array<i64: 1024, 512>}, {transform_indices = @transform_17, window_bounds = array<i64: 1024, 256>}, {transform_indices = @transform_18, window_bounds = array<i64: 1024, 1>}, {transform_indices = @transform_19, window_bounds = array<i64: 1024, 1>}, {transform_indices = @transform_20, window_bounds = array<i64: 1024, 1>}]} {
    %get3A = arith.constant 0 : index
    %get3A_0 = arith.constant 0 : index
    %get3A_1 = vector.load %arg2[%get3A, %get3A_0] : memref<1024x13xf32, #tpu.memory_space<vmem>>, vector<1024x13xf32>
    %get3A_2 = arith.constant 0 : index
    %get3A_3 = arith.constant 0 : index
    %get3A_4 = vector.load %arg1[%get3A_2, %get3A_3] : memref<1024x896xf32, #tpu.memory_space<vmem>>, vector<1024x896xf32>
    %slice3A = vector.extract_strided_slice %get3A_4 {offsets = [0, 0], sizes = [1024, 832], strides = [1, 1]} : vector<1024x896xf32> to vector<1024x832xf32>
    %get3A_5 = arith.constant 0 : index
    %get3A_6 = arith.constant 0 : index
    %get3A_7 = vector.load %arg4[%get3A_5, %get3A_6] : memref<832x1024xf32, #tpu.memory_space<vmem>>, vector<832x1024xf32>
    %dot_general3A = arith.constant dense<0.000000e+00> : vector<1024x1024xf32>
    %dot_general3A_8 = tpu.matmul %slice3A, %get3A_7, %dot_general3A {dimension_numbers = #tpu.dot_dimension_numbers<[1], [0], [0], [1], [0, 0, 1, 1], [], []>, transpose_lhs_hint = false} : vector<1024x832xf32>, vector<832x1024xf32>, vector<1024x1024xf32> -> vector<1024x1024xf32>
    %get3A_9 = arith.constant 0 : index
    %get3A_10 = arith.constant 0 : index
    %get3A_11 = vector.load %arg5[%get3A_9, %get3A_10] : memref<13x1024xf32, #tpu.memory_space<vmem>>, vector<13x1024xf32>
    %dot_general3A_12 = arith.constant dense<0.000000e+00> : vector<1024x1024xf32>
    %dot_general3A_13 = tpu.matmul %get3A_1, %get3A_11, %dot_general3A_12 {dimension_numbers = #tpu.dot_dimension_numbers<[1], [0], [0], [1], [0, 0, 1, 1], [], []>, transpose_lhs_hint = false} : vector<1024x13xf32>, vector<13x1024xf32>, vector<1024x1024xf32> -> vector<1024x1024xf32>
    %add3A = arith.addf %dot_general3A_8, %dot_general3A_13 : vector<1024x1024xf32>
    %get3A_14 = arith.constant 0 : index
    %get3A_15 = arith.constant 0 : index
    %get3A_16 = vector.load %arg6[%get3A_14, %get3A_15] : memref<1x1024xf32, #tpu.memory_space<vmem>>, vector<1x1024xf32>
    %add3A_17 = vector.broadcast %get3A_16 : vector<1x1024xf32> to vector<1024x1024xf32>
    %add3A_18 = arith.addf %add3A, %add3A_17 : vector<1024x1024xf32>
    %max3A = arith.constant 0.000000e+00 : f32
    %max3A_19 = vector.broadcast %max3A : f32 to vector<1024x1024xf32>
    %max3A_20 = arith.maximumf %add3A_18, %max3A_19 : vector<1024x1024xf32>
    %swap3A = arith.constant 0 : index
    %swap3A_21 = arith.constant 0 : index
    %swap3A_22 = vector.load %arg16[%swap3A, %swap3A_21] : memref<1024x1024xf32, #tpu.memory_space<vmem>>, vector<1024x1024xf32>
    tpu.vector_store %arg16[%swap3A, %swap3A_21], %max3A_20 {strides = array<i32>} : memref<1024x1024xf32, #tpu.memory_space<vmem>>, vector<1024x1024xf32>,
    %get3A_23 = arith.constant 0 : index
    %get3A_24 = arith.constant 0 : index
    %get3A_25 = vector.load %arg7[%get3A_23, %get3A_24] : memref<1024x512xf32, #tpu.memory_space<vmem>>, vector<1024x512xf32>
    %dot_general3A_26 = arith.constant dense<0.000000e+00> : vector<1024x512xf32>
    %dot_general3A_27 = tpu.matmul %max3A_20, %get3A_25, %dot_general3A_26 {dimension_numbers = #tpu.dot_dimension_numbers<[1], [0], [0], [1], [0, 0, 1, 1], [], []>, transpose_lhs_hint = false} : vector<1024x1024xf32>, vector<1024x512xf32>, vector<1024x512xf32> -> vector<1024x512xf32>
    %get3A_28 = arith.constant 0 : index
    %get3A_29 = arith.constant 0 : index
    %get3A_30 = vector.load %arg8[%get3A_28, %get3A_29] : memref<1x512xf32, #tpu.memory_space<vmem>>, vector<1x512xf32>
    %add3A_31 = vector.broadcast %get3A_30 : vector<1x512xf32> to vector<1024x512xf32>
    %add3A_32 = arith.addf %dot_general3A_27, %add3A_31 : vector<1024x512xf32>
    %max3A_33 = arith.constant 0.000000e+00 : f32
    %max3A_34 = vector.broadcast %max3A_33 : f32 to vector<1024x512xf32>
    %max3A_35 = arith.maximumf %add3A_32, %max3A_34 : vector<1024x512xf32>
    %swap3A_36 = arith.constant 0 : index
    %swap3A_37 = arith.constant 0 : index
    %swap3A_38 = vector.load %arg17[%swap3A_36, %swap3A_37] : memref<1024x512xf32, #tpu.memory_space<vmem>>, vector<1024x512xf32>
    tpu.vector_store %arg17[%swap3A_36, %swap3A_37], %max3A_35 {strides = array<i32>} : memref<1024x512xf32, #tpu.memory_space<vmem>>, vector<1024x512xf32>,
    %get3A_39 = arith.constant 0 : index
    %get3A_40 = arith.constant 0 : index
    %get3A_41 = vector.load %arg9[%get3A_39, %get3A_40] : memref<512x256xf32, #tpu.memory_space<vmem>>, vector<512x256xf32>
    %dot_general3A_42 = arith.constant dense<0.000000e+00> : vector<1024x256xf32>
    %dot_general3A_43 = tpu.matmul %max3A_35, %get3A_41, %dot_general3A_42 {dimension_numbers = #tpu.dot_dimension_numbers<[1], [0], [0], [1], [0, 0, 1, 1], [], []>, transpose_lhs_hint = false} : vector<1024x512xf32>, vector<512x256xf32>, vector<1024x256xf32> -> vector<1024x256xf32>
    %get3A_44 = arith.constant 0 : index
    %get3A_45 = arith.constant 0 : index
    %get3A_46 = vector.load %arg10[%get3A_44, %get3A_45] : memref<1x256xf32, #tpu.memory_space<vmem>>, vector<1x256xf32>
    %add3A_47 = vector.broadcast %get3A_46 : vector<1x256xf32> to vector<1024x256xf32>
    %add3A_48 = arith.addf %dot_general3A_43, %add3A_47 : vector<1024x256xf32>
    %max3A_49 = arith.constant 0.000000e+00 : f32
    %max3A_50 = vector.broadcast %max3A_49 : f32 to vector<1024x256xf32>
    %max3A_51 = arith.maximumf %add3A_48, %max3A_50 : vector<1024x256xf32>
    %swap3A_52 = arith.constant 0 : index
    %swap3A_53 = arith.constant 0 : index
    %swap3A_54 = vector.load %arg18[%swap3A_52, %swap3A_53] : memref<1024x256xf32, #tpu.memory_space<vmem>>, vector<1024x256xf32>
    tpu.vector_store %arg18[%swap3A_52, %swap3A_53], %max3A_51 {strides = array<i32>} : memref<1024x256xf32, #tpu.memory_space<vmem>>, vector<1024x256xf32>,
    %get3A_55 = arith.constant 0 : index
    %get3A_56 = arith.constant 0 : index
    %get3A_57 = vector.load %arg11[%get3A_55, %get3A_56] : memref<256x1xf32, #tpu.memory_space<vmem>>, vector<256x1xf32>
    %dot_general3A_58 = arith.constant dense<0.000000e+00> : vector<1024x1xf32>
    %dot_general3A_59 = tpu.matmul %max3A_51, %get3A_57, %dot_general3A_58 {dimension_numbers = #tpu.dot_dimension_numbers<[1], [0], [0], [1], [0, 0, 1, 1], [], []>, transpose_lhs_hint = false} : vector<1024x256xf32>, vector<256x1xf32>, vector<1024x1xf32> -> vector<1024x1xf32>
    %get3A_60 = arith.constant 0 : index
    %get3A_61 = arith.constant 0 : index
    %get3A_62 = vector.load %arg12[%get3A_60, %get3A_61] : memref<1x1xf32, #tpu.memory_space<vmem>>, vector<1x1xf32>
    %add3A_63 = vector.broadcast %get3A_62 : vector<1x1xf32> to vector<1024x1xf32>
    %add3A_64 = arith.addf %dot_general3A_59, %add3A_63 : vector<1024x1xf32>
    %swap3A_65 = arith.constant 0 : index
    %swap3A_66 = arith.constant 0 : index
    %swap3A_67 = vector.load %arg19[%swap3A_65, %swap3A_66] : memref<1024x1xf32, #tpu.memory_space<vmem>>, vector<1024x1xf32>
    tpu.vector_store %arg19[%swap3A_65, %swap3A_66], %add3A_64 {strides = array<i32>} : memref<1024x1xf32, #tpu.memory_space<vmem>>, vector<1024x1xf32>,
    %get3A_68 = arith.constant 0 : index
    %get3A_69 = arith.constant 0 : index
    %get3A_70 = vector.load %arg3[%get3A_68, %get3A_69] : memref<1024x32xf32, #tpu.memory_space<vmem>>, vector<1024x32xf32>
    %slice3A_71 = vector.extract_strided_slice %get3A_70 {offsets = [0, 0], sizes = [1024, 26], strides = [1, 1]} : vector<1024x32xf32> to vector<1024x26xf32>
    %get3A_72 = arith.constant 0 : index
    %get3A_73 = arith.constant 0 : index
    %get3A_74 = vector.load %arg13[%get3A_72, %get3A_73] : memref<26x1xf32, #tpu.memory_space<vmem>>, vector<26x1xf32>
    %dot_general3A_75 = arith.constant dense<0.000000e+00> : vector<1024x1xf32>
    %dot_general3A_76 = tpu.matmul %slice3A_71, %get3A_74, %dot_general3A_75 {dimension_numbers = #tpu.dot_dimension_numbers<[1], [0], [0], [1], [0, 0, 1, 1], [], []>, transpose_lhs_hint = false} : vector<1024x26xf32>, vector<26x1xf32>, vector<1024x1xf32> -> vector<1024x1xf32>
    %get3A_77 = arith.constant 0 : index
    %get3A_78 = arith.constant 0 : index
    %get3A_79 = vector.load %arg14[%get3A_77, %get3A_78] : memref<13x1xf32, #tpu.memory_space<vmem>>, vector<13x1xf32>
    %dot_general3A_80 = arith.constant dense<0.000000e+00> : vector<1024x1xf32>
    %dot_general3A_81 = tpu.matmul %get3A_1, %get3A_79, %dot_general3A_80 {dimension_numbers = #tpu.dot_dimension_numbers<[1], [0], [0], [1], [0, 0, 1, 1], [], []>, transpose_lhs_hint = false} : vector<1024x13xf32>, vector<13x1xf32>, vector<1024x1xf32> -> vector<1024x1xf32>
    %add3A_82 = arith.addf %dot_general3A_76, %dot_general3A_81 : vector<1024x1xf32>
    %get3A_83 = arith.constant 0 : index
    %get3A_84 = arith.constant 0 : index
    %get3A_85 = vector.load %arg15[%get3A_83, %get3A_84] : memref<1x1xf32, #tpu.memory_space<vmem>>, vector<1x1xf32>
    %add3A_86 = vector.broadcast %get3A_85 : vector<1x1xf32> to vector<1024x1xf32>
    %add3A_87 = arith.addf %add3A_82, %add3A_86 : vector<1024x1xf32>
    %swap3A_88 = arith.constant 0 : index
    %swap3A_89 = arith.constant 0 : index
    %swap3A_90 = vector.load %arg20[%swap3A_88, %swap3A_89] : memref<1024x1xf32, #tpu.memory_space<vmem>>, vector<1024x1xf32>
    tpu.vector_store %arg20[%swap3A_88, %swap3A_89], %add3A_87 {strides = array<i32>} : memref<1024x1xf32, #tpu.memory_space<vmem>>, vector<1024x1xf32>,
    %add3A_91 = arith.addf %add3A_64, %add3A_87 : vector<1024x1xf32>
    %swap3A_92 = arith.constant 0 : index
    %swap3A_93 = arith.constant 0 : index
    %swap3A_94 = vector.load %arg21[%swap3A_92, %swap3A_93] : memref<1024x1xf32, #tpu.memory_space<vmem>>, vector<1024x1xf32>
    tpu.vector_store %arg21[%swap3A_92, %swap3A_93], %add3A_91 {strides = array<i32>} : memref<1024x1xf32, #tpu.memory_space<vmem>>, vector<1024x1xf32>,
    return
  }
  func.func @transform_0(%arg0: i32) -> (i32, i32) {
    %c0_i32 = arith.constant 0 : i32
    %c0_i32_0 = arith.constant 0 : i32
    return %arg0, %c0_i32 : i32, i32
  }
  func.func @transform_1(%arg0: i32) -> (i32, i32) {
    %c0_i32 = arith.constant 0 : i32
    %c0_i32_0 = arith.constant 0 : i32
    return %arg0, %c0_i32 : i32, i32
  }
  func.func @transform_2(%arg0: i32) -> (i32, i32) {
    %c0_i32 = arith.constant 0 : i32
    %c0_i32_0 = arith.constant 0 : i32
    return %arg0, %c0_i32 : i32, i32
  }
  func.func @transform_3(%arg0: i32) -> (i32, i32) {
    %c0_i32 = arith.constant 0 : i32
    %c0_i32_0 = arith.constant 0 : i32
    %c0_i32_1 = arith.constant 0 : i32
    return %c0_i32, %c0_i32_0 : i32, i32
  }
  func.func @transform_4(%arg0: i32) -> (i32, i32) {
    %c0_i32 = arith.constant 0 : i32
    %c0_i32_0 = arith.constant 0 : i32
    %c0_i32_1 = arith.constant 0 : i32
    return %c0_i32, %c0_i32_0 : i32, i32
  }
  func.func @transform_5(%arg0: i32) -> (i32, i32) {
    %c0_i32 = arith.constant 0 : i32
    %c0_i32_0 = arith.constant 0 : i32
    %c0_i32_1 = arith.constant 0 : i32
    return %c0_i32, %c0_i32_0 : i32, i32
  }
  func.func @transform_6(%arg0: i32) -> (i32, i32) {
    %c0_i32 = arith.constant 0 : i32
    %c0_i32_0 = arith.constant 0 : i32
    %c0_i32_1 = arith.constant 0 : i32
    return %c0_i32, %c0_i32_0 : i32, i32
  }
  func.func @transform_7(%arg0: i32) -> (i32, i32) {
    %c0_i32 = arith.constant 0 : i32
    %c0_i32_0 = arith.constant 0 : i32
    %c0_i32_1 = arith.constant 0 : i32
    return %c0_i32, %c0_i32_0 : i32, i32
  }
  func.func @transform_8(%arg0: i32) -> (i32, i32) {
    %c0_i32 = arith.constant 0 : i32
    %c0_i32_0 = arith.constant 0 : i32
    %c0_i32_1 = arith.constant 0 : i32
    return %c0_i32, %c0_i32_0 : i32, i32
  }
  func.func @transform_9(%arg0: i32) -> (i32, i32) {
    %c0_i32 = arith.constant 0 : i32
    %c0_i32_0 = arith.constant 0 : i32
    %c0_i32_1 = arith.constant 0 : i32
    return %c0_i32, %c0_i32_0 : i32, i32
  }
  func.func @transform_10(%arg0: i32) -> (i32, i32) {
    %c0_i32 = arith.constant 0 : i32
    %c0_i32_0 = arith.constant 0 : i32
    %c0_i32_1 = arith.constant 0 : i32
    return %c0_i32, %c0_i32_0 : i32, i32
  }
  func.func @transform_11(%arg0: i32) -> (i32, i32) {
    %c0_i32 = arith.constant 0 : i32
    %c0_i32_0 = arith.constant 0 : i32
    %c0_i32_1 = arith.constant 0 : i32
    return %c0_i32, %c0_i32_0 : i32, i32
  }
  func.func @transform_12(%arg0: i32) -> (i32, i32) {
    %c0_i32 = arith.constant 0 : i32
    %c0_i32_0 = arith.constant 0 : i32
    %c0_i32_1 = arith.constant 0 : i32
    return %c0_i32, %c0_i32_0 : i32, i32
  }
  func.func @transform_13(%arg0: i32) -> (i32, i32) {
    %c0_i32 = arith.constant 0 : i32
    %c0_i32_0 = arith.constant 0 : i32
    %c0_i32_1 = arith.constant 0 : i32
    return %c0_i32, %c0_i32_0 : i32, i32
  }
  func.func @transform_14(%arg0: i32) -> (i32, i32) {
    %c0_i32 = arith.constant 0 : i32
    %c0_i32_0 = arith.constant 0 : i32
    %c0_i32_1 = arith.constant 0 : i32
    return %c0_i32, %c0_i32_0 : i32, i32
  }
  func.func @transform_15(%arg0: i32) -> (i32, i32) {
    %c0_i32 = arith.constant 0 : i32
    %c0_i32_0 = arith.constant 0 : i32
    return %arg0, %c0_i32 : i32, i32
  }
  func.func @transform_16(%arg0: i32) -> (i32, i32) {
    %c0_i32 = arith.constant 0 : i32
    %c0_i32_0 = arith.constant 0 : i32
    return %arg0, %c0_i32 : i32, i32
  }
  func.func @transform_17(%arg0: i32) -> (i32, i32) {
    %c0_i32 = arith.constant 0 : i32
    %c0_i32_0 = arith.constant 0 : i32
    return %arg0, %c0_i32 : i32, i32
  }
  func.func @transform_18(%arg0: i32) -> (i32, i32) {
    %c0_i32 = arith.constant 0 : i32
    %c0_i32_0 = arith.constant 0 : i32
    return %arg0, %c0_i32 : i32, i32
  }
  func.func @transform_19(%arg0: i32) -> (i32, i32) {
    %c0_i32 = arith.constant 0 : i32
    %c0_i32_0 = arith.constant 0 : i32
    return %arg0, %c0_i32 : i32, i32
  }
  func.func @transform_20(%arg0: i32) -> (i32, i32) {
    %c0_i32 = arith.constant 0 : i32
    %c0_i32_0 = arith.constant 0 : i32
    return %arg0, %c0_i32 : i32, i32
  }
}

</mosaic_0001>

<sc_bundles>
// kernel: kernel.4.cloned.1.call-start
scs
__scs_entry_jumppad:
0x0: {  	(pc) =	sbr.rel $0x88, $3  }
0x1: {  	(tag) =	ssettag $0x0;
	lr =	simm.s32 $0x1  }
0x2: {  	[smem:$0x3F93] =	sst lr;
	_ =	strace $0xD0000000  }
0x3: {  	_ = 	snop  }
0x4: {  	_ = 	snop  }
0x5: {  	_ = 	snop  }
0x6: {  	_ = 	snop  }
0x7: {  	_ = 	snop  }
__scs_overlays_trampoline_lowered:
0x8: {  	[smem:$0x3FA2] =	sst s0  }
0x9: {  	[smem:$0x3FA3] =	sst s1  }
0xa: {  	[smem:$0x3FA4] =	sst s2  }
0xb: {  	[smem:$0x3FA5] =	sst s3  }
0xc: {  	[smem:$0x3FA6] =	sst s4  }
0xd: {  	[smem:$0x3FA7] =	sst s5  }
0xe: {  	[smem:$0x3FA8] =	sst s6  }
0xf: {  	[smem:$0x3FA9] =	sst s7  }
0x10: {  	[smem:$0x3FAA] =	sst s8  }
0x11: {  	[smem:$0x3FAB] =	sst s9;
	s0 =	simm.s32 @!p0 $0x0  }
0x12: {  	s1 =	sld [smem:$0x3F91];
	s0 =	simm.s32 @p0 $0x1  }
0x13: {  	[smem:$0x3FAC] =	sst s0;
	s0 =	simm.s32 @!p1 $0x0  }
0x14: {  	s2 =	sld [smem:$0x3F90];
	s0 =	simm.s32 @p1 $0x1  }
0x15: {  	[smem:$0x3FAD] =	sst s0;
	s0 =	simm.s32 @!p2 $0x0  }
0x16: {  	s3 =	sld [smem:$0x3FDB];
	s0 =	simm.s32 @p2 $0x1  }
0x17: {  	s4 =	simm.s32 $0x1BF5;
	[smem:$0x3FAF] =	sst s0  }
0x18: {  	s0 =	sld [smem:$0x3F92];
	_ =	swait.ge [sflag:s4], $0x0  }
0x19: {  	s7 =	sld [smem:$0x3F93]  }
0x1a: {  	s8 =	sadd.s32 $0xFFFFE003, lr  }
0x1b: {  	s9 =	sadd.s32 $0xFFFFFEF7, lr;
	s5 =	simm.s32 $0xFFFFFFFF;
	p2 =	slt.u32 s8, $0xFFFFF086  }
0x1c: {  	p1 =	slt.u32 s9, $0xF7A;
	s5 =	simm.s32 @!p2 $0x0  }
0x1d: {  	s5 =	simm.s32 @p1 $0x1;
	p0 =	seq.s32 s7, s2  }
0x1e: {  	s7 =	smul.u32 @!p0 $0xF7A, s2;
	p2 =	seq.s32 @!p0 s5, $0x0  }
0x1f: {  	s9 =	smul.u32 $0xF7A, s1;
	s8 =	simm.s32 @!p0 $0x1BF5;
	p2 =	por !p2, p0  }
0x20: {  	[sflag:s8] =	ssyncset.s32 @!p0 $0xFFFFF086;
	s6 =	sadd.s32 @!p0 s3, s7;
	s7 =	simm.s32 @!p0 $0x108  }
0x21: {  	s3 =	sadd.s32 s3, s9;
	s6 =	sadd.s32 @!p0 $0x88, s6;
	s7 =	simm.s32 @p2 $0x1082  }
0x22: {  	[simem:s7], [sflag:s8] =	dma.local @!p0 [hbm:s6], $0xF7A  }
0x23: {  	s9 =	sor.u32 $0xD0000000, s2;
	s6 =	simm.s32 $0x108;
	_ =	swait.ge @!p0 [sflag:s8], $0x0  }
0x24: {  	s3 =	sadd.s32 $0x88, s3;
	s6 =	simm.s32 @!p1 $0x1082;
	[sflag:s4] =	ssyncset.s32 $0xFFFFF086  }
0x25: {  	[simem:s6], [sflag:s4] =	dma.local [hbm:s3], $0xF7A  }
0x26: {  	[smem:$0x3F93] =	sst s1;
	(tag) =	ssettag s2;
	_ =	strace s9  }
0x27: {  	s1 =	sld [smem:$0x3FA3]  }
0x28: {  	s2 =	sld [smem:$0x3FA4]  }
0x29: {  	s4 =	sld [smem:$0x3FA6]  }
0x2a: {  	p0 =	seq.s32 s5, $0x0;
	s5 =	sld [smem:$0x3FA7]  }
0x2b: {  	s6 =	sld [smem:$0x3FA8]  }
0x2c: {  	s7 =	sld [smem:$0x3FA9]  }
0x2d: {  	s3 =	simm.s32 $0x108;
	s8 =	sld [smem:$0x3FAA]  }
0x2e: {  	s3 =	simm.s32 @!p0 $0x1082;
	s9 =	sld [smem:$0x3FAB]  }
0x2f: {  	lr =	sadd.s32 s0, s3;
	s0 =	sld [smem:$0x3FA2]  }
0x30: {  	s3 =	sld [smem:$0x3FA5]  }
0x31: {  	[smem:$0x3FAE] =	sst s10  }
0x32: {  	s10 =	sld [smem:$0x3FAC];
	_ =	sdelay $0x3  }
0x33: {  	p0 =	seq.s32 s10, $0x1;
	s10 =	sld [smem:$0x3FAE];
	_ =	sdelay $0x3  }
0x34: {  	[smem:$0x3FAE] =	sst s10  }
0x35: {  	s10 =	sld [smem:$0x3FAD];
	_ =	sdelay $0x3  }
0x36: {  	p1 =	seq.s32 s10, $0x1;
	s10 =	sld [smem:$0x3FAE];
	_ =	sdelay $0x3  }
0x37: {  	[smem:$0x3FAE] =	sst s10  }
0x38: {  	s10 =	sld [smem:$0x3FAF]  }
0x39: {  	_ = 	snop;
	(pc) =	sbr.ind lr, $3  }
0x3a: {  	_ = 	snop  }
0x3b: {  	_ = 	snop  }
0x3c: {  	p2 =	seq.s32 s10, $0x1;
	s10 =	sld [smem:$0x3FAE]  }
0x3d: {  	_ =	shalt  }
0x3e: {  	_ =	shalt  }
0x3f: {  	_ =	shalt  }
0x40: {  	_ =	shalt  }
0x41: {  	_ =	shalt  }
0x42: {  	_ =	shalt  }
0x43: {  	_ =	shalt  }
0x44: {  	_ =	shalt  }
0x45: {  	_ =	shalt  }
0x46: {  	_ =	shalt  }
0x47: {  	_ =	shalt  }
0x48: {  	_ =	shalt  }
0x49: {  	_ =	shalt  }
0x4a: {  	_ =	shalt  }
0x4b: {  	_ =	shalt  }
0x4c: {  	_ =	shalt  }
0x4d: {  	_ =	shalt  }
0x4e: {  	_ =	shalt  }
0x4f: {  	_ =	shalt  }
0x50: {  	_ =	shalt  }
0x51: {  	_ =	shalt  }
0x52: {  	_ =	shalt  }
0x53: {  	_ =	shalt  }
0x54: {  	_ =	shalt  }
0x55: {  	_ =	shalt  }
0x56: {  	_ =	shalt  }
0x57: {  	_ =	shalt  }
0x58: {  	_ =	shalt  }
0x59: {  	_ =	shalt  }
0x5a: {  	_ =	shalt  }
0x5b: {  	_ =	shalt  }
0x5c: {  	_ =	shalt  }
0x5d: {  	_ =	shalt  }
0x5e: {  	_ =	shalt  }
0x5f: {  	_ =	shalt  }
0x60: {  	_ =	shalt  }
0x61: {  	_ =	shalt  }
0x62: {  	_ =	shalt  }
0x63: {  	_ =	shalt  }
0x64: {  	_ =	shalt  }
0x65: {  	_ =	shalt  }
0x66: {  	_ =	shalt  }
0x67: {  	_ =	shalt  }
0x68: {  	_ =	shalt  }
0x69: {  	_ =	shalt  }
0x6a: {  	_ =	shalt  }
0x6b: {  	_ =	shalt  }
0x6c: {  	_ =	shalt  }
0x6d: {  	_ =	shalt  }
0x6e: {  	_ =	shalt  }
0x6f: {  	_ =	shalt  }
0x70: {  	_ =	shalt  }
0x71: {  	_ =	shalt  }
0x72: {  	_ =	shalt  }
0x73: {  	_ =	shalt  }
0x74: {  	_ =	shalt  }
0x75: {  	_ =	shalt  }
0x76: {  	_ =	shalt  }
0x77: {  	_ =	shalt  }
0x78: {  	_ =	shalt  }
0x79: {  	_ =	shalt  }
0x7a: {  	_ =	shalt  }
0x7b: {  	_ =	shalt  }
0x7c: {  	_ =	shalt  }
0x7d: {  	_ =	shalt  }
0x7e: {  	_ =	shalt  }
0x7f: {  	_ =	shalt  }
0x80: {  	_ =	shalt  }
0x81: {  	_ =	shalt  }
0x82: {  	_ =	shalt  }
0x83: {  	_ =	shalt  }
0x84: {  	_ =	shalt  }
0x85: {  	_ =	shalt  }
0x86: {  	_ =	shalt  }
0x87: {  	_ =	shalt  }
.Lfunc_end0:
.L_simem_size_0:
called_computation_lowered:
.L_overlay_start_0:
0x88: {  	s2 =	sld [smem:$0x3FD9]  }
0x89: {  	s3 =	sld [smem:$0x3FFE];
	_ =	sdelay $0x1  }
0x8a: {  	s1 =	srdreg.scid  }
0x8b: {  	s0 =	sand.u32 $0x1, s1  }
0x8c: {  	s14 =	sshll.u32 s0, $0xA;
	s2 =	sadd.s32 s3, s2  }
0x8d: {  	s2 =	sadd.s32 s2, s14  }
0x8e: {  	[smem:$0x3FBA] =	sst s2  }
0x8f: {  	_ = 	snop  }
0x90: {  	s2 =	sld [smem:$0x3FD0];
	_ =	sdelay $0x2  }
0x91: {  	s15 =	simm.s32 $0xA;
	s4 =	simm.s32 $0x10  }
0x92: {  	[smem:s4], [sflag:s15] =	dma.local [hbm:s2], $0x1  }
0x93: {  	_ =	swait.eq [sflag:s15], $0x1  }
0x94: {  	s16 =	sld [smem:$0x10]  }
0x95: {  	s17 =	sld [smem:$0x11];
	[sflag:s15] =	ssyncset.done $0x0  }
0x96: {  	s5 =	sld [smem:$0x12];
	[sflag:s15] =	ssyncadd.s32 $0xFFFFFFFF  }
0x97: {  	s18 =	sld [smem:$0x15];
	(tm) =	ssettm $0x1  }
0x98: {  	s6 =	sld [smem:$0x3FFB];
	_ =	sdelay $0x3  }
0x99: {  	_ =	strace s6  }
0x9a: {  	s6 =	sld [smem:$0x3FFC];
	_ =	sdelay $0x3  }
0x9b: {  	_ =	strace s6  }
0x9c: {  	s6 =	sld [smem:$0x3FFD];
	_ =	sdelay $0x3  }
0x9d: {  	_ =	strace s6  }
0x9e: {  	_ =	strace $0x8FFFFFFF  }
0x9f: {  	s19 =	sld [smem:$0x3FDB];
	_ =	sdelay $0x1  }
0xa0: {  	s7 =	simm.s32 $_scs_section_size  }
0xa1: {  	s8 =	simm.s32 $_size__tile_overlayer_lowered;
	s9 =	simm.s32 $_tile_overlayer_lowered  }
0xa2: {  	s22 =	simm.s32 $0x1BFF;
	s21 =	sshll.u32 s9, $0x1;
	s6 =	sadd.s32 s7, s19  }
0xa3: {  	s10 =	simm.s32 $0x0;
	s20 =	sshll.u32 s8, $0x1;
	s8 =	sadd.s32 s21, s6  }
0xa4: {  	[timem:s10], [sflag:s22] =	dma.local [hbm:s8], s20  }
0xa5: {  	_ =	swait.ge [sflag:s22], s20  }
0xa6: {  	s7 =	ssub.s32 $0x0, s20;
	[sflag:s22] =	ssyncset.done $0x0  }
0xa7: {  	[sflag:s22] =	ssyncadd.s32 s7;
	_ =	sdelay $0x1  }
0xa8: {  	s23 =	simm.s32 $0x1B8B  }
0xa9: {  	_ =	swait.ge [sflag:s23], $0x1  }
0xaa: {  	[sflag:s23] =	ssyncset.done $0x0  }
0xab: {  	s25 =	simm.s32 $0x1B8E;
	s24 =	sld [smem:$0x3FFE];
	[sflag:s23] =	ssyncadd.s32 $0xFFFFFFFF  }
0xac: {  	s26 =	simm.s32 $execute0_lowered;
	[smem:$0x3FD2] =	sst s25  }
0xad: {  	s8 =	sshll.u32 s26, $0x1;
	_ =	strace $0x80000046;
	[dreg:$0x1] =	wrdreg $0xFFFFFFFF  }
0xae: {  	s28 =	simm.s32 $_size_execute0_lowered;
	s6 =	sadd.s32 s6, s8;
	[dreg:$0x0] =	wrdreg $0x0  }
0xaf: {  	s8 =	sshll.u32 s28, $0x1;
	[dreg:$0x2] =	wrdreg s6  }
0xb0: {  	[dreg:$0x3] =	wrdreg s8  }
0xb1: {  	[dreg:$0x4] =	wrdreg $0xC0  }
0xb2: {  	_ =	task [dreg:s10], $0x5FFFF  }
0xb3: {  	[dreg:$0x1] =	wrdreg $0xFFFFFFFF  }
0xb4: {  	[dreg:$0x0] =	wrdreg $0x60  }
0xb5: {  	[dreg:$0x2] =	wrdreg s24  }
0xb6: {  	[dreg:$0x3] =	wrdreg s17  }
0xb7: {  	[dreg:$0x4] =	wrdreg s18  }
0xb8: {  	[dreg:$0x5] =	wrdreg s16  }
0xb9: {  	[dreg:$0x6] =	wrdreg s5  }
0xba: {  	[dreg:$0x7] =	wrdreg $0x9  }
0xbb: {  	_ =	task.clear_ibuf [dreg:s10], $0x8FFFF;
	_ =	strace $0x90000046  }
0xbc: {  	s29 =	simm.s32 $0x9;
	_ =	strace $0x80000048  }
0xbd: {  	_ =	swait.ge [sflag:s29], $0x1  }
0xbe: {  	[sflag:s29] =	ssyncadd.s32 $0xFFFFFFFF  }
0xbf: {  	_ =	strace $0x90000048  }
0xc0: {  	_ =	sfence  }
0xc1: {  	s30 =	sld [smem:$0x0];
	_ =	sdelay $0x2  }
0xc2: {  	s31 =	sshll.u32 s1, $0xD;
	s1 =	sshrl.u32 s1, $0x2  }
0xc3: {  	s3 =	sand.u32 $0x4000, s31;
	s1 =	sadd.s32 s1, s30  }
0xc4: {  	s0 =	sor.u32 s3, s0;
	s1 =	sshll.u32 s1, $0x11  }
0xc5: {  	s0 =	sor.u32 s1, s0  }
0xc6: {  	s0 =	sadd.s32 $0x8F2B, s0  }
0xc7: {  	[sflag:s0] =	ssyncadd.remote.s32 $0x1  }
0xc8: {  	_ =	sfence.sel $0xFFFF  }
0xc9: {  	[dreg:$0x0] =	wrdreg $0xFFFFFFFF;
	(pc) =	sbr.abs _section_cstart, $3  }
0xca: {  	[dreg:$0x1] =	wrdreg $0xFFFFFFFF  }
0xcb: {  	_ =	task.clear_ibuf [dreg:s10], $0x2FFFF;
	_ =	strace $0x9FFFFFFF  }
0xcc: {  	(tm) =	ssettm $0x7FFFFFFF  }
0xcd: {  	_ =	shalt  }
tec
execute0_lowered:
.L_overlay_start_1:
0x0: {  	(tag) =	ssettag $0x1  }
0x1: {  	s0 =	rddreg [dreg:$0x0]  }
0x2: {  	s1 =	rddreg [dreg:$0x1]  }
0x3: {  	s2 =	rddreg [dreg:$0x3]  }
0x4: {  	s3 =	srdreg.scid;
	s6 =	stileid.u32;
	s22 =	simm.s32 $0x0  }
0x5: {  	s4 =	sand.u32 $0x1, s3;
	s21 =	sshll.u32 s6, $0x1;
	[smem:$0x7FF] =	sst s22  }
0x6: {  	s5 =	rddreg [dreg:$0x4];
	s3 =	sor.u32 s4, s21;
	_ =	strace $0x80000047  }
0x7: {  	s7 =	ssub.s32 $0x2, s4;
	s4 =	sadd.s32 $0x27AE400, s0;
	s8 =	smul.u32 $0x1A0, s3  }
0x8: {  	s0 =	sadd.s32 $0x2000, s0;
	s9 =	sshrl.u32 s7, $0x1;
	s10 =	smul.u32 $0x3800, s3  }
0x9: {  	[dreg:$0x6] =	wrdreg s0;
	s23 =	ssub.s32 s7, s9;
	s1 =	sadd.s32 s1, s8  }
0xa: {  	s0 =	smax.u32 s23, $0x1;
	[dreg:$0x7] =	wrdreg s1  }
0xb: {  	s24 =	sshll.u32 s3, $0x9;
	s2 =	sadd.s32 s2, s10;
	[dreg:$0x19] =	wrdreg s0  }
0xc: {  	s1 =	sadd.s32 s5, s24;
	[smem:$0x7FC] =	sst s2  }
0xd: {  	s25 =	sadd.s32 $0x4, s2;
	[dreg:$0x8] =	wrdreg s1  }
0xe: {  	s26 =	sadd.s32 $0x8, s2;
	[dreg:$0x9] =	wrdreg s25  }
0xf: {  	s3 =	sadd.s32 $0xC, s2;
	[dreg:$0xa] =	wrdreg s26  }
0x10: {  	s5 =	sadd.s32 $0x10, s2;
	[dreg:$0xb] =	wrdreg s3  }
0x11: {  	s6 =	sadd.s32 $0x14, s2;
	[dreg:$0xc] =	wrdreg s5  }
0x12: {  	s7 =	sadd.s32 $0x18, s2;
	[dreg:$0xd] =	wrdreg s6  }
0x13: {  	s8 =	sadd.s32 $0x1C, s2;
	[dreg:$0xe] =	wrdreg s7  }
0x14: {  	s9 =	sadd.s32 $0x20, s2;
	[dreg:$0xf] =	wrdreg s8  }
0x15: {  	s10 =	sadd.s32 $0x24, s2;
	[dreg:$0x10] =	wrdreg s9  }
0x16: {  	s11 =	sadd.s32 $0x28, s2;
	[dreg:$0x11] =	wrdreg s10  }
0x17: {  	s12 =	sadd.s32 $0x2C, s2;
	[dreg:$0x12] =	wrdreg s11  }
0x18: {  	s13 =	sadd.s32 $0x30, s2;
	[dreg:$0x13] =	wrdreg s12  }
0x19: {  	s14 =	sadd.s32 $0x34, s2;
	[dreg:$0x14] =	wrdreg s13  }
0x1a: {  	s15 =	sadd.s32 $0x38, s2;
	[dreg:$0x15] =	wrdreg s14  }
0x1b: {  	s16 =	sadd.s32 $0x3C, s2;
	[dreg:$0x16] =	wrdreg s15  }
0x1c: {  	s17 =	sadd.s32 $0x40, s2;
	[dreg:$0x17] =	wrdreg s16  }
0x1d: {  	s18 =	sadd.s32 $0x44, s2;
	[dreg:$0x18] =	wrdreg s17  }
0x1e: {  	s19 =	sadd.s32 $0x48, s2;
	[dreg:$0x1a] =	wrdreg s18  }
0x1f: {  	s20 =	sadd.s32 $0x4C, s2;
	[dreg:$0x1b] =	wrdreg s19  }
0x20: {  	s21 =	sadd.s32 $0x50, s2;
	[dreg:$0x1c] =	wrdreg s20  }
0x21: {  	s22 =	sadd.s32 $0x54, s2;
	[dreg:$0x1d] =	wrdreg s21  }
0x22: {  	s28 =	simm.s32 $0x4D00;
	s23 =	sadd.s32 $0x58, s2;
	[dreg:$0x1e] =	wrdreg s22  }
0x23: {  	s29 =	simm.s32 $0x5D00;
	s24 =	sadd.s32 $0x5C, s2;
	[dreg:$0x1f] =	wrdreg s23  }
0x24: {  	s30 =	simm.s32 $0x6D00;
	s31 =	simm.s32 $0x7D00;
	[smem:$0x7FA] =	sst s24  }
0x25: {  	s25 =	sadd.s32 $0x60, s2;
	s26 =	sadd.s32 $0x64, s2;
	s19 =	simm.s32 $0x4  }
0x26: {  	s8 =	simm.s32 $0x80;
	s16 =	simm.s32 $0x380;
	s10 =	simm.s32 $0xFD00  }
0x27: {  	s1 =	simm.s32 $0x10D00;
	s5 =	simm.s32 $0x11D00;
	s9 =	simm.s32 $0x12D00  }
0x28: {  	s11 =	simm.s32 $0x13D00;
	s3 =	simm.s32 $0x14D00;
	s20 =	simm.s32 $0x15D00  }
0x29: {  	s21 =	simm.s32 $0x16D00;
	s22 =	simm.s32 $0x17D00;
	s23 =	simm.s32 $0x18D00  }
0x2a: {  	s6 =	simm.s32 $0x19D00;
	s12 =	simm.s32 $0x1BA00;
	s13 =	simm.s32 $0x1  }
0x2b: {  	s14 =	simm.s32 $0x20;
	s15 =	simm.s32 $0x2;
	s17 =	simm.s32 $0x0  }
0x2c: {  	s7 =	simm.s32 $0x1D00;
	s24 =	simm.s32 $0x0;
	[smem:$0x7FB] =	sst s25  }
0x2d: {  	[smem:$0x7FD] =	sst s26;
	s25 =	simm.s32 $0x2D00;
	s26 =	simm.s32 $0x3D00  }
.LBB2_1:
0x2e: {  	s18 =	rddreg [dreg:$0x7]  }
0x2f: {  	[tilespmem:s24], [sflag:$0x4] =	stream.linear.gather [hbm4b:s18+s24], $0xD00, $0x38;
	[tilespmem:$0x1D700] =	vst v63  }
0x30: {  	_ =	swait.ge [sflag:s19], $0xD00  }
0x31: {  	[sflag:s19] =	ssyncset.done $0x0  }
0x32: {  	s0 =	simm.s32 $0xD00;
	[sflag:s19] =	ssyncadd.s32 $0xFFFFF300  }
0x33: {  	[tilespmem:s0], [sflag:$0x1] =	stream.indirect.gather [hbm4b:s4+s8], $0x20, s24, s8, $0xb8;
	[tilespmem:$0x1D700] =	vst v63  }
0x34: {  	_ = 	snop  }
0x35: {  	[tilespmem:s7], [sflag:$0x1] =	stream.indirect.gather [hbm4b:s4+s8], $0x20, s8, s8, $0xb8;
	[tilespmem:$0x1D700] =	vst v63  }
0x36: {  	s0 =	simm.s32 $0x100  }
0x37: {  	[tilespmem:s25], [sflag:$0x1] =	stream.indirect.gather [hbm4b:s4+s8], $0x20, s0, s8, $0xb8;
	[tilespmem:$0x1D700] =	vst v63  }
0x38: {  	s0 =	simm.s32 $0x180  }
0x39: {  	[tilespmem:s26], [sflag:$0x1] =	stream.indirect.gather [hbm4b:s4+s8], $0x20, s0, s8, $0xb8;
	[tilespmem:$0x1D700] =	vst v63  }
0x3a: {  	s0 =	simm.s32 $0x200  }
0x3b: {  	[tilespmem:s28], [sflag:$0x1] =	stream.indirect.gather [hbm4b:s4+s8], $0x20, s0, s8, $0xb8;
	[tilespmem:$0x1D700] =	vst v63  }
0x3c: {  	s0 =	simm.s32 $0x280  }
0x3d: {  	[tilespmem:s29], [sflag:$0x1] =	stream.indirect.gather [hbm4b:s4+s8], $0x20, s0, s8, $0xb8;
	[tilespmem:$0x1D700] =	vst v63  }
0x3e: {  	s0 =	simm.s32 $0x300  }
0x3f: {  	[tilespmem:s30], [sflag:$0x1] =	stream.indirect.gather [hbm4b:s4+s8], $0x20, s0, s8, $0xb8;
	[tilespmem:$0x1D700] =	vst v63  }
0x40: {  	_ = 	snop  }
0x41: {  	[tilespmem:s31], [sflag:$0x1] =	stream.indirect.gather [hbm4b:s4+s8], $0x20, s16, s8, $0xb8;
	[tilespmem:$0x1D700] =	vst v63  }
0x42: {  	s2 =	simm.s32 $0x8D00;
	s0 =	simm.s32 $0x400  }
0x43: {  	[tilespmem:s2], [sflag:$0x1] =	stream.indirect.gather [hbm4b:s4+s8], $0x20, s0, s8, $0xb8;
	[tilespmem:$0x1D700] =	vst v63  }
0x44: {  	s0 =	simm.s32 $0x480;
	s2 =	simm.s32 $0x9D00  }
0x45: {  	[tilespmem:s2], [sflag:$0x1] =	stream.indirect.gather [hbm4b:s4+s8], $0x20, s0, s8, $0xb8;
	[tilespmem:$0x1D700] =	vst v63  }
0x46: {  	s0 =	simm.s32 $0x500;
	s2 =	simm.s32 $0xAD00  }
0x47: {  	[tilespmem:s2], [sflag:$0x1] =	stream.indirect.gather [hbm4b:s4+s8], $0x20, s0, s8, $0xb8;
	[tilespmem:$0x1D700] =	vst v63  }
0x48: {  	s0 =	simm.s32 $0x580;
	s2 =	simm.s32 $0xBD00  }
0x49: {  	[tilespmem:s2], [sflag:$0x1] =	stream.indirect.gather [hbm4b:s4+s8], $0x20, s0, s8, $0xb8;
	[tilespmem:$0x1D700] =	vst v63  }
0x4a: {  	s0 =	simm.s32 $0x600;
	s2 =	simm.s32 $0xCD00  }
0x4b: {  	[tilespmem:s2], [sflag:$0x1] =	stream.indirect.gather [hbm4b:s4+s8], $0x20, s0, s8, $0xb8;
	[tilespmem:$0x1D700] =	vst v63  }
0x4c: {  	s0 =	simm.s32 $0x680;
	s2 =	simm.s32 $0xDD00  }
0x4d: {  	[tilespmem:s2], [sflag:$0x1] =	stream.indirect.gather [hbm4b:s4+s8], $0x20, s0, s8, $0xb8;
	[tilespmem:$0x1D700] =	vst v63  }
0x4e: {  	s18 =	simm.s32 $0xED00;
	s0 =	simm.s32 $0x700  }
0x4f: {  	[tilespmem:s18], [sflag:$0x1] =	stream.indirect.gather [hbm4b:s4+s8], $0x20, s0, s8, $0xb8;
	[tilespmem:$0x1D700] =	vst v63  }
0x50: {  	s2 =	simm.s32 $0x780  }
0x51: {  	[tilespmem:s10], [sflag:$0x1] =	stream.indirect.gather [hbm4b:s4+s8], $0x20, s2, s8, $0xb8;
	[tilespmem:$0x1D700] =	vst v63  }
0x52: {  	s18 =	simm.s32 $0x800  }
0x53: {  	[tilespmem:s1], [sflag:$0x1] =	stream.indirect.gather [hbm4b:s4+s8], $0x20, s18, s8, $0xb8;
	[tilespmem:$0x1D700] =	vst v63  }
0x54: {  	s2 =	simm.s32 $0x880  }
0x55: {  	[tilespmem:s5], [sflag:$0x1] =	stream.indirect.gather [hbm4b:s4+s8], $0x20, s2, s8, $0xb8;
	[tilespmem:$0x1D700] =	vst v63  }
0x56: {  	s5 =	simm.s32 $0x900  }
0x57: {  	[tilespmem:s9], [sflag:$0x1] =	stream.indirect.gather [hbm4b:s4+s8], $0x20, s5, s8, $0xb8;
	[tilespmem:$0x1D700] =	vst v63  }
0x58: {  	s10 =	simm.s32 $0x980  }
0x59: {  	[tilespmem:s11], [sflag:$0x1] =	stream.indirect.gather [hbm4b:s4+s8], $0x20, s10, s8, $0xb8;
	[tilespmem:$0x1D700] =	vst v63  }
0x5a: {  	s18 =	simm.s32 $0xA00  }
0x5b: {  	[tilespmem:s3], [sflag:$0x1] =	stream.indirect.gather [hbm4b:s4+s8], $0x20, s18, s8, $0xb8;
	[tilespmem:$0x1D700] =	vst v63  }
0x5c: {  	s1 =	simm.s32 $0xA80  }
0x5d: {  	[tilespmem:s20], [sflag:$0x1] =	stream.indirect.gather [hbm4b:s4+s8], $0x20, s1, s8, $0xb8;
	[tilespmem:$0x1D700] =	vst v63  }
0x5e: {  	s2 =	simm.s32 $0xB00  }
0x5f: {  	[tilespmem:s21], [sflag:$0x1] =	stream.indirect.gather [hbm4b:s4+s8], $0x20, s2, s8, $0xb8;
	[tilespmem:$0x1D700] =	vst v63  }
0x60: {  	s3 =	simm.s32 $0xB80  }
0x61: {  	[tilespmem:s22], [sflag:$0x1] =	stream.indirect.gather [hbm4b:s4+s8], $0x20, s3, s8, $0xb8;
	[tilespmem:$0x1D700] =	vst v63  }
0x62: {  	s5 =	simm.s32 $0xC00  }
0x63: {  	[tilespmem:s23], [sflag:$0x1] =	stream.indirect.gather [hbm4b:s4+s8], $0x20, s5, s8, $0xb8;
	[tilespmem:$0x1D700] =	vst v63  }
0x64: {  	s9 =	simm.s32 $0xC80  }
0x65: {  	[tilespmem:s6], [sflag:$0x1] =	stream.indirect.gather [hbm4b:s4+s8], $0x20, s9, s8, $0xb8;
	[tilespmem:$0x1D700] =	vst v63  }
0x66: {  	s10 =	rddreg [dreg:$0x6];
	s11 =	simm.s32 $0x1AD00;
	s20 =	simm.s32 $0xD00  }
0x67: {  	[tilespmem:s11], [sflag:$0x3] =	stream.indirect.gather [hbm4b:s10+s20], $0x1, s24, s20, $0xb8;
	[tilespmem:$0x1D700] =	vst v63  }
0x68: {  	s21 =	rddreg [dreg:$0x2];
	s22 =	simm.s32 $0x1CA00  }
0x69: {  	[tilespmem:s22], [sflag:$0x4] =	stream.linear.gather [hbm4b:s21+s24], $0xD00, $0x38;
	[tilespmem:$0x1D700] =	vst v63  }
0x6a: {  	_ =	swait.ge [sflag:s19], $0xD00  }
0x6b: {  	[sflag:s19] =	ssyncset.done $0x0  }
0x6c: {  	s23 =	simm.s32 $0x3;
	[sflag:s19] =	ssyncadd.s32 $0xFFFFF300  }
0x6d: {  	s0 =	simm.s32 $0xD00;
	_ =	swait.ge [sflag:s23], $0xD00  }
0x6e: {  	s18 =	simm.s32 $0x40;
	s1 =	simm.s32 $0x0;
	[sflag:s23] =	ssyncset.done $0x0  }
0x6f: {  	s2 =	simm.s32 $0x4;
	s19 =	simm.s32 $0x0;
	[sflag:s23] =	ssyncadd.s32 $0xFFFFF300  }
.LBB2_2:
0x70: {  	p0 =	sne.s32 s18, $0x33C0;
	v0 =	vld [tilespmem:s19+$0x1CA00];
	_ =	sdelay $0x2  }
0x71: {  	v1 =	vld [tilespmem:s19+$0x1AD00]  }
.Ltmp0:
0x72: {  	(pc) =	sbr.rel @p0 .LBB2_2-.Ltmp0, $2  }
0x73: {  	_ =	sdelay $0x2  }
0x74: {  	s19 =	sshra.s32 s18, $0x2;
	s18 =	sadd.s32 $0x40, s18;
	[tilespmem:v0+s12+$0x0] =	vst.idx.msk $0xffff, v1  }
0x75: {  	v0 =	vld [tilespmem:s19+$0x1CA00];
	_ =	sdelay $0x2  }
0x76: {  	v1 =	vld [tilespmem:s19+$0x1AD00];
	_ =	sdelay $0x4  }
0x77: {  	s18 =	rddreg [dreg:$0x8];
	[tilespmem:v0+s12+$0x0] =	vst.idx.msk $0xffff, v1  }
0x78: {  	[hbm4b:s18+s1] =	stream.linear.scatter [tilespmem:s12], [sflag:$0x4], $0x1000, $0x38;
	[tilespmem:$0x1D700] =	vst v63  }
0x79: {  	_ =	swait.ge [sflag:s2], $0x1000  }
0x7a: {  	[sflag:s2] =	ssyncset.done $0x0  }
0x7b: {  	[sflag:s2] =	ssyncadd.s32 $0xFFFFF000  }
0x7c: {  	_ =	swait.ge [sflag:s13], $0x1000  }
0x7d: {  	s3 =	sld [smem:$0x7FC]  }
0x7e: {  	[sflag:s13] =	ssyncset.done $0x0  }
0x7f: {  	[sflag:s13] =	ssyncadd.s32 $0xFFFFF000  }
0x80: {  	[hbm4b:s3+s14] =	stream.strided.scatter [tilespmem:s0], [sflag:$0x2], $0x1000, s16, s14, $0x38;
	[tilespmem:$0x1D700] =	vst v63  }
0x81: {  	_ =	swait.ge [sflag:s13], $0x1000  }
0x82: {  	[sflag:s13] =	ssyncset.done $0x0  }
0x83: {  	s6 =	simm.s32 $0x1D00;
	s5 =	rddreg [dreg:$0x9];
	[sflag:s13] =	ssyncadd.s32 $0xFFFFF000  }
0x84: {  	[hbm4b:s5+s14] =	stream.strided.scatter [tilespmem:s6], [sflag:$0x2], $0x1000, s16, s14, $0x38;
	[tilespmem:$0x1D700] =	vst v63  }
0x85: {  	_ =	swait.ge [sflag:s13], $0x1000  }
0x86: {  	[sflag:s13] =	ssyncset.done $0x0  }
0x87: {  	s10 =	simm.s32 $0x2D00;
	s9 =	rddreg [dreg:$0xa];
	[sflag:s13] =	ssyncadd.s32 $0xFFFFF000  }
0x88: {  	[hbm4b:s9+s14] =	stream.strided.scatter [tilespmem:s10], [sflag:$0x2], $0x1000, s16, s14, $0x38;
	[tilespmem:$0x1D700] =	vst v63  }
0x89: {  	_ =	swait.ge [sflag:s13], $0x1000  }
0x8a: {  	[sflag:s13] =	ssyncset.done $0x0  }
0x8b: {  	s19 =	simm.s32 $0x3D00;
	s11 =	rddreg [dreg:$0xb];
	[sflag:s13] =	ssyncadd.s32 $0xFFFFF000  }
0x8c: {  	[hbm4b:s11+s14] =	stream.strided.scatter [tilespmem:s19], [sflag:$0x2], $0x1000, s16, s14, $0x38;
	[tilespmem:$0x1D700] =	vst v63  }
0x8d: {  	_ =	swait.ge [sflag:s13], $0x1000  }
0x8e: {  	[sflag:s13] =	ssyncset.done $0x0  }
0x8f: {  	s21 =	simm.s32 $0x4D00;
	s20 =	rddreg [dreg:$0xc];
	[sflag:s13] =	ssyncadd.s32 $0xFFFFF000  }
0x90: {  	[hbm4b:s20+s14] =	stream.strided.scatter [tilespmem:s21], [sflag:$0x2], $0x1000, s16, s14, $0x38;
	[tilespmem:$0x1D700] =	vst v63  }
0x91: {  	_ =	swait.ge [sflag:s13], $0x1000  }
0x92: {  	[sflag:s13] =	ssyncset.done $0x0  }
0x93: {  	s23 =	simm.s32 $0x5D00;
	s22 =	rddreg [dreg:$0xd];
	[sflag:s13] =	ssyncadd.s32 $0xFFFFF000  }
0x94: {  	[hbm4b:s22+s14] =	stream.strided.scatter [tilespmem:s23], [sflag:$0x2], $0x1000, s16, s14, $0x38;
	[tilespmem:$0x1D700] =	vst v63  }
0x95: {  	_ =	swait.ge [sflag:s13], $0x1000  }
0x96: {  	[sflag:s13] =	ssyncset.done $0x0  }
0x97: {  	s1 =	simm.s32 $0x6D00;
	s0 =	rddreg [dreg:$0xe];
	[sflag:s13] =	ssyncadd.s32 $0xFFFFF000  }
0x98: {  	[hbm4b:s0+s14] =	stream.strided.scatter [tilespmem:s1], [sflag:$0x2], $0x1000, s16, s14, $0x38;
	[tilespmem:$0x1D700] =	vst v63  }
0x99: {  	_ =	swait.ge [sflag:s13], $0x1000  }
0x9a: {  	[sflag:s13] =	ssyncset.done $0x0  }
0x9b: {  	s3 =	simm.s32 $0x7D00;
	s2 =	rddreg [dreg:$0xf];
	[sflag:s13] =	ssyncadd.s32 $0xFFFFF000  }
0x9c: {  	[hbm4b:s2+s14] =	stream.strided.scatter [tilespmem:s3], [sflag:$0x2], $0x1000, s16, s14, $0x38;
	[tilespmem:$0x1D700] =	vst v63  }
0x9d: {  	_ =	swait.ge [sflag:s13], $0x1000  }
0x9e: {  	[sflag:s13] =	ssyncset.done $0x0  }
0x9f: {  	s6 =	simm.s32 $0x8D00;
	s5 =	rddreg [dreg:$0x10];
	[sflag:s13] =	ssyncadd.s32 $0xFFFFF000  }
0xa0: {  	[hbm4b:s5+s14] =	stream.strided.scatter [tilespmem:s6], [sflag:$0x2], $0x1000, s16, s14, $0x38;
	[tilespmem:$0x1D700] =	vst v63  }
0xa1: {  	_ =	swait.ge [sflag:s13], $0x1000  }
0xa2: {  	[sflag:s13] =	ssyncset.done $0x0  }
0xa3: {  	s10 =	simm.s32 $0x9D00;
	s9 =	rddreg [dreg:$0x11];
	[sflag:s13] =	ssyncadd.s32 $0xFFFFF000  }
0xa4: {  	[hbm4b:s9+s14] =	stream.strided.scatter [tilespmem:s10], [sflag:$0x2], $0x1000, s16, s14, $0x38;
	[tilespmem:$0x1D700] =	vst v63  }
0xa5: {  	_ =	swait.ge [sflag:s13], $0x1000  }
0xa6: {  	[sflag:s13] =	ssyncset.done $0x0  }
0xa7: {  	s19 =	simm.s32 $0xAD00;
	s11 =	rddreg [dreg:$0x12];
	[sflag:s13] =	ssyncadd.s32 $0xFFFFF000  }
0xa8: {  	[hbm4b:s11+s14] =	stream.strided.scatter [tilespmem:s19], [sflag:$0x2], $0x1000, s16, s14, $0x38;
	[tilespmem:$0x1D700] =	vst v63  }
0xa9: {  	_ =	swait.ge [sflag:s13], $0x1000  }
0xaa: {  	[sflag:s13] =	ssyncset.done $0x0  }
0xab: {  	s21 =	simm.s32 $0xBD00;
	s20 =	rddreg [dreg:$0x13];
	[sflag:s13] =	ssyncadd.s32 $0xFFFFF000  }
0xac: {  	[hbm4b:s20+s14] =	stream.strided.scatter [tilespmem:s21], [sflag:$0x2], $0x1000, s16, s14, $0x38;
	[tilespmem:$0x1D700] =	vst v63  }
0xad: {  	_ =	swait.ge [sflag:s13], $0x1000  }
0xae: {  	[sflag:s13] =	ssyncset.done $0x0  }
0xaf: {  	s23 =	simm.s32 $0xCD00;
	s22 =	rddreg [dreg:$0x14];
	[sflag:s13] =	ssyncadd.s32 $0xFFFFF000  }
0xb0: {  	[hbm4b:s22+s14] =	stream.strided.scatter [tilespmem:s23], [sflag:$0x2], $0x1000, s16, s14, $0x38;
	[tilespmem:$0x1D700] =	vst v63  }
0xb1: {  	_ =	swait.ge [sflag:s13], $0x1000  }
0xb2: {  	[sflag:s13] =	ssyncset.done $0x0  }
0xb3: {  	s2 =	simm.s32 $0xDD00;
	s1 =	rddreg [dreg:$0x15];
	[sflag:s13] =	ssyncadd.s32 $0xFFFFF000  }
0xb4: {  	[hbm4b:s1+s14] =	stream.strided.scatter [tilespmem:s2], [sflag:$0x2], $0x1000, s16, s14, $0x38;
	[tilespmem:$0x1D700] =	vst v63  }
0xb5: {  	_ =	swait.ge [sflag:s13], $0x1000  }
0xb6: {  	[sflag:s13] =	ssyncset.done $0x0  }
0xb7: {  	s5 =	simm.s32 $0xED00;
	s3 =	rddreg [dreg:$0x16];
	[sflag:s13] =	ssyncadd.s32 $0xFFFFF000  }
0xb8: {  	[hbm4b:s3+s14] =	stream.strided.scatter [tilespmem:s5], [sflag:$0x2], $0x1000, s16, s14, $0x38;
	[tilespmem:$0x1D700] =	vst v63  }
0xb9: {  	_ =	swait.ge [sflag:s13], $0x1000  }
0xba: {  	[sflag:s13] =	ssyncset.done $0x0  }
0xbb: {  	s10 =	simm.s32 $0xFD00;
	s6 =	rddreg [dreg:$0x17];
	[sflag:s13] =	ssyncadd.s32 $0xFFFFF000  }
0xbc: {  	[hbm4b:s6+s14] =	stream.strided.scatter [tilespmem:s10], [sflag:$0x2], $0x1000, s16, s14, $0x38;
	[tilespmem:$0x1D700] =	vst v63  }
0xbd: {  	_ =	swait.ge [sflag:s13], $0x1000  }
0xbe: {  	[sflag:s13] =	ssyncset.done $0x0  }
0xbf: {  	s1 =	simm.s32 $0x10D00;
	s9 =	rddreg [dreg:$0x18];
	[sflag:s13] =	ssyncadd.s32 $0xFFFFF000  }
0xc0: {  	[hbm4b:s9+s14] =	stream.strided.scatter [tilespmem:s1], [sflag:$0x2], $0x1000, s16, s14, $0x38;
	[tilespmem:$0x1D700] =	vst v63  }
0xc1: {  	_ =	swait.ge [sflag:s13], $0x1000  }
0xc2: {  	[sflag:s13] =	ssyncset.done $0x0  }
0xc3: {  	s5 =	simm.s32 $0x11D00;
	s11 =	rddreg [dreg:$0x1a];
	[sflag:s13] =	ssyncadd.s32 $0xFFFFF000  }
0xc4: {  	[hbm4b:s11+s14] =	stream.strided.scatter [tilespmem:s5], [sflag:$0x2], $0x1000, s16, s14, $0x38;
	[tilespmem:$0x1D700] =	vst v63  }
0xc5: {  	_ =	swait.ge [sflag:s13], $0x1000  }
0xc6: {  	[sflag:s13] =	ssyncset.done $0x0  }
0xc7: {  	s9 =	simm.s32 $0x12D00;
	s20 =	rddreg [dreg:$0x1b];
	[sflag:s13] =	ssyncadd.s32 $0xFFFFF000  }
0xc8: {  	[hbm4b:s20+s14] =	stream.strided.scatter [tilespmem:s9], [sflag:$0x2], $0x1000, s16, s14, $0x38;
	[tilespmem:$0x1D700] =	vst v63  }
0xc9: {  	_ =	swait.ge [sflag:s13], $0x1000  }
0xca: {  	[sflag:s13] =	ssyncset.done $0x0  }
0xcb: {  	s11 =	simm.s32 $0x13D00;
	s21 =	rddreg [dreg:$0x1c];
	[sflag:s13] =	ssyncadd.s32 $0xFFFFF000  }
0xcc: {  	[hbm4b:s21+s14] =	stream.strided.scatter [tilespmem:s11], [sflag:$0x2], $0x1000, s16, s14, $0x38;
	[tilespmem:$0x1D700] =	vst v63  }
0xcd: {  	_ =	swait.ge [sflag:s13], $0x1000  }
0xce: {  	[sflag:s13] =	ssyncset.done $0x0  }
0xcf: {  	s3 =	simm.s32 $0x14D00;
	s22 =	rddreg [dreg:$0x1d];
	[sflag:s13] =	ssyncadd.s32 $0xFFFFF000  }
0xd0: {  	[hbm4b:s22+s14] =	stream.strided.scatter [tilespmem:s3], [sflag:$0x2], $0x1000, s16, s14, $0x38;
	[tilespmem:$0x1D700] =	vst v63  }
0xd1: {  	_ =	swait.ge [sflag:s13], $0x1000  }
0xd2: {  	[sflag:s13] =	ssyncset.done $0x0  }
0xd3: {  	s20 =	simm.s32 $0x15D00;
	s23 =	rddreg [dreg:$0x1e];
	[sflag:s13] =	ssyncadd.s32 $0xFFFFF000  }
0xd4: {  	[hbm4b:s23+s14] =	stream.strided.scatter [tilespmem:s20], [sflag:$0x2], $0x1000, s16, s14, $0x38;
	[tilespmem:$0x1D700] =	vst v63  }
0xd5: {  	_ =	swait.ge [sflag:s13], $0x1000  }
0xd6: {  	[sflag:s13] =	ssyncset.done $0x0  }
0xd7: {  	s21 =	simm.s32 $0x16D00;
	s0 =	rddreg [dreg:$0x1f];
	[sflag:s13] =	ssyncadd.s32 $0xFFFFF000  }
0xd8: {  	[hbm4b:s0+s14] =	stream.strided.scatter [tilespmem:s21], [sflag:$0x2], $0x1000, s16, s14, $0x38;
	[tilespmem:$0x1D700] =	vst v63  }
0xd9: {  	_ =	swait.ge [sflag:s13], $0x1000  }
0xda: {  	s2 =	sld [smem:$0x7FA]  }
0xdb: {  	[sflag:s13] =	ssyncset.done $0x0  }
0xdc: {  	s22 =	simm.s32 $0x17D00;
	[sflag:s13] =	ssyncadd.s32 $0xFFFFF000  }
0xdd: {  	[hbm4b:s2+s14] =	stream.strided.scatter [tilespmem:s22], [sflag:$0x2], $0x1000, s16, s14, $0x38;
	[tilespmem:$0x1D700] =	vst v63  }
0xde: {  	_ =	swait.ge [sflag:s13], $0x1000  }
0xdf: {  	s6 =	sld [smem:$0x7FB]  }
0xe0: {  	[sflag:s13] =	ssyncset.done $0x0  }
0xe1: {  	s23 =	simm.s32 $0x18D00;
	[sflag:s13] =	ssyncadd.s32 $0xFFFFF000  }
0xe2: {  	[hbm4b:s6+s14] =	stream.strided.scatter [tilespmem:s23], [sflag:$0x2], $0x1000, s16, s14, $0x38;
	[tilespmem:$0x1D700] =	vst v63  }
0xe3: {  	_ =	swait.ge [sflag:s13], $0x1000  }
0xe4: {  	s0 =	sld [smem:$0x7FD]  }
0xe5: {  	[sflag:s13] =	ssyncset.done $0x0  }
0xe6: {  	s6 =	simm.s32 $0x19D00;
	[sflag:s13] =	ssyncadd.s32 $0xFFFFF000  }
0xe7: {  	[hbm4b:s0+s14] =	stream.strided.scatter [tilespmem:s6], [sflag:$0x2], $0x1000, s16, s14, $0x38;
	[tilespmem:$0x1D700] =	vst v63  }
0xe8: {  	_ =	swait.ge [sflag:s15], $0x1000  }
0xe9: {  	[sflag:s15] =	ssyncset.done $0x0  }
0xea: {  	[sflag:s15] =	ssyncadd.s32 $0xFFFFF000  }
0xeb: {  	_ =	swait.ge [sflag:s15], $0x1000  }
0xec: {  	[sflag:s15] =	ssyncset.done $0x0  }
0xed: {  	[sflag:s15] =	ssyncadd.s32 $0xFFFFF000  }
0xee: {  	_ =	swait.ge [sflag:s15], $0x1000  }
0xef: {  	[sflag:s15] =	ssyncset.done $0x0  }
0xf0: {  	[sflag:s15] =	ssyncadd.s32 $0xFFFFF000  }
0xf1: {  	_ =	swait.ge [sflag:s15], $0x1000  }
0xf2: {  	[sflag:s15] =	ssyncset.done $0x0  }
0xf3: {  	[sflag:s15] =	ssyncadd.s32 $0xFFFFF000  }
0xf4: {  	_ =	swait.ge [sflag:s15], $0x1000  }
0xf5: {  	[sflag:s15] =	ssyncset.done $0x0  }
0xf6: {  	[sflag:s15] =	ssyncadd.s32 $0xFFFFF000  }
0xf7: {  	_ =	swait.ge [sflag:s15], $0x1000  }
0xf8: {  	[sflag:s15] =	ssyncset.done $0x0  }
0xf9: {  	[sflag:s15] =	ssyncadd.s32 $0xFFFFF000  }
0xfa: {  	_ =	swait.ge [sflag:s15], $0x1000  }
0xfb: {  	[sflag:s15] =	ssyncset.done $0x0  }
0xfc: {  	[sflag:s15] =	ssyncadd.s32 $0xFFFFF000  }
0xfd: {  	_ =	swait.ge [sflag:s15], $0x1000  }
0xfe: {  	[sflag:s15] =	ssyncset.done $0x0  }
0xff: {  	[sflag:s15] =	ssyncadd.s32 $0xFFFFF000  }
0x100: {  	_ =	swait.ge [sflag:s15], $0x1000  }
0x101: {  	[sflag:s15] =	ssyncset.done $0x0  }
0x102: {  	[sflag:s15] =	ssyncadd.s32 $0xFFFFF000  }
0x103: {  	_ =	swait.ge [sflag:s15], $0x1000  }
0x104: {  	[sflag:s15] =	ssyncset.done $0x0  }
0x105: {  	[sflag:s15] =	ssyncadd.s32 $0xFFFFF000  }
0x106: {  	_ =	swait.ge [sflag:s15], $0x1000  }
0x107: {  	[sflag:s15] =	ssyncset.done $0x0  }
0x108: {  	[sflag:s15] =	ssyncadd.s32 $0xFFFFF000  }
0x109: {  	_ =	swait.ge [sflag:s15], $0x1000  }
0x10a: {  	[sflag:s15] =	ssyncset.done $0x0  }
0x10b: {  	[sflag:s15] =	ssyncadd.s32 $0xFFFFF000  }
0x10c: {  	_ =	swait.ge [sflag:s15], $0x1000  }
0x10d: {  	[sflag:s15] =	ssyncset.done $0x0  }
0x10e: {  	[sflag:s15] =	ssyncadd.s32 $0xFFFFF000  }
0x10f: {  	_ =	swait.ge [sflag:s15], $0x1000  }
0x110: {  	[sflag:s15] =	ssyncset.done $0x0  }
0x111: {  	[sflag:s15] =	ssyncadd.s32 $0xFFFFF000  }
0x112: {  	_ =	swait.ge [sflag:s15], $0x1000  }
0x113: {  	[sflag:s15] =	ssyncset.done $0x0  }
0x114: {  	[sflag:s15] =	ssyncadd.s32 $0xFFFFF000  }
0x115: {  	_ =	swait.ge [sflag:s15], $0x1000  }
0x116: {  	[sflag:s15] =	ssyncset.done $0x0  }
0x117: {  	[sflag:s15] =	ssyncadd.s32 $0xFFFFF000  }
0x118: {  	_ =	swait.ge [sflag:s15], $0x1000  }
0x119: {  	[sflag:s15] =	ssyncset.done $0x0  }
0x11a: {  	[sflag:s15] =	ssyncadd.s32 $0xFFFFF000  }
0x11b: {  	_ =	swait.ge [sflag:s15], $0x1000  }
0x11c: {  	[sflag:s15] =	ssyncset.done $0x0  }
0x11d: {  	[sflag:s15] =	ssyncadd.s32 $0xFFFFF000  }
0x11e: {  	_ =	swait.ge [sflag:s15], $0x1000  }
0x11f: {  	[sflag:s15] =	ssyncset.done $0x0  }
0x120: {  	[sflag:s15] =	ssyncadd.s32 $0xFFFFF000  }
0x121: {  	_ =	swait.ge [sflag:s15], $0x1000  }
0x122: {  	[sflag:s15] =	ssyncset.done $0x0  }
0x123: {  	[sflag:s15] =	ssyncadd.s32 $0xFFFFF000  }
0x124: {  	_ =	swait.ge [sflag:s15], $0x1000  }
0x125: {  	[sflag:s15] =	ssyncset.done $0x0  }
0x126: {  	[sflag:s15] =	ssyncadd.s32 $0xFFFFF000  }
0x127: {  	_ =	swait.ge [sflag:s15], $0x1000  }
0x128: {  	[sflag:s15] =	ssyncset.done $0x0  }
0x129: {  	[sflag:s15] =	ssyncadd.s32 $0xFFFFF000  }
0x12a: {  	_ =	swait.ge [sflag:s15], $0x1000  }
0x12b: {  	[sflag:s15] =	ssyncset.done $0x0  }
0x12c: {  	[sflag:s15] =	ssyncadd.s32 $0xFFFFF000  }
0x12d: {  	_ =	swait.ge [sflag:s15], $0x1000  }
0x12e: {  	[sflag:s15] =	ssyncset.done $0x0  }
0x12f: {  	[sflag:s15] =	ssyncadd.s32 $0xFFFFF000  }
0x130: {  	_ =	swait.ge [sflag:s15], $0x1000  }
0x131: {  	[sflag:s15] =	ssyncset.done $0x0  }
0x132: {  	[sflag:s15] =	ssyncadd.s32 $0xFFFFF000  }
0x133: {  	_ =	swait.ge [sflag:s15], $0x1000  }
0x134: {  	s17 =	sadd.s32 $0x1, s17;
	s2 =	rddreg [dreg:$0x19]  }
0x135: {  	p0 =	sne.s32 s17, s2  }
.Ltmp1:
0x136: {  	_ = 	snop;
	(pc) =	sbr.rel @p0 .LBB2_1-.Ltmp1, $3  }
0x137: {  	_ =	sdelay $0x1  }
0x138: {  	[sflag:s15] =	ssyncset.done $0x0  }
0x139: {  	s19 =	simm.s32 $0x4;
	[sflag:s15] =	ssyncadd.s32 $0xFFFFF000  }
0x13a: {  	_ =	sfence.sel $0x180000  }
0x13b: {  	[bflag:$0x0] =	sbarrier.arrive $0xFFFF  }
0x13c: {  	_ =	strace $0x90000047  }
0x13d: {  	s0 =	stileid.u32;
	[bflag:$0x2] =	sbarrier.arrive $0xFFFF  }
0x13e: {  	p0 =	sne.s32 s0, $0x0;
	s0 =	rddreg [dreg:$0x5]  }
0x13f: {  	s0 =	sadd.s32 @!p0 $0x100000, s0  }
0x140: {  	[sflag:s0] =	ssyncadd.tile.s32 @!p0 $0x1;
	_ =	shalt  }
.Lfunc_end2:
_tile_overlayer_lowered:
.L_overlay_start_2:
0x141: {  	(tag) =	ssettag $0x2  }
0x142: {  	s0 =	rddreg [dreg:$0x0];
	s2 =	stileid.u32  }
0x143: {  	s1 =	rddreg [dreg:$0x1];
	p0 =	sne.s32 s2, $0x0  }
0x144: {  	s3 =	rddreg [dreg:$0x2];
	[bflag:$0x3] =	sbarrier.arrive $0xFFFF;
	s2 =	simm.s32 @!p0 $0x1C04  }
0x145: {  	[timem:s3], [sflag:s2] =	dma.local @!p0 [hbm:s0], s1  }
0x146: {  	s0 =	simm.s32 @!p0 $0x4  }
0x147: {  	_ =	swait.ge @!p0 [sflag:s0], s1  }
0x148: {  	s1 =	ssub.s32 @!p0 $0x0, s1;
	[sflag:s0] =	ssyncset.done @!p0 $0x0  }
0x149: {  	[sflag:s0] =	ssyncadd.s32 @!p0 s1  }
0x14a: {  	[bflag:$0x3] =	sbarrier.arrive $0xFFFF  }
0x14b: {  	_ =	shalt  }

</sc_bundles>
